<compile_context>
chip_gen: v7x
topology: tpu7x:2x2x1
jax: 0.10.2.dev20260603
libtpu: 0.0.44.dev20260713+nightly
codegen_flags: <defaults>
</compile_context>

<pallas_src>
import functools

import jax
import jax.numpy as jnp
from jax import lax
from jax.experimental import pallas as pl
from jax.experimental.pallas import tpu as pltpu
from jax.experimental.pallas import tpu_sc as plsc

N_NODES = 10000
N_EDGES = 160000
D = 256

NC = 2
NS = 16
NPAD = 10240
HALF = NPAD // NC
TRASH = HALF
ROWS_PER_TILE = HALF // NS

CHUNK = 128
EPT = 10240
NCHUNK = EPT // CHUNK
EDGES_PAD = NS * EPT

PAD_BIN = 10100

DEG_SLICE = NPAD // NS

_mesh = plsc.VectorSubcoreMesh(
    core_axis_name="c", subcore_axis_name="s", num_cores=NC, num_subcores=NS
)


def _fill_1d(ref, n, value):
    def body(k, _):
        ref[pl.ds(k * 16, 16)] = jnp.full((16,), value, ref.dtype)
        return 0
    lax.fori_loop(0, n // 16, body, 0)


def _deg_body(ends_hbm, deg_out, idx_v, ones_v, zero_v, bounce_v, deg_sh):
    c = lax.axis_index("c")
    s = lax.axis_index("s")
    wid = c * NS + s
    _fill_1d(ones_v, CHUNK, 1.0)
    _fill_1d(zero_v, DEG_SLICE, 0.0)
    pltpu.sync_copy(zero_v, deg_sh.at[pl.ds(s * DEG_SLICE, DEG_SLICE)])
    plsc.subcore_barrier()
    pltpu.sync_copy(ends_hbm.at[wid], idx_v)

    def chunk(j, _):
        pltpu.sync_copy(ones_v, deg_sh.at[idx_v.at[j]], add=True)
        return 0
    lax.fori_loop(0, NCHUNK, chunk, 0)
    plsc.subcore_barrier()
    pltpu.sync_copy(deg_sh.at[pl.ds(s * DEG_SLICE, DEG_SLICE)], bounce_v)
    pltpu.sync_copy(bounce_v, deg_out.at[c, pl.ds(s * DEG_SLICE, DEG_SLICE)])


_deg_call = pl.kernel(
    _deg_body,
    out_type=jax.ShapeDtypeStruct((NC, NPAD), jnp.float32),
    mesh=_mesh,
    scratch_types=[
        pltpu.VMEM((NCHUNK, CHUNK), jnp.int32),
        pltpu.VMEM((CHUNK,), jnp.float32),
        pltpu.VMEM((DEG_SLICE,), jnp.float32),
        pltpu.VMEM((DEG_SLICE,), jnp.float32),
        pltpu.VMEM_SHARED((NPAD,), jnp.float32),
    ],
)


DH = D // NC
AGG_ROWS = NPAD + 8
NROWS_TILE = NPAD // NS


NHALF = NCHUNK // 2


def _scat_body(h_hbm, src_hbm, dst_hbm, out_hbm,
               src_v, dst_v, buf0, buf1, agg_sh, sem0, sem1, sem2):
    c = lax.axis_index("c")
    s = lax.axis_index("s")
    hh = h_hbm.at[c]

    def zrow(r, _):
        def zcol(k, _):
            buf0[r, pl.ds(k * 16, 16)] = jnp.zeros((16,), jnp.float32)
            return 0
        lax.fori_loop(0, DH // 16, zcol, 0)
        return 0
    lax.fori_loop(0, CHUNK, zrow, 0)
    for k in range(NROWS_TILE // CHUNK):
        pltpu.sync_copy(
            buf0, agg_sh.at[pl.ds(s * NROWS_TILE + k * CHUNK, CHUNK)])
    plsc.subcore_barrier()

    for half in range(2):
        pltpu.sync_copy(src_hbm.at[s, pl.ds(half * NHALF, NHALF)], src_v)
        pltpu.sync_copy(dst_hbm.at[s, pl.ds(half * NHALF, NHALF)], dst_v)

        def pair(p, _):
            j0 = 2 * p
            j1 = j0 + 1
            g0 = pltpu.async_copy(hh.at[src_v.at[j0]], buf0, sem0)
            g1 = pltpu.async_copy(hh.at[src_v.at[j1]], buf1, sem1)
            g0.wait()
            s0 = pltpu.async_copy(buf0, agg_sh.at[dst_v.at[j0]], sem2,
                                  add=True)
            g1.wait()
            s0.wait()
            pltpu.sync_copy(buf1, agg_sh.at[dst_v.at[j1]], add=True)
            return 0
        lax.fori_loop(0, NHALF // 2, pair, 0)
    plsc.subcore_barrier()

    pltpu.sync_copy(agg_sh.at[pl.ds(s * NROWS_TILE, NROWS_TILE)],
                    out_hbm.at[c].at[pl.ds(s * NROWS_TILE, NROWS_TILE)])


_scat_call = pl.kernel(
    _scat_body,
    out_type=jax.ShapeDtypeStruct((NC, NPAD, DH), jnp.float32),
    mesh=_mesh,
    scratch_types=[
        pltpu.VMEM((NHALF, CHUNK), jnp.int32),
        pltpu.VMEM((NHALF, CHUNK), jnp.int32),
        pltpu.VMEM((CHUNK, DH), jnp.float32),
        pltpu.VMEM((CHUNK, DH), jnp.float32),
        pltpu.VMEM_SHARED((AGG_ROWS, DH), jnp.float32),
        pltpu.SemaphoreType.DMA,
        pltpu.SemaphoreType.DMA,
        pltpu.SemaphoreType.DMA,
    ],
)


ROWS_BLK = 1024
GRID = NPAD // ROWS_BLK


def _dinv_from(degp):
    deg = 0.5 * (degp[0, :] + degp[1, :])
    return jnp.where(deg > 0, lax.rsqrt(jnp.maximum(deg, 1e-12)), 0.0)


def _split_cols(h, ref):
    ref[0] = h[:, :DH]
    ref[1] = h[:, DH:]


def _join_cols(ref):
    return jnp.concatenate([ref[0], ref[1]], axis=-1)


def _tc_a_body(x_ref, w1_ref, w2_ref, b_ref, degp_ref, h1s_ref, xw2_ref):
    dinv = _dinv_from(degp_ref[...])
    x = x_ref[...]
    h1 = jnp.dot(x, w1_ref[...], preferred_element_type=jnp.float32)
    _split_cols(h1 * dinv[:, None], h1s_ref)
    xw2_ref[...] = (
        jnp.dot(x, w2_ref[...], preferred_element_type=jnp.float32)
        + b_ref[...]
    )


def _tc_b_body(agg_ref, degp_ref, xw2_ref, w1_ref, w2_ref, b_ref,
               h2s_ref, hw2_ref):
    dinv = _dinv_from(degp_ref[...])
    h = _join_cols(agg_ref) * dinv[:, None] + xw2_ref[...]
    h = jnp.where(h > 0, h, 0.2 * h)
    h2 = jnp.dot(h, w1_ref[...], preferred_element_type=jnp.float32)
    _split_cols(h2 * dinv[:, None], h2s_ref)
    hw2_ref[...] = (
        jnp.dot(h, w2_ref[...], preferred_element_type=jnp.float32)
        + b_ref[...]
    )


def _tc_c_body(agg_ref, degp_ref, hw2_ref, wc_ref, bc_ref, out_ref):
    dinv = _dinv_from(degp_ref[...])
    h = _join_cols(agg_ref) * dinv[:, None] + hw2_ref[...]
    h = jnp.where(h > 0, h, 0.2 * h)
    logits = (
        jnp.dot(h, wc_ref[...], preferred_element_type=jnp.float32)
        + bc_ref[...]
    )
    m = jnp.max(logits, axis=-1, keepdims=True)
    e = jnp.exp(logits - m)
    out_ref[...] = e / jnp.sum(e, axis=-1, keepdims=True)


def _row_spec(width):
    return pl.BlockSpec((ROWS_BLK, width), lambda i: (i, 0))


def _full(shape):
    return pl.BlockSpec(shape, lambda i: tuple(0 for _ in shape))


_DEGP_SPEC = pl.BlockSpec((NC, ROWS_BLK), lambda i: (0, i))
_SPLIT_SPEC = pl.BlockSpec((NC, ROWS_BLK, DH), lambda i: (0, i, 0))
_SPLIT_SHAPE = jax.ShapeDtypeStruct((NC, NPAD, DH), jnp.float32)


def _tc_a(x, w1, w2, b, degp):
    return pl.pallas_call(
        _tc_a_body,
        grid=(GRID,),
        in_specs=[_row_spec(D), _full((D, D)), _full((D, D)),
                  _full((1, D)), _DEGP_SPEC],
        out_specs=[_SPLIT_SPEC, _row_spec(D)],
        out_shape=[_SPLIT_SHAPE,
                   jax.ShapeDtypeStruct((NPAD, D), jnp.float32)],
    )(x, w1, w2, b, degp)


def _tc_b(agg, degp, xw2, w1, w2, b):
    return pl.pallas_call(
        _tc_b_body,
        grid=(GRID,),
        in_specs=[_SPLIT_SPEC, _DEGP_SPEC, _row_spec(D),
                  _full((D, D)), _full((D, D)), _full((1, D))],
        out_specs=[_SPLIT_SPEC, _row_spec(D)],
        out_shape=[_SPLIT_SHAPE,
                   jax.ShapeDtypeStruct((NPAD, D), jnp.float32)],
    )(agg, degp, xw2, w1, w2, b)


def _tc_c(agg, degp, hw2, wc, bc, n_class):
    return pl.pallas_call(
        _tc_c_body,
        grid=(GRID,),
        in_specs=[_SPLIT_SPEC, _DEGP_SPEC, _row_spec(D),
                  _full((D, n_class)), _full((1, n_class))],
        out_specs=_row_spec(n_class),
        out_shape=jax.ShapeDtypeStruct((NPAD, n_class), jnp.float32),
    )(agg, degp, hw2, wc, bc)


def kernel(x, edge_index, edge_attr, i, W1a, W2a, ba, W1b, W2b, bb, Wc, bc):
    n_class = Wc.shape[1]
    src = edge_index[0]
    dst = edge_index[1]

    n_ends = 2 * N_EDGES
    ends_pad_n = NC * NS * EPT
    ends = jnp.concatenate(
        [src, dst,
         jnp.full((ends_pad_n - n_ends,), PAD_BIN, jnp.int32)]
    ).reshape(NC * NS, NCHUNK, CHUNK)

    src_p = jnp.concatenate(
        [src, jnp.zeros((EDGES_PAD - N_EDGES,), jnp.int32)]
    ).reshape(NS, NCHUNK, CHUNK)
    dst_p = jnp.concatenate(
        [dst, jnp.full((EDGES_PAD - N_EDGES,), NPAD, jnp.int32)]
    ).reshape(NS, NCHUNK, CHUNK)

    x_pad = jnp.zeros((NPAD, D), jnp.float32).at[:N_NODES].set(x)
    b_a = ba.reshape(1, D)
    b_b = bb.reshape(1, D)
    b_c = bc.reshape(1, n_class)

    degp = _deg_call(ends)
    h1s, xw2 = _tc_a(x_pad, W1a, W2a, b_a, degp)
    agg_a = _scat_call(h1s, src_p, dst_p)
    h2s, hw2 = _tc_b(agg_a, degp, xw2, W1b, W2b, b_b)
    agg_b = _scat_call(h2s, src_p, dst_p)
    out = _tc_c(agg_b, degp, hw2, Wc, b_c, n_class)
    return out[:N_NODES]

# --- scband reference (transcript-rebuilt; emitter-appended) ---
"""Pipeline reference for scband-gnn-6442450944110 (READ-ONLY COPY).

The authoritative reference and input builder live on the scoring server;
editing this copy changes nothing except your own understanding.
"""

import jax, jax.numpy as jnp
import numpy as np

N_NODES = 10000
N_EDGES = 160000
D_FEAT = 256
HIDDEN = 256
N_CLASS = 2
D_EDGE = 16


def setup_inputs(seed: int = 0) -> dict:
    key = jax.random.key(seed)
    ks = jax.random.split(key, 12)
    x = jax.random.normal(ks[0], (N_NODES, D_FEAT), dtype=jnp.float32)
    edge_index = jax.random.randint(ks[1], (2, N_EDGES), 0, N_NODES, dtype=jnp.int64 if jax.config.jax_enable_x64 else jnp.int32).astype(jnp.int32)
    edge_attr = jax.random.normal(ks[2], (N_EDGES, D_EDGE), dtype=jnp.float32)
    i = jnp.zeros((N_NODES,), dtype=jnp.int32)
    s = 1.0 / np.sqrt(D_FEAT)
    W1a = jax.random.normal(ks[3], (D_FEAT, HIDDEN), dtype=jnp.float32) * s
    W2a = jax.random.normal(ks[4], (D_FEAT, HIDDEN), dtype=jnp.float32) * s
    ba = jnp.zeros((HIDDEN,), dtype=jnp.float32)
    s2 = 1.0 / np.sqrt(HIDDEN)
    W1b = jax.random.normal(ks[5], (HIDDEN, HIDDEN), dtype=jnp.float32) * s2
    W2b = jax.random.normal(ks[6], (HIDDEN, HIDDEN), dtype=jnp.float32) * s2
    bb = jnp.zeros((HIDDEN,), dtype=jnp.float32)
    Wc = jax.random.normal(ks[7], (HIDDEN, N_CLASS), dtype=jnp.float32) * s2
    bc = jnp.zeros((N_CLASS,), dtype=jnp.float32)
    return {"x": x, "edge_index": edge_index, "edge_attr": edge_attr, "i": i,
            "W1a": W1a, "W2a": W2a, "ba": ba,
            "W1b": W1b, "W2b": W2b, "bb": bb,
            "Wc": Wc, "bc": bc}


def _edge_norm(edge_index, n_nodes):
    src = edge_index[0]
    dst = edge_index[1]
    ones = jnp.ones((edge_index.shape[1],), dtype=jnp.float32)
    deg = jnp.zeros((n_nodes,), dtype=jnp.float32).at[dst].add(ones)
    deg = deg + jnp.zeros((n_nodes,), dtype=jnp.float32).at[src].add(ones)
    deg = deg * 0.5
    dinv = jnp.where(deg > 0, 1.0 / jnp.sqrt(jnp.maximum(deg, 1e-12)), 0.0)
    return dinv[src] * dinv[dst], src, dst


def _gcs_conv(x, src, dst, norm, W1, W2, b, n_nodes):
    # GCSConv: A_norm @ (x W1) + x W2 + b
    h = x @ W1
    msg = h[src] * norm[:, None]
    agg = jnp.zeros((n_nodes, h.shape[1]), dtype=h.dtype).at[dst].add(msg)
    return agg + x @ W2 + b


def reference(x, edge_index, edge_attr, i, W1a, W2a, ba, W1b, W2b, bb, Wc, bc):
    n_nodes = x.shape[0]
    norm, src, dst = _edge_norm(edge_index, n_nodes)
    H = _gcs_conv(x, src, dst, norm, W1a, W2a, ba, n_nodes)
    H = jnp.where(H > 0, H, 0.2 * H)  # LeakyReLU(alpha=0.2)
    H = _gcs_conv(H, src, dst, norm, W1b, W2b, bb, n_nodes)
    H = jnp.where(H > 0, H, 0.2 * H)
    logits = H @ Wc + bc
    classes = jax.nn.softmax(logits, axis=-1)
    return classes

if __name__ == "__main__":
    import jax
    _d = setup_inputs()
    print(jax.jit(kernel)(*tuple(_d.values())))

</pallas_src>

<mosaic_0001>
#map = affine_map<(d0, d1) -> (0, 0, 0)>
#map1 = affine_map<(d0, d1) -> (0, 0)>
module attributes {stable_mosaic.version = 14 : i64} {
  func.func @_deg_body(%arg0: i32, %arg1: i32, %arg2: memref<32x80x128xi32, #tpu.memory_space<hbm>>, %arg3: memref<2x10240xf32, #tpu.memory_space<hbm>>, %arg4: memref<80x128xi32, #tpu.memory_space<vmem>>, %arg5: memref<128xf32, #tpu.memory_space<vmem>>, %arg6: memref<640xf32, #tpu.memory_space<vmem>>, %arg7: memref<640xf32, #tpu.memory_space<vmem>>, %arg8: memref<10240xf32, #tpu.memory_space<vmem_shared>>) attributes {dimension_semantics = [#tpu.dimension_semantics<core_parallel>, #tpu.dimension_semantics<subcore_parallel>], iteration_bounds = array<i64: 2, 16>, scalar_prefetch = 0 : i64, scratch_operands = 5 : i64, tpu.core_type = #tpu.core_type<sc_vector_subcore>, window_params = [{transform_indices = #map}, {transform_indices = #map1}]} {
    %mul3A = arith.constant 16 : i32
    %mul3A_0 = arith.muli %arg0, %mul3A : i32
    %add3A = arith.addi %mul3A_0, %arg1 : i32
    %scan3A = arith.constant 0 : i32
    %scan3A_1 = arith.constant 0 : i32
    %scan3A_2 = arith.constant 8 : i32
    %scan3A_3 = arith.addi %scan3A_1, %scan3A_2 : i32
    %scan3A_4 = arith.constant 1 : i32
    %scan3A_5 = scf.for %scan3A_28 = %scan3A_1 to %scan3A_3 step %scan3A_4 iter_args(%scan3A_29 = %scan3A) -> (i32)  : i32 {
      %broadcast_in_dim3A = arith.constant 1.000000e+00 : f32
      %broadcast_in_dim3A_30 = vector.broadcast %broadcast_in_dim3A : f32 to vector<16xf32>
      %mul3A_31 = arith.constant 16 : i32
      %mul3A_32 = arith.muli %scan3A_28, %mul3A_31 : i32
      %swap3A = arith.index_cast %mul3A_32 : i32 to index
      %swap3A_33 = tpu.vector_load %arg5[%swap3A] {strides = array<i32>} : memref<128xf32, #tpu.memory_space<vmem>>, vector<16xf32>,
      %swap3A_34 = vector.shape_cast %swap3A_33 : vector<16xf32> to vector<16xf32>
      %swap3A_35 = vector.shape_cast %broadcast_in_dim3A_30 : vector<16xf32> to vector<16xf32>
      tpu.vector_store %arg5[%swap3A], %swap3A_35 {strides = array<i32>} : memref<128xf32, #tpu.memory_space<vmem>>, vector<16xf32>,
      %scan3A_36 = arith.constant 0 : i32
      scf.yield %scan3A_36 : i32
    }
    %scan3A_6 = arith.constant 8 : i32
    %scan3A_7 = arith.constant 0 : i32
    %scan3A_8 = arith.constant 0 : i32
    %scan3A_9 = arith.constant 40 : i32
    %scan3A_10 = arith.addi %scan3A_8, %scan3A_9 : i32
    %scan3A_11 = arith.constant 1 : i32
    %scan3A_12 = scf.for %scan3A_28 = %scan3A_8 to %scan3A_10 step %scan3A_11 iter_args(%scan3A_29 = %scan3A_7) -> (i32)  : i32 {
      %broadcast_in_dim3A = arith.constant 0.000000e+00 : f32
      %broadcast_in_dim3A_30 = vector.broadcast %broadcast_in_dim3A : f32 to vector<16xf32>
      %mul3A_31 = arith.constant 16 : i32
      %mul3A_32 = arith.muli %scan3A_28, %mul3A_31 : i32
      %swap3A = arith.index_cast %mul3A_32 : i32 to index
      %swap3A_33 = tpu.vector_load %arg6[%swap3A] {strides = array<i32>} : memref<640xf32, #tpu.memory_space<vmem>>, vector<16xf32>,
      %swap3A_34 = vector.shape_cast %swap3A_33 : vector<16xf32> to vector<16xf32>
      %swap3A_35 = vector.shape_cast %broadcast_in_dim3A_30 : vector<16xf32> to vector<16xf32>
      tpu.vector_store %arg6[%swap3A], %swap3A_35 {strides = array<i32>} : memref<640xf32, #tpu.memory_space<vmem>>, vector<16xf32>,
      %scan3A_36 = arith.constant 0 : i32
      scf.yield %scan3A_36 : i32
    }
    %scan3A_13 = arith.constant 40 : i32
    %mul3A_14 = arith.constant 640 : i32
    %mul3A_15 = arith.muli %arg1, %mul3A_14 : i32
    "tpu.region"() ({
      %run_scoped3A = tpu.sem_alloc : memref<!tpu.dma_semaphore, #tpu.memory_space<semaphore_mem>>
      %dma_start3A = tpu.memref_slice %arg8[%mul3A_15] : memref<10240xf32, #tpu.memory_space<vmem_shared>> -> memref<640xf32, #tpu.memory_space<vmem_shared>>
      %dma_start3A_28 = tpu.memref_slice %arg8[%mul3A_15] : memref<10240xf32, #tpu.memory_space<vmem_shared>> -> memref<640xf32, #tpu.memory_space<vmem_shared>>
      tpu.enqueue_dma source(%arg6 : memref<640xf32, #tpu.memory_space<vmem>>) target(%dma_start3A_28 : memref<640xf32, #tpu.memory_space<vmem_shared>>) target_semaphore(%run_scoped3A : memref<!tpu.dma_semaphore, #tpu.memory_space<semaphore_mem>>)
      %dma_wait3A = tpu.memref_slice %arg8[%mul3A_15] : memref<10240xf32, #tpu.memory_space<vmem_shared>> -> memref<640xf32, #tpu.memory_space<vmem_shared>>
      %dma_wait3A_29 = tpu.memref_slice %arg8[%mul3A_15] : memref<10240xf32, #tpu.memory_space<vmem_shared>> -> memref<640xf32, #tpu.memory_space<vmem_shared>>
      tpu.wait_dma2 semaphore(%run_scoped3A : memref<!tpu.dma_semaphore, #tpu.memory_space<semaphore_mem>>) src(%arg6 : memref<640xf32, #tpu.memory_space<vmem>>) dst(%dma_wait3A_29 : memref<640xf32, #tpu.memory_space<vmem_shared>>)
      tpu.yield
    }) : () -> ()
    %barrier3A = arith.constant 0 : index
    tpu.barrier barrier_id(%barrier3A)
    "tpu.region"() ({
      %run_scoped3A = tpu.sem_alloc : memref<!tpu.dma_semaphore, #tpu.memory_space<semaphore_mem>>
      %dma_start3A = arith.constant 0 : i32
      %dma_start3A_28 = arith.constant 0 : i32
      %dma_start3A_29 = tpu.memref_slice %arg2[%add3A, %dma_start3A, %dma_start3A_28] : memref<32x80x128xi32, #tpu.memory_space<hbm>> -> memref<1x80x128xi32, #tpu.memory_space<hbm>>
      %dma_start3A_30 = tpu.memref_squeeze %dma_start3A_29 : memref<1x80x128xi32, #tpu.memory_space<hbm>> -> memref<80x128xi32, #tpu.memory_space<hbm>>
      %dma_start3A_31 = arith.constant 0 : i32
      %dma_start3A_32 = arith.constant 0 : i32
      %dma_start3A_33 = tpu.memref_slice %arg2[%add3A, %dma_start3A_31, %dma_start3A_32] : memref<32x80x128xi32, #tpu.memory_space<hbm>> -> memref<1x80x128xi32, #tpu.memory_space<hbm>>
      %dma_start3A_34 = tpu.memref_squeeze %dma_start3A_33 : memref<1x80x128xi32, #tpu.memory_space<hbm>> -> memref<80x128xi32, #tpu.memory_space<hbm>>
      tpu.enqueue_dma source(%dma_start3A_34 : memref<80x128xi32, #tpu.memory_space<hbm>>) target(%arg4 : memref<80x128xi32, #tpu.memory_space<vmem>>) target_semaphore(%run_scoped3A : memref<!tpu.dma_semaphore, #tpu.memory_space<semaphore_mem>>)
      %dma_wait3A = arith.constant 0 : i32
      %dma_wait3A_35 = arith.constant 0 : i32
      %dma_wait3A_36 = tpu.memref_slice %arg2[%add3A, %dma_wait3A, %dma_wait3A_35] : memref<32x80x128xi32, #tpu.memory_space<hbm>> -> memref<1x80x128xi32, #tpu.memory_space<hbm>>
      %dma_wait3A_37 = tpu.memref_squeeze %dma_wait3A_36 : memref<1x80x128xi32, #tpu.memory_space<hbm>> -> memref<80x128xi32, #tpu.memory_space<hbm>>
      %dma_wait3A_38 = arith.constant 0 : i32
      %dma_wait3A_39 = arith.constant 0 : i32
      %dma_wait3A_40 = tpu.memref_slice %arg2[%add3A, %dma_wait3A_38, %dma_wait3A_39] : memref<32x80x128xi32, #tpu.memory_space<hbm>> -> memref<1x80x128xi32, #tpu.memory_space<hbm>>
      %dma_wait3A_41 = tpu.memref_squeeze %dma_wait3A_40 : memref<1x80x128xi32, #tpu.memory_space<hbm>> -> memref<80x128xi32, #tpu.memory_space<hbm>>
      tpu.wait_dma2 semaphore(%run_scoped3A : memref<!tpu.dma_semaphore, #tpu.memory_space<semaphore_mem>>) src(%dma_wait3A_41 : memref<80x128xi32, #tpu.memory_space<hbm>>) dst(%arg4 : memref<80x128xi32, #tpu.memory_space<vmem>>)
      tpu.yield
    }) : () -> ()
    %scan3A_16 = arith.constant 0 : i32
    %scan3A_17 = arith.constant 0 : i32
    %scan3A_18 = arith.constant 80 : i32
    %scan3A_19 = arith.addi %scan3A_17, %scan3A_18 : i32
    %scan3A_20 = arith.constant 1 : i32
    %scan3A_21 = scf.for %scan3A_28 = %scan3A_17 to %scan3A_19 step %scan3A_20 iter_args(%scan3A_29 = %scan3A_16) -> (i32)  : i32 {
      "tpu.region"() ({
        %run_scoped3A = tpu.sem_alloc : memref<!tpu.dma_semaphore, #tpu.memory_space<semaphore_mem>>
        %dma_start3A = arith.constant 0 : i32
        %dma_start3A_31 = tpu.memref_slice %arg4[%scan3A_28, %dma_start3A] : memref<80x128xi32, #tpu.memory_space<vmem>> -> memref<1x128xi32, #tpu.memory_space<vmem>>
        %dma_start3A_32 = tpu.memref_squeeze %dma_start3A_31 : memref<1x128xi32, #tpu.memory_space<vmem>> -> memref<128xi32, #tpu.memory_space<vmem>>
        %dma_start3A_33 = arith.constant 0 : i32
        %dma_start3A_34 = tpu.memref_slice %arg8[%dma_start3A_33] : memref<10240xf32, #tpu.memory_space<vmem_shared>> -> memref<10240xf32, #tpu.memory_space<vmem_shared>>
        tpu.enqueue_indirect_dma source(%arg5 : memref<128xf32, #tpu.memory_space<vmem>>) target(%dma_start3A_34 : memref<10240xf32, #tpu.memory_space<vmem_shared>>) offsets(%dma_start3A_32 : memref<128xi32, #tpu.memory_space<vmem>>) semaphore(%run_scoped3A : memref<!tpu.dma_semaphore, #tpu.memory_space<semaphore_mem>>) {add = true}
        %dma_wait3A = arith.constant 0 : i32
        %dma_wait3A_35 = tpu.memref_slice %arg4[%scan3A_28, %dma_wait3A] : memref<80x128xi32, #tpu.memory_space<vmem>> -> memref<1x128xi32, #tpu.memory_space<vmem>>
        %dma_wait3A_36 = tpu.memref_squeeze %dma_wait3A_35 : memref<1x128xi32, #tpu.memory_space<vmem>> -> memref<128xi32, #tpu.memory_space<vmem>>
        %dma_wait3A_37 = arith.constant 0 : i32
        %dma_wait3A_38 = tpu.memref_slice %arg8[%dma_wait3A_37] : memref<10240xf32, #tpu.memory_space<vmem_shared>> -> memref<10240xf32, #tpu.memory_space<vmem_shared>>
        tpu.wait_indirect_dma semaphore(%run_scoped3A : memref<!tpu.dma_semaphore, #tpu.memory_space<semaphore_mem>>) src(%arg5 : memref<128xf32, #tpu.memory_space<vmem>>) dst(%dma_wait3A_38 : memref<10240xf32, #tpu.memory_space<vmem_shared>>)
        tpu.yield
      }) : () -> ()
      %scan3A_30 = arith.constant 0 : i32
      scf.yield %scan3A_30 : i32
    }
    %scan3A_22 = arith.constant 80 : i32
    %barrier3A_23 = arith.constant 0 : index
    tpu.barrier barrier_id(%barrier3A_23)
    %mul3A_24 = arith.constant 640 : i32
    %mul3A_25 = arith.muli %arg1, %mul3A_24 : i32
    "tpu.region"() ({
      %run_scoped3A = tpu.sem_alloc : memref<!tpu.dma_semaphore, #tpu.memory_space<semaphore_mem>>
      %dma_start3A = tpu.memref_slice %arg8[%mul3A_25] : memref<10240xf32, #tpu.memory_space<vmem_shared>> -> memref<640xf32, #tpu.memory_space<vmem_shared>>
      %dma_start3A_28 = tpu.memref_slice %arg8[%mul3A_25] : memref<10240xf32, #tpu.memory_space<vmem_shared>> -> memref<640xf32, #tpu.memory_space<vmem_shared>>
      tpu.enqueue_dma source(%dma_start3A_28 : memref<640xf32, #tpu.memory_space<vmem_shared>>) target(%arg7 : memref<640xf32, #tpu.memory_space<vmem>>) target_semaphore(%run_scoped3A : memref<!tpu.dma_semaphore, #tpu.memory_space<semaphore_mem>>)
      %dma_wait3A = tpu.memref_slice %arg8[%mul3A_25] : memref<10240xf32, #tpu.memory_space<vmem_shared>> -> memref<640xf32, #tpu.memory_space<vmem_shared>>
      %dma_wait3A_29 = tpu.memref_slice %arg8[%mul3A_25] : memref<10240xf32, #tpu.memory_space<vmem_shared>> -> memref<640xf32, #tpu.memory_space<vmem_shared>>
      tpu.wait_dma2 semaphore(%run_scoped3A : memref<!tpu.dma_semaphore, #tpu.memory_space<semaphore_mem>>) src(%dma_wait3A_29 : memref<640xf32, #tpu.memory_space<vmem_shared>>) dst(%arg7 : memref<640xf32, #tpu.memory_space<vmem>>)
      tpu.yield
    }) : () -> ()
    %mul3A_26 = arith.constant 640 : i32
    %mul3A_27 = arith.muli %arg1, %mul3A_26 : i32
    "tpu.region"() ({
      %run_scoped3A = tpu.sem_alloc : memref<!tpu.dma_semaphore, #tpu.memory_space<semaphore_mem>>
      %dma_start3A = tpu.memref_slice %arg3[%arg0, %mul3A_27] : memref<2x10240xf32, #tpu.memory_space<hbm>> -> memref<1x640xf32, #tpu.memory_space<hbm>>
      %dma_start3A_28 = tpu.memref_squeeze %dma_start3A : memref<1x640xf32, #tpu.memory_space<hbm>> -> memref<640xf32, #tpu.memory_space<hbm>>
      %dma_start3A_29 = tpu.memref_slice %arg3[%arg0, %mul3A_27] : memref<2x10240xf32, #tpu.memory_space<hbm>> -> memref<1x640xf32, #tpu.memory_space<hbm>>
      %dma_start3A_30 = tpu.memref_squeeze %dma_start3A_29 : memref<1x640xf32, #tpu.memory_space<hbm>> -> memref<640xf32, #tpu.memory_space<hbm>>
      tpu.enqueue_dma source(%arg7 : memref<640xf32, #tpu.memory_space<vmem>>) target(%dma_start3A_30 : memref<640xf32, #tpu.memory_space<hbm>>) target_semaphore(%run_scoped3A : memref<!tpu.dma_semaphore, #tpu.memory_space<semaphore_mem>>)
      %dma_wait3A = tpu.memref_slice %arg3[%arg0, %mul3A_27] : memref<2x10240xf32, #tpu.memory_space<hbm>> -> memref<1x640xf32, #tpu.memory_space<hbm>>
      %dma_wait3A_31 = tpu.memref_squeeze %dma_wait3A : memref<1x640xf32, #tpu.memory_space<hbm>> -> memref<640xf32, #tpu.memory_space<hbm>>
      %dma_wait3A_32 = tpu.memref_slice %arg3[%arg0, %mul3A_27] : memref<2x10240xf32, #tpu.memory_space<hbm>> -> memref<1x640xf32, #tpu.memory_space<hbm>>
      %dma_wait3A_33 = tpu.memref_squeeze %dma_wait3A_32 : memref<1x640xf32, #tpu.memory_space<hbm>> -> memref<640xf32, #tpu.memory_space<hbm>>
      tpu.wait_dma2 semaphore(%run_scoped3A : memref<!tpu.dma_semaphore, #tpu.memory_space<semaphore_mem>>) src(%arg7 : memref<640xf32, #tpu.memory_space<vmem>>) dst(%dma_wait3A_33 : memref<640xf32, #tpu.memory_space<hbm>>)
      tpu.yield
    }) : () -> ()
    return
  }
}

#map = affine_map<(d0, d1) -> (0, 0, 0)>
module attributes {stable_mosaic.version = 14 : i64} {
  func.func @_scat_body(%arg0: i32, %arg1: i32, %arg2: memref<2x10240x128xf32, #tpu.memory_space<hbm>>, %arg3: memref<16x80x128xi32, #tpu.memory_space<hbm>>, %arg4: memref<16x80x128xi32, #tpu.memory_space<hbm>>, %arg5: memref<2x10240x128xf32, #tpu.memory_space<hbm>>, %arg6: memref<40x128xi32, #tpu.memory_space<vmem>>, %arg7: memref<40x128xi32, #tpu.memory_space<vmem>>, %arg8: memref<128x128xf32, #tpu.memory_space<vmem>>, %arg9: memref<128x128xf32, #tpu.memory_space<vmem>>, %arg10: memref<10248x128xf32, #tpu.memory_space<vmem_shared>>, %arg11: memref<!tpu.dma_semaphore, #tpu.memory_space<semaphore_mem>>, %arg12: memref<!tpu.dma_semaphore, #tpu.memory_space<semaphore_mem>>, %arg13: memref<!tpu.dma_semaphore, #tpu.memory_space<semaphore_mem>>) attributes {dimension_semantics = [#tpu.dimension_semantics<core_parallel>, #tpu.dimension_semantics<subcore_parallel>], iteration_bounds = array<i64: 2, 16>, scalar_prefetch = 0 : i64, scratch_operands = 8 : i64, tpu.core_type = #tpu.core_type<sc_vector_subcore>, window_params = [{transform_indices = #map}, {transform_indices = #map}, {transform_indices = #map}, {transform_indices = #map}]} {
    %scan3A = arith.constant 0 : i32
    %scan3A_0 = arith.constant 0 : i32
    %scan3A_1 = arith.constant 128 : i32
    %scan3A_2 = arith.addi %scan3A_0, %scan3A_1 : i32
    %scan3A_3 = arith.constant 1 : i32
    %scan3A_4 = scf.for %scan3A_43 = %scan3A_0 to %scan3A_2 step %scan3A_3 iter_args(%scan3A_44 = %scan3A) -> (i32)  : i32 {
      %scan3A_45 = arith.constant 0 : i32
      %scan3A_46 = arith.constant 0 : i32
      %scan3A_47 = arith.constant 8 : i32
      %scan3A_48 = arith.addi %scan3A_46, %scan3A_47 : i32
      %scan3A_49 = arith.constant 1 : i32
      %scan3A_50 = scf.for %scan3A_53 = %scan3A_46 to %scan3A_48 step %scan3A_49 iter_args(%scan3A_54 = %scan3A_45) -> (i32)  : i32 {
        %broadcast_in_dim3A = arith.constant 0.000000e+00 : f32
        %broadcast_in_dim3A_55 = vector.broadcast %broadcast_in_dim3A : f32 to vector<16xf32>
        %mul3A_56 = arith.constant 16 : i32
        %mul3A_57 = arith.muli %scan3A_53, %mul3A_56 : i32
        %swap3A = arith.index_cast %scan3A_43 : i32 to index
        %swap3A_58 = arith.index_cast %mul3A_57 : i32 to index
        %swap3A_59 = tpu.vector_load %arg8[%swap3A, %swap3A_58] {strides = array<i32>} : memref<128x128xf32, #tpu.memory_space<vmem>>, vector<1x16xf32>,
        %swap3A_60 = vector.shape_cast %swap3A_59 : vector<1x16xf32> to vector<16xf32>
        %swap3A_61 = vector.shape_cast %broadcast_in_dim3A_55 : vector<16xf32> to vector<1x16xf32>
        tpu.vector_store %arg8[%swap3A, %swap3A_58], %swap3A_61 {strides = array<i32>} : memref<128x128xf32, #tpu.memory_space<vmem>>, vector<1x16xf32>,
        %scan3A_62 = arith.constant 0 : i32
        scf.yield %scan3A_62 : i32
      }
      %scan3A_51 = arith.constant 8 : i32
      %scan3A_52 = arith.constant 0 : i32
      scf.yield %scan3A_52 : i32
    }
    %scan3A_5 = arith.constant 128 : i32
    %mul3A = arith.constant 640 : i32
    %mul3A_6 = arith.muli %arg1, %mul3A : i32
    %add3A = arith.constant 0 : i32
    %add3A_7 = arith.addi %mul3A_6, %add3A : i32
    "tpu.region"() ({
      %run_scoped3A = tpu.sem_alloc : memref<!tpu.dma_semaphore, #tpu.memory_space<semaphore_mem>>
      %dma_start3A = arith.constant 0 : i32
      %dma_start3A_43 = tpu.memref_slice %arg10[%add3A_7, %dma_start3A] : memref<10248x128xf32, #tpu.memory_space<vmem_shared>> -> memref<128x128xf32, #tpu.memory_space<vmem_shared>>
      %dma_start3A_44 = arith.constant 0 : i32
      %dma_start3A_45 = tpu.memref_slice %arg10[%add3A_7, %dma_start3A_44] : memref<10248x128xf32, #tpu.memory_space<vmem_shared>> -> memref<128x128xf32, #tpu.memory_space<vmem_shared>>
      tpu.enqueue_dma source(%arg8 : memref<128x128xf32, #tpu.memory_space<vmem>>) target(%dma_start3A_45 : memref<128x128xf32, #tpu.memory_space<vmem_shared>>) target_semaphore(%run_scoped3A : memref<!tpu.dma_semaphore, #tpu.memory_space<semaphore_mem>>)
      %dma_wait3A = arith.constant 0 : i32
      %dma_wait3A_46 = tpu.memref_slice %arg10[%add3A_7, %dma_wait3A] : memref<10248x128xf32, #tpu.memory_space<vmem_shared>> -> memref<128x128xf32, #tpu.memory_space<vmem_shared>>
      %dma_wait3A_47 = arith.constant 0 : i32
      %dma_wait3A_48 = tpu.memref_slice %arg10[%add3A_7, %dma_wait3A_47] : memref<10248x128xf32, #tpu.memory_space<vmem_shared>> -> memref<128x128xf32, #tpu.memory_space<vmem_shared>>
      tpu.wait_dma2 semaphore(%run_scoped3A : memref<!tpu.dma_semaphore, #tpu.memory_space<semaphore_mem>>) src(%arg8 : memref<128x128xf32, #tpu.memory_space<vmem>>) dst(%dma_wait3A_48 : memref<128x128xf32, #tpu.memory_space<vmem_shared>>)
      tpu.yield
    }) : () -> ()
    %mul3A_8 = arith.constant 640 : i32
    %mul3A_9 = arith.muli %arg1, %mul3A_8 : i32
    %add3A_10 = arith.constant 128 : i32
    %add3A_11 = arith.addi %mul3A_9, %add3A_10 : i32
    "tpu.region"() ({
      %run_scoped3A = tpu.sem_alloc : memref<!tpu.dma_semaphore, #tpu.memory_space<semaphore_mem>>
      %dma_start3A = arith.constant 0 : i32
      %dma_start3A_43 = tpu.memref_slice %arg10[%add3A_11, %dma_start3A] : memref<10248x128xf32, #tpu.memory_space<vmem_shared>> -> memref<128x128xf32, #tpu.memory_space<vmem_shared>>
      %dma_start3A_44 = arith.constant 0 : i32
      %dma_start3A_45 = tpu.memref_slice %arg10[%add3A_11, %dma_start3A_44] : memref<10248x128xf32, #tpu.memory_space<vmem_shared>> -> memref<128x128xf32, #tpu.memory_space<vmem_shared>>
      tpu.enqueue_dma source(%arg8 : memref<128x128xf32, #tpu.memory_space<vmem>>) target(%dma_start3A_45 : memref<128x128xf32, #tpu.memory_space<vmem_shared>>) target_semaphore(%run_scoped3A : memref<!tpu.dma_semaphore, #tpu.memory_space<semaphore_mem>>)
      %dma_wait3A = arith.constant 0 : i32
      %dma_wait3A_46 = tpu.memref_slice %arg10[%add3A_11, %dma_wait3A] : memref<10248x128xf32, #tpu.memory_space<vmem_shared>> -> memref<128x128xf32, #tpu.memory_space<vmem_shared>>
      %dma_wait3A_47 = arith.constant 0 : i32
      %dma_wait3A_48 = tpu.memref_slice %arg10[%add3A_11, %dma_wait3A_47] : memref<10248x128xf32, #tpu.memory_space<vmem_shared>> -> memref<128x128xf32, #tpu.memory_space<vmem_shared>>
      tpu.wait_dma2 semaphore(%run_scoped3A : memref<!tpu.dma_semaphore, #tpu.memory_space<semaphore_mem>>) src(%arg8 : memref<128x128xf32, #tpu.memory_space<vmem>>) dst(%dma_wait3A_48 : memref<128x128xf32, #tpu.memory_space<vmem_shared>>)
      tpu.yield
    }) : () -> ()
    %mul3A_12 = arith.constant 640 : i32
    %mul3A_13 = arith.muli %arg1, %mul3A_12 : i32
    %add3A_14 = arith.constant 256 : i32
    %add3A_15 = arith.addi %mul3A_13, %add3A_14 : i32
    "tpu.region"() ({
      %run_scoped3A = tpu.sem_alloc : memref<!tpu.dma_semaphore, #tpu.memory_space<semaphore_mem>>
      %dma_start3A = arith.constant 0 : i32
      %dma_start3A_43 = tpu.memref_slice %arg10[%add3A_15, %dma_start3A] : memref<10248x128xf32, #tpu.memory_space<vmem_shared>> -> memref<128x128xf32, #tpu.memory_space<vmem_shared>>
      %dma_start3A_44 = arith.constant 0 : i32
      %dma_start3A_45 = tpu.memref_slice %arg10[%add3A_15, %dma_start3A_44] : memref<10248x128xf32, #tpu.memory_space<vmem_shared>> -> memref<128x128xf32, #tpu.memory_space<vmem_shared>>
      tpu.enqueue_dma source(%arg8 : memref<128x128xf32, #tpu.memory_space<vmem>>) target(%dma_start3A_45 : memref<128x128xf32, #tpu.memory_space<vmem_shared>>) target_semaphore(%run_scoped3A : memref<!tpu.dma_semaphore, #tpu.memory_space<semaphore_mem>>)
      %dma_wait3A = arith.constant 0 : i32
      %dma_wait3A_46 = tpu.memref_slice %arg10[%add3A_15, %dma_wait3A] : memref<10248x128xf32, #tpu.memory_space<vmem_shared>> -> memref<128x128xf32, #tpu.memory_space<vmem_shared>>
      %dma_wait3A_47 = arith.constant 0 : i32
      %dma_wait3A_48 = tpu.memref_slice %arg10[%add3A_15, %dma_wait3A_47] : memref<10248x128xf32, #tpu.memory_space<vmem_shared>> -> memref<128x128xf32, #tpu.memory_space<vmem_shared>>
      tpu.wait_dma2 semaphore(%run_scoped3A : memref<!tpu.dma_semaphore, #tpu.memory_space<semaphore_mem>>) src(%arg8 : memref<128x128xf32, #tpu.memory_space<vmem>>) dst(%dma_wait3A_48 : memref<128x128xf32, #tpu.memory_space<vmem_shared>>)
      tpu.yield
    }) : () -> ()
    %mul3A_16 = arith.constant 640 : i32
    %mul3A_17 = arith.muli %arg1, %mul3A_16 : i32
    %add3A_18 = arith.constant 384 : i32
    %add3A_19 = arith.addi %mul3A_17, %add3A_18 : i32
    "tpu.region"() ({
      %run_scoped3A = tpu.sem_alloc : memref<!tpu.dma_semaphore, #tpu.memory_space<semaphore_mem>>
      %dma_start3A = arith.constant 0 : i32
      %dma_start3A_43 = tpu.memref_slice %arg10[%add3A_19, %dma_start3A] : memref<10248x128xf32, #tpu.memory_space<vmem_shared>> -> memref<128x128xf32, #tpu.memory_space<vmem_shared>>
      %dma_start3A_44 = arith.constant 0 : i32
      %dma_start3A_45 = tpu.memref_slice %arg10[%add3A_19, %dma_start3A_44] : memref<10248x128xf32, #tpu.memory_space<vmem_shared>> -> memref<128x128xf32, #tpu.memory_space<vmem_shared>>
      tpu.enqueue_dma source(%arg8 : memref<128x128xf32, #tpu.memory_space<vmem>>) target(%dma_start3A_45 : memref<128x128xf32, #tpu.memory_space<vmem_shared>>) target_semaphore(%run_scoped3A : memref<!tpu.dma_semaphore, #tpu.memory_space<semaphore_mem>>)
      %dma_wait3A = arith.constant 0 : i32
      %dma_wait3A_46 = tpu.memref_slice %arg10[%add3A_19, %dma_wait3A] : memref<10248x128xf32, #tpu.memory_space<vmem_shared>> -> memref<128x128xf32, #tpu.memory_space<vmem_shared>>
      %dma_wait3A_47 = arith.constant 0 : i32
      %dma_wait3A_48 = tpu.memref_slice %arg10[%add3A_19, %dma_wait3A_47] : memref<10248x128xf32, #tpu.memory_space<vmem_shared>> -> memref<128x128xf32, #tpu.memory_space<vmem_shared>>
      tpu.wait_dma2 semaphore(%run_scoped3A : memref<!tpu.dma_semaphore, #tpu.memory_space<semaphore_mem>>) src(%arg8 : memref<128x128xf32, #tpu.memory_space<vmem>>) dst(%dma_wait3A_48 : memref<128x128xf32, #tpu.memory_space<vmem_shared>>)
      tpu.yield
    }) : () -> ()
    %mul3A_20 = arith.constant 640 : i32
    %mul3A_21 = arith.muli %arg1, %mul3A_20 : i32
    %add3A_22 = arith.constant 512 : i32
    %add3A_23 = arith.addi %mul3A_21, %add3A_22 : i32
    "tpu.region"() ({
      %run_scoped3A = tpu.sem_alloc : memref<!tpu.dma_semaphore, #tpu.memory_space<semaphore_mem>>
      %dma_start3A = arith.constant 0 : i32
      %dma_start3A_43 = tpu.memref_slice %arg10[%add3A_23, %dma_start3A] : memref<10248x128xf32, #tpu.memory_space<vmem_shared>> -> memref<128x128xf32, #tpu.memory_space<vmem_shared>>
      %dma_start3A_44 = arith.constant 0 : i32
      %dma_start3A_45 = tpu.memref_slice %arg10[%add3A_23, %dma_start3A_44] : memref<10248x128xf32, #tpu.memory_space<vmem_shared>> -> memref<128x128xf32, #tpu.memory_space<vmem_shared>>
      tpu.enqueue_dma source(%arg8 : memref<128x128xf32, #tpu.memory_space<vmem>>) target(%dma_start3A_45 : memref<128x128xf32, #tpu.memory_space<vmem_shared>>) target_semaphore(%run_scoped3A : memref<!tpu.dma_semaphore, #tpu.memory_space<semaphore_mem>>)
      %dma_wait3A = arith.constant 0 : i32
      %dma_wait3A_46 = tpu.memref_slice %arg10[%add3A_23, %dma_wait3A] : memref<10248x128xf32, #tpu.memory_space<vmem_shared>> -> memref<128x128xf32, #tpu.memory_space<vmem_shared>>
      %dma_wait3A_47 = arith.constant 0 : i32
      %dma_wait3A_48 = tpu.memref_slice %arg10[%add3A_23, %dma_wait3A_47] : memref<10248x128xf32, #tpu.memory_space<vmem_shared>> -> memref<128x128xf32, #tpu.memory_space<vmem_shared>>
      tpu.wait_dma2 semaphore(%run_scoped3A : memref<!tpu.dma_semaphore, #tpu.memory_space<semaphore_mem>>) src(%arg8 : memref<128x128xf32, #tpu.memory_space<vmem>>) dst(%dma_wait3A_48 : memref<128x128xf32, #tpu.memory_space<vmem_shared>>)
      tpu.yield
    }) : () -> ()
    %barrier3A = arith.constant 0 : index
    tpu.barrier barrier_id(%barrier3A)
    "tpu.region"() ({
      %run_scoped3A = tpu.sem_alloc : memref<!tpu.dma_semaphore, #tpu.memory_space<semaphore_mem>>
      %dma_start3A = arith.constant 0 : i32
      %dma_start3A_43 = arith.constant 0 : i32
      %dma_start3A_44 = tpu.memref_slice %arg3[%arg1, %dma_start3A, %dma_start3A_43] : memref<16x80x128xi32, #tpu.memory_space<hbm>> -> memref<1x40x128xi32, #tpu.memory_space<hbm>>
      %dma_start3A_45 = tpu.memref_squeeze %dma_start3A_44 : memref<1x40x128xi32, #tpu.memory_space<hbm>> -> memref<40x128xi32, #tpu.memory_space<hbm>>
      %dma_start3A_46 = arith.constant 0 : i32
      %dma_start3A_47 = arith.constant 0 : i32
      %dma_start3A_48 = tpu.memref_slice %arg3[%arg1, %dma_start3A_46, %dma_start3A_47] : memref<16x80x128xi32, #tpu.memory_space<hbm>> -> memref<1x40x128xi32, #tpu.memory_space<hbm>>
      %dma_start3A_49 = tpu.memref_squeeze %dma_start3A_48 : memref<1x40x128xi32, #tpu.memory_space<hbm>> -> memref<40x128xi32, #tpu.memory_space<hbm>>
      tpu.enqueue_dma source(%dma_start3A_49 : memref<40x128xi32, #tpu.memory_space<hbm>>) target(%arg6 : memref<40x128xi32, #tpu.memory_space<vmem>>) target_semaphore(%run_scoped3A : memref<!tpu.dma_semaphore, #tpu.memory_space<semaphore_mem>>)
      %dma_wait3A = arith.constant 0 : i32
      %dma_wait3A_50 = arith.constant 0 : i32
      %dma_wait3A_51 = tpu.memref_slice %arg3[%arg1, %dma_wait3A, %dma_wait3A_50] : memref<16x80x128xi32, #tpu.memory_space<hbm>> -> memref<1x40x128xi32, #tpu.memory_space<hbm>>
      %dma_wait3A_52 = tpu.memref_squeeze %dma_wait3A_51 : memref<1x40x128xi32, #tpu.memory_space<hbm>> -> memref<40x128xi32, #tpu.memory_space<hbm>>
      %dma_wait3A_53 = arith.constant 0 : i32
      %dma_wait3A_54 = arith.constant 0 : i32
      %dma_wait3A_55 = tpu.memref_slice %arg3[%arg1, %dma_wait3A_53, %dma_wait3A_54] : memref<16x80x128xi32, #tpu.memory_space<hbm>> -> memref<1x40x128xi32, #tpu.memory_space<hbm>>
      %dma_wait3A_56 = tpu.memref_squeeze %dma_wait3A_55 : memref<1x40x128xi32, #tpu.memory_space<hbm>> -> memref<40x128xi32, #tpu.memory_space<hbm>>
      tpu.wait_dma2 semaphore(%run_scoped3A : memref<!tpu.dma_semaphore, #tpu.memory_space<semaphore_mem>>) src(%dma_wait3A_56 : memref<40x128xi32, #tpu.memory_space<hbm>>) dst(%arg6 : memref<40x128xi32, #tpu.memory_space<vmem>>)
      tpu.yield
    }) : () -> ()
    "tpu.region"() ({
      %run_scoped3A = tpu.sem_alloc : memref<!tpu.dma_semaphore, #tpu.memory_space<semaphore_mem>>
      %dma_start3A = arith.constant 0 : i32
      %dma_start3A_43 = arith.constant 0 : i32
      %dma_start3A_44 = tpu.memref_slice %arg4[%arg1, %dma_start3A, %dma_start3A_43] : memref<16x80x128xi32, #tpu.memory_space<hbm>> -> memref<1x40x128xi32, #tpu.memory_space<hbm>>
      %dma_start3A_45 = tpu.memref_squeeze %dma_start3A_44 : memref<1x40x128xi32, #tpu.memory_space<hbm>> -> memref<40x128xi32, #tpu.memory_space<hbm>>
      %dma_start3A_46 = arith.constant 0 : i32
      %dma_start3A_47 = arith.constant 0 : i32
      %dma_start3A_48 = tpu.memref_slice %arg4[%arg1, %dma_start3A_46, %dma_start3A_47] : memref<16x80x128xi32, #tpu.memory_space<hbm>> -> memref<1x40x128xi32, #tpu.memory_space<hbm>>
      %dma_start3A_49 = tpu.memref_squeeze %dma_start3A_48 : memref<1x40x128xi32, #tpu.memory_space<hbm>> -> memref<40x128xi32, #tpu.memory_space<hbm>>
      tpu.enqueue_dma source(%dma_start3A_49 : memref<40x128xi32, #tpu.memory_space<hbm>>) target(%arg7 : memref<40x128xi32, #tpu.memory_space<vmem>>) target_semaphore(%run_scoped3A : memref<!tpu.dma_semaphore, #tpu.memory_space<semaphore_mem>>)
      %dma_wait3A = arith.constant 0 : i32
      %dma_wait3A_50 = arith.constant 0 : i32
      %dma_wait3A_51 = tpu.memref_slice %arg4[%arg1, %dma_wait3A, %dma_wait3A_50] : memref<16x80x128xi32, #tpu.memory_space<hbm>> -> memref<1x40x128xi32, #tpu.memory_space<hbm>>
      %dma_wait3A_52 = tpu.memref_squeeze %dma_wait3A_51 : memref<1x40x128xi32, #tpu.memory_space<hbm>> -> memref<40x128xi32, #tpu.memory_space<hbm>>
      %dma_wait3A_53 = arith.constant 0 : i32
      %dma_wait3A_54 = arith.constant 0 : i32
      %dma_wait3A_55 = tpu.memref_slice %arg4[%arg1, %dma_wait3A_53, %dma_wait3A_54] : memref<16x80x128xi32, #tpu.memory_space<hbm>> -> memref<1x40x128xi32, #tpu.memory_space<hbm>>
      %dma_wait3A_56 = tpu.memref_squeeze %dma_wait3A_55 : memref<1x40x128xi32, #tpu.memory_space<hbm>> -> memref<40x128xi32, #tpu.memory_space<hbm>>
      tpu.wait_dma2 semaphore(%run_scoped3A : memref<!tpu.dma_semaphore, #tpu.memory_space<semaphore_mem>>) src(%dma_wait3A_56 : memref<40x128xi32, #tpu.memory_space<hbm>>) dst(%arg7 : memref<40x128xi32, #tpu.memory_space<vmem>>)
      tpu.yield
    }) : () -> ()
    %scan3A_24 = arith.constant 0 : i32
    %scan3A_25 = arith.constant 0 : i32
    %scan3A_26 = arith.constant 20 : i32
    %scan3A_27 = arith.addi %scan3A_25, %scan3A_26 : i32
    %scan3A_28 = arith.constant 1 : i32
    %scan3A_29 = scf.for %scan3A_43 = %scan3A_25 to %scan3A_27 step %scan3A_28 iter_args(%scan3A_44 = %scan3A_24) -> (i32)  : i32 {
      %mul3A_45 = arith.constant 2 : i32
      %mul3A_46 = arith.muli %mul3A_45, %scan3A_43 : i32
      %add3A_47 = arith.constant 1 : i32
      %add3A_48 = arith.addi %mul3A_46, %add3A_47 : i32
      %dma_start3A = arith.constant 0 : i32
      %dma_start3A_49 = tpu.memref_slice %arg6[%mul3A_46, %dma_start3A] : memref<40x128xi32, #tpu.memory_space<vmem>> -> memref<1x128xi32, #tpu.memory_space<vmem>>
      %dma_start3A_50 = tpu.memref_squeeze %dma_start3A_49 : memref<1x128xi32, #tpu.memory_space<vmem>> -> memref<128xi32, #tpu.memory_space<vmem>>
      %dma_start3A_51 = arith.constant 0 : i32
      %dma_start3A_52 = arith.constant 0 : i32
      %dma_start3A_53 = tpu.memref_slice %arg2[%arg0, %dma_start3A_51, %dma_start3A_52] : memref<2x10240x128xf32, #tpu.memory_space<hbm>> -> memref<1x10240x128xf32, #tpu.memory_space<hbm>>
      %dma_start3A_54 = tpu.memref_squeeze %dma_start3A_53 : memref<1x10240x128xf32, #tpu.memory_space<hbm>> -> memref<10240x128xf32, #tpu.memory_space<hbm>>
      %dma_start3A_55 = arith.constant 0 : i32
      %dma_start3A_56 = arith.constant 0 : i32
      %dma_start3A_57 = tpu.memref_slice %dma_start3A_54[%dma_start3A_55, %dma_start3A_56] : memref<10240x128xf32, #tpu.memory_space<hbm>> -> memref<10240x128xf32, #tpu.memory_space<hbm>>
      tpu.enqueue_indirect_dma source(%dma_start3A_57 : memref<10240x128xf32, #tpu.memory_space<hbm>>) target(%arg8 : memref<128x128xf32, #tpu.memory_space<vmem>>) offsets(%dma_start3A_50 : memref<128xi32, #tpu.memory_space<vmem>>) semaphore(%arg11 : memref<!tpu.dma_semaphore, #tpu.memory_space<semaphore_mem>>)
      %dma_start3A_58 = arith.constant 0 : i32
      %dma_start3A_59 = tpu.memref_slice %arg6[%add3A_48, %dma_start3A_58] : memref<40x128xi32, #tpu.memory_space<vmem>> -> memref<1x128xi32, #tpu.memory_space<vmem>>
      %dma_start3A_60 = tpu.memref_squeeze %dma_start3A_59 : memref<1x128xi32, #tpu.memory_space<vmem>> -> memref<128xi32, #tpu.memory_space<vmem>>
      %dma_start3A_61 = arith.constant 0 : i32
      %dma_start3A_62 = arith.constant 0 : i32
      %dma_start3A_63 = tpu.memref_slice %arg2[%arg0, %dma_start3A_61, %dma_start3A_62] : memref<2x10240x128xf32, #tpu.memory_space<hbm>> -> memref<1x10240x128xf32, #tpu.memory_space<hbm>>
      %dma_start3A_64 = tpu.memref_squeeze %dma_start3A_63 : memref<1x10240x128xf32, #tpu.memory_space<hbm>> -> memref<10240x128xf32, #tpu.memory_space<hbm>>
      %dma_start3A_65 = arith.constant 0 : i32
      %dma_start3A_66 = arith.constant 0 : i32
      %dma_start3A_67 = tpu.memref_slice %dma_start3A_64[%dma_start3A_65, %dma_start3A_66] : memref<10240x128xf32, #tpu.memory_space<hbm>> -> memref<10240x128xf32, #tpu.memory_space<hbm>>
      tpu.enqueue_indirect_dma source(%dma_start3A_67 : memref<10240x128xf32, #tpu.memory_space<hbm>>) target(%arg9 : memref<128x128xf32, #tpu.memory_space<vmem>>) offsets(%dma_start3A_60 : memref<128xi32, #tpu.memory_space<vmem>>) semaphore(%arg12 : memref<!tpu.dma_semaphore, #tpu.memory_space<semaphore_mem>>)
      %dma_wait3A = arith.constant 0 : i32
      %dma_wait3A_68 = tpu.memref_slice %arg6[%mul3A_46, %dma_wait3A] : memref<40x128xi32, #tpu.memory_space<vmem>> -> memref<1x128xi32, #tpu.memory_space<vmem>>
      %dma_wait3A_69 = tpu.memref_squeeze %dma_wait3A_68 : memref<1x128xi32, #tpu.memory_space<vmem>> -> memref<128xi32, #tpu.memory_space<vmem>>
      %dma_wait3A_70 = arith.constant 0 : i32
      %dma_wait3A_71 = arith.constant 0 : i32
      %dma_wait3A_72 = tpu.memref_slice %arg2[%arg0, %dma_wait3A_70, %dma_wait3A_71] : memref<2x10240x128xf32, #tpu.memory_space<hbm>> -> memref<1x10240x128xf32, #tpu.memory_space<hbm>>
      %dma_wait3A_73 = tpu.memref_squeeze %dma_wait3A_72 : memref<1x10240x128xf32, #tpu.memory_space<hbm>> -> memref<10240x128xf32, #tpu.memory_space<hbm>>
      %dma_wait3A_74 = arith.constant 0 : i32
      %dma_wait3A_75 = arith.constant 0 : i32
      %dma_wait3A_76 = tpu.memref_slice %dma_wait3A_73[%dma_wait3A_74, %dma_wait3A_75] : memref<10240x128xf32, #tpu.memory_space<hbm>> -> memref<10240x128xf32, #tpu.memory_space<hbm>>
      tpu.wait_indirect_dma semaphore(%arg11 : memref<!tpu.dma_semaphore, #tpu.memory_space<semaphore_mem>>) src(%dma_wait3A_76 : memref<10240x128xf32, #tpu.memory_space<hbm>>) dst(%arg8 : memref<128x128xf32, #tpu.memory_space<vmem>>)
      %dma_start3A_77 = arith.constant 0 : i32
      %dma_start3A_78 = tpu.memref_slice %arg7[%mul3A_46, %dma_start3A_77] : memref<40x128xi32, #tpu.memory_space<vmem>> -> memref<1x128xi32, #tpu.memory_space<vmem>>
      %dma_start3A_79 = tpu.memref_squeeze %dma_start3A_78 : memref<1x128xi32, #tpu.memory_space<vmem>> -> memref<128xi32, #tpu.memory_space<vmem>>
      %dma_start3A_80 = arith.constant 0 : i32
      %dma_start3A_81 = arith.constant 0 : i32
      %dma_start3A_82 = tpu.memref_slice %arg10[%dma_start3A_80, %dma_start3A_81] : memref<10248x128xf32, #tpu.memory_space<vmem_shared>> -> memref<10248x128xf32, #tpu.memory_space<vmem_shared>>
      tpu.enqueue_indirect_dma source(%arg8 : memref<128x128xf32, #tpu.memory_space<vmem>>) target(%dma_start3A_82 : memref<10248x128xf32, #tpu.memory_space<vmem_shared>>) offsets(%dma_start3A_79 : memref<128xi32, #tpu.memory_space<vmem>>) semaphore(%arg13 : memref<!tpu.dma_semaphore, #tpu.memory_space<semaphore_mem>>) {add = true}
      %dma_wait3A_83 = arith.constant 0 : i32
      %dma_wait3A_84 = tpu.memref_slice %arg6[%add3A_48, %dma_wait3A_83] : memref<40x128xi32, #tpu.memory_space<vmem>> -> memref<1x128xi32, #tpu.memory_space<vmem>>
      %dma_wait3A_85 = tpu.memref_squeeze %dma_wait3A_84 : memref<1x128xi32, #tpu.memory_space<vmem>> -> memref<128xi32, #tpu.memory_space<vmem>>
      %dma_wait3A_86 = arith.constant 0 : i32
      %dma_wait3A_87 = arith.constant 0 : i32
      %dma_wait3A_88 = tpu.memref_slice %arg2[%arg0, %dma_wait3A_86, %dma_wait3A_87] : memref<2x10240x128xf32, #tpu.memory_space<hbm>> -> memref<1x10240x128xf32, #tpu.memory_space<hbm>>
      %dma_wait3A_89 = tpu.memref_squeeze %dma_wait3A_88 : memref<1x10240x128xf32, #tpu.memory_space<hbm>> -> memref<10240x128xf32, #tpu.memory_space<hbm>>
      %dma_wait3A_90 = arith.constant 0 : i32
      %dma_wait3A_91 = arith.constant 0 : i32
      %dma_wait3A_92 = tpu.memref_slice %dma_wait3A_89[%dma_wait3A_90, %dma_wait3A_91] : memref<10240x128xf32, #tpu.memory_space<hbm>> -> memref<10240x128xf32, #tpu.memory_space<hbm>>
      tpu.wait_indirect_dma semaphore(%arg12 : memref<!tpu.dma_semaphore, #tpu.memory_space<semaphore_mem>>) src(%dma_wait3A_92 : memref<10240x128xf32, #tpu.memory_space<hbm>>) dst(%arg9 : memref<128x128xf32, #tpu.memory_space<vmem>>)
      %dma_wait3A_93 = arith.constant 0 : i32
      %dma_wait3A_94 = tpu.memref_slice %arg7[%mul3A_46, %dma_wait3A_93] : memref<40x128xi32, #tpu.memory_space<vmem>> -> memref<1x128xi32, #tpu.memory_space<vmem>>
      %dma_wait3A_95 = tpu.memref_squeeze %dma_wait3A_94 : memref<1x128xi32, #tpu.memory_space<vmem>> -> memref<128xi32, #tpu.memory_space<vmem>>
      %dma_wait3A_96 = arith.constant 0 : i32
      %dma_wait3A_97 = arith.constant 0 : i32
      %dma_wait3A_98 = tpu.memref_slice %arg10[%dma_wait3A_96, %dma_wait3A_97] : memref<10248x128xf32, #tpu.memory_space<vmem_shared>> -> memref<10248x128xf32, #tpu.memory_space<vmem_shared>>
      tpu.wait_indirect_dma semaphore(%arg13 : memref<!tpu.dma_semaphore, #tpu.memory_space<semaphore_mem>>) src(%arg8 : memref<128x128xf32, #tpu.memory_space<vmem>>) dst(%dma_wait3A_98 : memref<10248x128xf32, #tpu.memory_space<vmem_shared>>)
      "tpu.region"() ({
        %run_scoped3A = tpu.sem_alloc : memref<!tpu.dma_semaphore, #tpu.memory_space<semaphore_mem>>
        %dma_start3A_100 = arith.constant 0 : i32
        %dma_start3A_101 = tpu.memref_slice %arg7[%add3A_48, %dma_start3A_100] : memref<40x128xi32, #tpu.memory_space<vmem>> -> memref<1x128xi32, #tpu.memory_space<vmem>>
        %dma_start3A_102 = tpu.memref_squeeze %dma_start3A_101 : memref<1x128xi32, #tpu.memory_space<vmem>> -> memref<128xi32, #tpu.memory_space<vmem>>
        %dma_start3A_103 = arith.constant 0 : i32
        %dma_start3A_104 = arith.constant 0 : i32
        %dma_start3A_105 = tpu.memref_slice %arg10[%dma_start3A_103, %dma_start3A_104] : memref<10248x128xf32, #tpu.memory_space<vmem_shared>> -> memref<10248x128xf32, #tpu.memory_space<vmem_shared>>
        tpu.enqueue_indirect_dma source(%arg9 : memref<128x128xf32, #tpu.memory_space<vmem>>) target(%dma_start3A_105 : memref<10248x128xf32, #tpu.memory_space<vmem_shared>>) offsets(%dma_start3A_102 : memref<128xi32, #tpu.memory_space<vmem>>) semaphore(%run_scoped3A : memref<!tpu.dma_semaphore, #tpu.memory_space<semaphore_mem>>) {add = true}
        %dma_wait3A_106 = arith.constant 0 : i32
        %dma_wait3A_107 = tpu.memref_slice %arg7[%add3A_48, %dma_wait3A_106] : memref<40x128xi32, #tpu.memory_space<vmem>> -> memref<1x128xi32, #tpu.memory_space<vmem>>
        %dma_wait3A_108 = tpu.memref_squeeze %dma_wait3A_107 : memref<1x128xi32, #tpu.memory_space<vmem>> -> memref<128xi32, #tpu.memory_space<vmem>>
        %dma_wait3A_109 = arith.constant 0 : i32
        %dma_wait3A_110 = arith.constant 0 : i32
        %dma_wait3A_111 = tpu.memref_slice %arg10[%dma_wait3A_109, %dma_wait3A_110] : memref<10248x128xf32, #tpu.memory_space<vmem_shared>> -> memref<10248x128xf32, #tpu.memory_space<vmem_shared>>
        tpu.wait_indirect_dma semaphore(%run_scoped3A : memref<!tpu.dma_semaphore, #tpu.memory_space<semaphore_mem>>) src(%arg9 : memref<128x128xf32, #tpu.memory_space<vmem>>) dst(%dma_wait3A_111 : memref<10248x128xf32, #tpu.memory_space<vmem_shared>>)
        tpu.yield
      }) : () -> ()
      %scan3A_99 = arith.constant 0 : i32
      scf.yield %scan3A_99 : i32
    }
    %scan3A_30 = arith.constant 20 : i32
    "tpu.region"() ({
      %run_scoped3A = tpu.sem_alloc : memref<!tpu.dma_semaphore, #tpu.memory_space<semaphore_mem>>
      %dma_start3A = arith.constant 40 : i32
      %dma_start3A_43 = arith.constant 0 : i32
      %dma_start3A_44 = tpu.memref_slice %arg3[%arg1, %dma_start3A, %dma_start3A_43] : memref<16x80x128xi32, #tpu.memory_space<hbm>> -> memref<1x40x128xi32, #tpu.memory_space<hbm>>
      %dma_start3A_45 = tpu.memref_squeeze %dma_start3A_44 : memref<1x40x128xi32, #tpu.memory_space<hbm>> -> memref<40x128xi32, #tpu.memory_space<hbm>>
      %dma_start3A_46 = arith.constant 40 : i32
      %dma_start3A_47 = arith.constant 0 : i32
      %dma_start3A_48 = tpu.memref_slice %arg3[%arg1, %dma_start3A_46, %dma_start3A_47] : memref<16x80x128xi32, #tpu.memory_space<hbm>> -> memref<1x40x128xi32, #tpu.memory_space<hbm>>
      %dma_start3A_49 = tpu.memref_squeeze %dma_start3A_48 : memref<1x40x128xi32, #tpu.memory_space<hbm>> -> memref<40x128xi32, #tpu.memory_space<hbm>>
      tpu.enqueue_dma source(%dma_start3A_49 : memref<40x128xi32, #tpu.memory_space<hbm>>) target(%arg6 : memref<40x128xi32, #tpu.memory_space<vmem>>) target_semaphore(%run_scoped3A : memref<!tpu.dma_semaphore, #tpu.memory_space<semaphore_mem>>)
      %dma_wait3A = arith.constant 40 : i32
      %dma_wait3A_50 = arith.constant 0 : i32
      %dma_wait3A_51 = tpu.memref_slice %arg3[%arg1, %dma_wait3A, %dma_wait3A_50] : memref<16x80x128xi32, #tpu.memory_space<hbm>> -> memref<1x40x128xi32, #tpu.memory_space<hbm>>
      %dma_wait3A_52 = tpu.memref_squeeze %dma_wait3A_51 : memref<1x40x128xi32, #tpu.memory_space<hbm>> -> memref<40x128xi32, #tpu.memory_space<hbm>>
      %dma_wait3A_53 = arith.constant 40 : i32
      %dma_wait3A_54 = arith.constant 0 : i32
      %dma_wait3A_55 = tpu.memref_slice %arg3[%arg1, %dma_wait3A_53, %dma_wait3A_54] : memref<16x80x128xi32, #tpu.memory_space<hbm>> -> memref<1x40x128xi32, #tpu.memory_space<hbm>>
      %dma_wait3A_56 = tpu.memref_squeeze %dma_wait3A_55 : memref<1x40x128xi32, #tpu.memory_space<hbm>> -> memref<40x128xi32, #tpu.memory_space<hbm>>
      tpu.wait_dma2 semaphore(%run_scoped3A : memref<!tpu.dma_semaphore, #tpu.memory_space<semaphore_mem>>) src(%dma_wait3A_56 : memref<40x128xi32, #tpu.memory_space<hbm>>) dst(%arg6 : memref<40x128xi32, #tpu.memory_space<vmem>>)
      tpu.yield
    }) : () -> ()
    "tpu.region"() ({
      %run_scoped3A = tpu.sem_alloc : memref<!tpu.dma_semaphore, #tpu.memory_space<semaphore_mem>>
      %dma_start3A = arith.constant 40 : i32
      %dma_start3A_43 = arith.constant 0 : i32
      %dma_start3A_44 = tpu.memref_slice %arg4[%arg1, %dma_start3A, %dma_start3A_43] : memref<16x80x128xi32, #tpu.memory_space<hbm>> -> memref<1x40x128xi32, #tpu.memory_space<hbm>>
      %dma_start3A_45 = tpu.memref_squeeze %dma_start3A_44 : memref<1x40x128xi32, #tpu.memory_space<hbm>> -> memref<40x128xi32, #tpu.memory_space<hbm>>
      %dma_start3A_46 = arith.constant 40 : i32
      %dma_start3A_47 = arith.constant 0 : i32
      %dma_start3A_48 = tpu.memref_slice %arg4[%arg1, %dma_start3A_46, %dma_start3A_47] : memref<16x80x128xi32, #tpu.memory_space<hbm>> -> memref<1x40x128xi32, #tpu.memory_space<hbm>>
      %dma_start3A_49 = tpu.memref_squeeze %dma_start3A_48 : memref<1x40x128xi32, #tpu.memory_space<hbm>> -> memref<40x128xi32, #tpu.memory_space<hbm>>
      tpu.enqueue_dma source(%dma_start3A_49 : memref<40x128xi32, #tpu.memory_space<hbm>>) target(%arg7 : memref<40x128xi32, #tpu.memory_space<vmem>>) target_semaphore(%run_scoped3A : memref<!tpu.dma_semaphore, #tpu.memory_space<semaphore_mem>>)
      %dma_wait3A = arith.constant 40 : i32
      %dma_wait3A_50 = arith.constant 0 : i32
      %dma_wait3A_51 = tpu.memref_slice %arg4[%arg1, %dma_wait3A, %dma_wait3A_50] : memref<16x80x128xi32, #tpu.memory_space<hbm>> -> memref<1x40x128xi32, #tpu.memory_space<hbm>>
      %dma_wait3A_52 = tpu.memref_squeeze %dma_wait3A_51 : memref<1x40x128xi32, #tpu.memory_space<hbm>> -> memref<40x128xi32, #tpu.memory_space<hbm>>
      %dma_wait3A_53 = arith.constant 40 : i32
      %dma_wait3A_54 = arith.constant 0 : i32
      %dma_wait3A_55 = tpu.memref_slice %arg4[%arg1, %dma_wait3A_53, %dma_wait3A_54] : memref<16x80x128xi32, #tpu.memory_space<hbm>> -> memref<1x40x128xi32, #tpu.memory_space<hbm>>
      %dma_wait3A_56 = tpu.memref_squeeze %dma_wait3A_55 : memref<1x40x128xi32, #tpu.memory_space<hbm>> -> memref<40x128xi32, #tpu.memory_space<hbm>>
      tpu.wait_dma2 semaphore(%run_scoped3A : memref<!tpu.dma_semaphore, #tpu.memory_space<semaphore_mem>>) src(%dma_wait3A_56 : memref<40x128xi32, #tpu.memory_space<hbm>>) dst(%arg7 : memref<40x128xi32, #tpu.memory_space<vmem>>)
      tpu.yield
    }) : () -> ()
    %scan3A_31 = arith.constant 0 : i32
    %scan3A_32 = arith.constant 0 : i32
    %scan3A_33 = arith.constant 20 : i32
    %scan3A_34 = arith.addi %scan3A_32, %scan3A_33 : i32
    %scan3A_35 = arith.constant 1 : i32
    %scan3A_36 = scf.for %scan3A_43 = %scan3A_32 to %scan3A_34 step %scan3A_35 iter_args(%scan3A_44 = %scan3A_31) -> (i32)  : i32 {
      %mul3A_45 = arith.constant 2 : i32
      %mul3A_46 = arith.muli %mul3A_45, %scan3A_43 : i32
      %add3A_47 = arith.constant 1 : i32
      %add3A_48 = arith.addi %mul3A_46, %add3A_47 : i32
      %dma_start3A = arith.constant 0 : i32
      %dma_start3A_49 = tpu.memref_slice %arg6[%mul3A_46, %dma_start3A] : memref<40x128xi32, #tpu.memory_space<vmem>> -> memref<1x128xi32, #tpu.memory_space<vmem>>
      %dma_start3A_50 = tpu.memref_squeeze %dma_start3A_49 : memref<1x128xi32, #tpu.memory_space<vmem>> -> memref<128xi32, #tpu.memory_space<vmem>>
      %dma_start3A_51 = arith.constant 0 : i32
      %dma_start3A_52 = arith.constant 0 : i32
      %dma_start3A_53 = tpu.memref_slice %arg2[%arg0, %dma_start3A_51, %dma_start3A_52] : memref<2x10240x128xf32, #tpu.memory_space<hbm>> -> memref<1x10240x128xf32, #tpu.memory_space<hbm>>
      %dma_start3A_54 = tpu.memref_squeeze %dma_start3A_53 : memref<1x10240x128xf32, #tpu.memory_space<hbm>> -> memref<10240x128xf32, #tpu.memory_space<hbm>>
      %dma_start3A_55 = arith.constant 0 : i32
      %dma_start3A_56 = arith.constant 0 : i32
      %dma_start3A_57 = tpu.memref_slice %dma_start3A_54[%dma_start3A_55, %dma_start3A_56] : memref<10240x128xf32, #tpu.memory_space<hbm>> -> memref<10240x128xf32, #tpu.memory_space<hbm>>
      tpu.enqueue_indirect_dma source(%dma_start3A_57 : memref<10240x128xf32, #tpu.memory_space<hbm>>) target(%arg8 : memref<128x128xf32, #tpu.memory_space<vmem>>) offsets(%dma_start3A_50 : memref<128xi32, #tpu.memory_space<vmem>>) semaphore(%arg11 : memref<!tpu.dma_semaphore, #tpu.memory_space<semaphore_mem>>)
      %dma_start3A_58 = arith.constant 0 : i32
      %dma_start3A_59 = tpu.memref_slice %arg6[%add3A_48, %dma_start3A_58] : memref<40x128xi32, #tpu.memory_space<vmem>> -> memref<1x128xi32, #tpu.memory_space<vmem>>
      %dma_start3A_60 = tpu.memref_squeeze %dma_start3A_59 : memref<1x128xi32, #tpu.memory_space<vmem>> -> memref<128xi32, #tpu.memory_space<vmem>>
      %dma_start3A_61 = arith.constant 0 : i32
      %dma_start3A_62 = arith.constant 0 : i32
      %dma_start3A_63 = tpu.memref_slice %arg2[%arg0, %dma_start3A_61, %dma_start3A_62] : memref<2x10240x128xf32, #tpu.memory_space<hbm>> -> memref<1x10240x128xf32, #tpu.memory_space<hbm>>
      %dma_start3A_64 = tpu.memref_squeeze %dma_start3A_63 : memref<1x10240x128xf32, #tpu.memory_space<hbm>> -> memref<10240x128xf32, #tpu.memory_space<hbm>>
      %dma_start3A_65 = arith.constant 0 : i32
      %dma_start3A_66 = arith.constant 0 : i32
      %dma_start3A_67 = tpu.memref_slice %dma_start3A_64[%dma_start3A_65, %dma_start3A_66] : memref<10240x128xf32, #tpu.memory_space<hbm>> -> memref<10240x128xf32, #tpu.memory_space<hbm>>
      tpu.enqueue_indirect_dma source(%dma_start3A_67 : memref<10240x128xf32, #tpu.memory_space<hbm>>) target(%arg9 : memref<128x128xf32, #tpu.memory_space<vmem>>) offsets(%dma_start3A_60 : memref<128xi32, #tpu.memory_space<vmem>>) semaphore(%arg12 : memref<!tpu.dma_semaphore, #tpu.memory_space<semaphore_mem>>)
      %dma_wait3A = arith.constant 0 : i32
      %dma_wait3A_68 = tpu.memref_slice %arg6[%mul3A_46, %dma_wait3A] : memref<40x128xi32, #tpu.memory_space<vmem>> -> memref<1x128xi32, #tpu.memory_space<vmem>>
      %dma_wait3A_69 = tpu.memref_squeeze %dma_wait3A_68 : memref<1x128xi32, #tpu.memory_space<vmem>> -> memref<128xi32, #tpu.memory_space<vmem>>
      %dma_wait3A_70 = arith.constant 0 : i32
      %dma_wait3A_71 = arith.constant 0 : i32
      %dma_wait3A_72 = tpu.memref_slice %arg2[%arg0, %dma_wait3A_70, %dma_wait3A_71] : memref<2x10240x128xf32, #tpu.memory_space<hbm>> -> memref<1x10240x128xf32, #tpu.memory_space<hbm>>
      %dma_wait3A_73 = tpu.memref_squeeze %dma_wait3A_72 : memref<1x10240x128xf32, #tpu.memory_space<hbm>> -> memref<10240x128xf32, #tpu.memory_space<hbm>>
      %dma_wait3A_74 = arith.constant 0 : i32
      %dma_wait3A_75 = arith.constant 0 : i32
      %dma_wait3A_76 = tpu.memref_slice %dma_wait3A_73[%dma_wait3A_74, %dma_wait3A_75] : memref<10240x128xf32, #tpu.memory_space<hbm>> -> memref<10240x128xf32, #tpu.memory_space<hbm>>
      tpu.wait_indirect_dma semaphore(%arg11 : memref<!tpu.dma_semaphore, #tpu.memory_space<semaphore_mem>>) src(%dma_wait3A_76 : memref<10240x128xf32, #tpu.memory_space<hbm>>) dst(%arg8 : memref<128x128xf32, #tpu.memory_space<vmem>>)
      %dma_start3A_77 = arith.constant 0 : i32
      %dma_start3A_78 = tpu.memref_slice %arg7[%mul3A_46, %dma_start3A_77] : memref<40x128xi32, #tpu.memory_space<vmem>> -> memref<1x128xi32, #tpu.memory_space<vmem>>
      %dma_start3A_79 = tpu.memref_squeeze %dma_start3A_78 : memref<1x128xi32, #tpu.memory_space<vmem>> -> memref<128xi32, #tpu.memory_space<vmem>>
      %dma_start3A_80 = arith.constant 0 : i32
      %dma_start3A_81 = arith.constant 0 : i32
      %dma_start3A_82 = tpu.memref_slice %arg10[%dma_start3A_80, %dma_start3A_81] : memref<10248x128xf32, #tpu.memory_space<vmem_shared>> -> memref<10248x128xf32, #tpu.memory_space<vmem_shared>>
      tpu.enqueue_indirect_dma source(%arg8 : memref<128x128xf32, #tpu.memory_space<vmem>>) target(%dma_start3A_82 : memref<10248x128xf32, #tpu.memory_space<vmem_shared>>) offsets(%dma_start3A_79 : memref<128xi32, #tpu.memory_space<vmem>>) semaphore(%arg13 : memref<!tpu.dma_semaphore, #tpu.memory_space<semaphore_mem>>) {add = true}
      %dma_wait3A_83 = arith.constant 0 : i32
      %dma_wait3A_84 = tpu.memref_slice %arg6[%add3A_48, %dma_wait3A_83] : memref<40x128xi32, #tpu.memory_space<vmem>> -> memref<1x128xi32, #tpu.memory_space<vmem>>
      %dma_wait3A_85 = tpu.memref_squeeze %dma_wait3A_84 : memref<1x128xi32, #tpu.memory_space<vmem>> -> memref<128xi32, #tpu.memory_space<vmem>>
      %dma_wait3A_86 = arith.constant 0 : i32
      %dma_wait3A_87 = arith.constant 0 : i32
      %dma_wait3A_88 = tpu.memref_slice %arg2[%arg0, %dma_wait3A_86, %dma_wait3A_87] : memref<2x10240x128xf32, #tpu.memory_space<hbm>> -> memref<1x10240x128xf32, #tpu.memory_space<hbm>>
      %dma_wait3A_89 = tpu.memref_squeeze %dma_wait3A_88 : memref<1x10240x128xf32, #tpu.memory_space<hbm>> -> memref<10240x128xf32, #tpu.memory_space<hbm>>
      %dma_wait3A_90 = arith.constant 0 : i32
      %dma_wait3A_91 = arith.constant 0 : i32
      %dma_wait3A_92 = tpu.memref_slice %dma_wait3A_89[%dma_wait3A_90, %dma_wait3A_91] : memref<10240x128xf32, #tpu.memory_space<hbm>> -> memref<10240x128xf32, #tpu.memory_space<hbm>>
      tpu.wait_indirect_dma semaphore(%arg12 : memref<!tpu.dma_semaphore, #tpu.memory_space<semaphore_mem>>) src(%dma_wait3A_92 : memref<10240x128xf32, #tpu.memory_space<hbm>>) dst(%arg9 : memref<128x128xf32, #tpu.memory_space<vmem>>)
      %dma_wait3A_93 = arith.constant 0 : i32
      %dma_wait3A_94 = tpu.memref_slice %arg7[%mul3A_46, %dma_wait3A_93] : memref<40x128xi32, #tpu.memory_space<vmem>> -> memref<1x128xi32, #tpu.memory_space<vmem>>
      %dma_wait3A_95 = tpu.memref_squeeze %dma_wait3A_94 : memref<1x128xi32, #tpu.memory_space<vmem>> -> memref<128xi32, #tpu.memory_space<vmem>>
      %dma_wait3A_96 = arith.constant 0 : i32
      %dma_wait3A_97 = arith.constant 0 : i32
      %dma_wait3A_98 = tpu.memref_slice %arg10[%dma_wait3A_96, %dma_wait3A_97] : memref<10248x128xf32, #tpu.memory_space<vmem_shared>> -> memref<10248x128xf32, #tpu.memory_space<vmem_shared>>
      tpu.wait_indirect_dma semaphore(%arg13 : memref<!tpu.dma_semaphore, #tpu.memory_space<semaphore_mem>>) src(%arg8 : memref<128x128xf32, #tpu.memory_space<vmem>>) dst(%dma_wait3A_98 : memref<10248x128xf32, #tpu.memory_space<vmem_shared>>)
      "tpu.region"() ({
        %run_scoped3A = tpu.sem_alloc : memref<!tpu.dma_semaphore, #tpu.memory_space<semaphore_mem>>
        %dma_start3A_100 = arith.constant 0 : i32
        %dma_start3A_101 = tpu.memref_slice %arg7[%add3A_48, %dma_start3A_100] : memref<40x128xi32, #tpu.memory_space<vmem>> -> memref<1x128xi32, #tpu.memory_space<vmem>>
        %dma_start3A_102 = tpu.memref_squeeze %dma_start3A_101 : memref<1x128xi32, #tpu.memory_space<vmem>> -> memref<128xi32, #tpu.memory_space<vmem>>
        %dma_start3A_103 = arith.constant 0 : i32
        %dma_start3A_104 = arith.constant 0 : i32
        %dma_start3A_105 = tpu.memref_slice %arg10[%dma_start3A_103, %dma_start3A_104] : memref<10248x128xf32, #tpu.memory_space<vmem_shared>> -> memref<10248x128xf32, #tpu.memory_space<vmem_shared>>
        tpu.enqueue_indirect_dma source(%arg9 : memref<128x128xf32, #tpu.memory_space<vmem>>) target(%dma_start3A_105 : memref<10248x128xf32, #tpu.memory_space<vmem_shared>>) offsets(%dma_start3A_102 : memref<128xi32, #tpu.memory_space<vmem>>) semaphore(%run_scoped3A : memref<!tpu.dma_semaphore, #tpu.memory_space<semaphore_mem>>) {add = true}
        %dma_wait3A_106 = arith.constant 0 : i32
        %dma_wait3A_107 = tpu.memref_slice %arg7[%add3A_48, %dma_wait3A_106] : memref<40x128xi32, #tpu.memory_space<vmem>> -> memref<1x128xi32, #tpu.memory_space<vmem>>
        %dma_wait3A_108 = tpu.memref_squeeze %dma_wait3A_107 : memref<1x128xi32, #tpu.memory_space<vmem>> -> memref<128xi32, #tpu.memory_space<vmem>>
        %dma_wait3A_109 = arith.constant 0 : i32
        %dma_wait3A_110 = arith.constant 0 : i32
        %dma_wait3A_111 = tpu.memref_slice %arg10[%dma_wait3A_109, %dma_wait3A_110] : memref<10248x128xf32, #tpu.memory_space<vmem_shared>> -> memref<10248x128xf32, #tpu.memory_space<vmem_shared>>
        tpu.wait_indirect_dma semaphore(%run_scoped3A : memref<!tpu.dma_semaphore, #tpu.memory_space<semaphore_mem>>) src(%arg9 : memref<128x128xf32, #tpu.memory_space<vmem>>) dst(%dma_wait3A_111 : memref<10248x128xf32, #tpu.memory_space<vmem_shared>>)
        tpu.yield
      }) : () -> ()
      %scan3A_99 = arith.constant 0 : i32
      scf.yield %scan3A_99 : i32
    }
    %scan3A_37 = arith.constant 20 : i32
    %barrier3A_38 = arith.constant 0 : index
    tpu.barrier barrier_id(%barrier3A_38)
    %mul3A_39 = arith.constant 640 : i32
    %mul3A_40 = arith.muli %arg1, %mul3A_39 : i32
    %mul3A_41 = arith.constant 640 : i32
    %mul3A_42 = arith.muli %arg1, %mul3A_41 : i32
    "tpu.region"() ({
      %run_scoped3A = tpu.sem_alloc : memref<!tpu.dma_semaphore, #tpu.memory_space<semaphore_mem>>
      %dma_start3A = arith.constant 0 : i32
      %dma_start3A_43 = arith.constant 0 : i32
      %dma_start3A_44 = tpu.memref_slice %arg5[%arg0, %dma_start3A, %dma_start3A_43] : memref<2x10240x128xf32, #tpu.memory_space<hbm>> -> memref<1x10240x128xf32, #tpu.memory_space<hbm>>
      %dma_start3A_45 = tpu.memref_squeeze %dma_start3A_44 : memref<1x10240x128xf32, #tpu.memory_space<hbm>> -> memref<10240x128xf32, #tpu.memory_space<hbm>>
      %dma_start3A_46 = arith.constant 0 : i32
      %dma_start3A_47 = tpu.memref_slice %dma_start3A_45[%mul3A_42, %dma_start3A_46] : memref<10240x128xf32, #tpu.memory_space<hbm>> -> memref<640x128xf32, #tpu.memory_space<hbm>>
      %dma_start3A_48 = arith.constant 0 : i32
      %dma_start3A_49 = tpu.memref_slice %arg10[%mul3A_40, %dma_start3A_48] : memref<10248x128xf32, #tpu.memory_space<vmem_shared>> -> memref<640x128xf32, #tpu.memory_space<vmem_shared>>
      tpu.enqueue_dma source(%dma_start3A_49 : memref<640x128xf32, #tpu.memory_space<vmem_shared>>) target(%dma_start3A_47 : memref<640x128xf32, #tpu.memory_space<hbm>>) target_semaphore(%run_scoped3A : memref<!tpu.dma_semaphore, #tpu.memory_space<semaphore_mem>>)
      %dma_wait3A = arith.constant 0 : i32
      %dma_wait3A_50 = arith.constant 0 : i32
      %dma_wait3A_51 = tpu.memref_slice %arg5[%arg0, %dma_wait3A, %dma_wait3A_50] : memref<2x10240x128xf32, #tpu.memory_space<hbm>> -> memref<1x10240x128xf32, #tpu.memory_space<hbm>>
      %dma_wait3A_52 = tpu.memref_squeeze %dma_wait3A_51 : memref<1x10240x128xf32, #tpu.memory_space<hbm>> -> memref<10240x128xf32, #tpu.memory_space<hbm>>
      %dma_wait3A_53 = arith.constant 0 : i32
      %dma_wait3A_54 = tpu.memref_slice %dma_wait3A_52[%mul3A_42, %dma_wait3A_53] : memref<10240x128xf32, #tpu.memory_space<hbm>> -> memref<640x128xf32, #tpu.memory_space<hbm>>
      %dma_wait3A_55 = arith.constant 0 : i32
      %dma_wait3A_56 = tpu.memref_slice %arg10[%mul3A_40, %dma_wait3A_55] : memref<10248x128xf32, #tpu.memory_space<vmem_shared>> -> memref<640x128xf32, #tpu.memory_space<vmem_shared>>
      tpu.wait_dma2 semaphore(%run_scoped3A : memref<!tpu.dma_semaphore, #tpu.memory_space<semaphore_mem>>) src(%dma_wait3A_56 : memref<640x128xf32, #tpu.memory_space<vmem_shared>>) dst(%dma_wait3A_54 : memref<640x128xf32, #tpu.memory_space<hbm>>)
      tpu.yield
    }) : () -> ()
    return
  }
}

#map = affine_map<(d0, d1) -> (0, 0, 0)>
module attributes {stable_mosaic.version = 14 : i64} {
  func.func @_scat_body(%arg0: i32, %arg1: i32, %arg2: memref<2x10240x128xf32, #tpu.memory_space<hbm>>, %arg3: memref<16x80x128xi32, #tpu.memory_space<hbm>>, %arg4: memref<16x80x128xi32, #tpu.memory_space<hbm>>, %arg5: memref<2x10240x128xf32, #tpu.memory_space<hbm>>, %arg6: memref<40x128xi32, #tpu.memory_space<vmem>>, %arg7: memref<40x128xi32, #tpu.memory_space<vmem>>, %arg8: memref<128x128xf32, #tpu.memory_space<vmem>>, %arg9: memref<128x128xf32, #tpu.memory_space<vmem>>, %arg10: memref<10248x128xf32, #tpu.memory_space<vmem_shared>>, %arg11: memref<!tpu.dma_semaphore, #tpu.memory_space<semaphore_mem>>, %arg12: memref<!tpu.dma_semaphore, #tpu.memory_space<semaphore_mem>>, %arg13: memref<!tpu.dma_semaphore, #tpu.memory_space<semaphore_mem>>) attributes {dimension_semantics = [#tpu.dimension_semantics<core_parallel>, #tpu.dimension_semantics<subcore_parallel>], iteration_bounds = array<i64: 2, 16>, scalar_prefetch = 0 : i64, scratch_operands = 8 : i64, tpu.core_type = #tpu.core_type<sc_vector_subcore>, window_params = [{transform_indices = #map}, {transform_indices = #map}, {transform_indices = #map}, {transform_indices = #map}]} {
    %scan3A = arith.constant 0 : i32
    %scan3A_0 = arith.constant 0 : i32
    %scan3A_1 = arith.constant 128 : i32
    %scan3A_2 = arith.addi %scan3A_0, %scan3A_1 : i32
    %scan3A_3 = arith.constant 1 : i32
    %scan3A_4 = scf.for %scan3A_43 = %scan3A_0 to %scan3A_2 step %scan3A_3 iter_args(%scan3A_44 = %scan3A) -> (i32)  : i32 {
      %scan3A_45 = arith.constant 0 : i32
      %scan3A_46 = arith.constant 0 : i32
      %scan3A_47 = arith.constant 8 : i32
      %scan3A_48 = arith.addi %scan3A_46, %scan3A_47 : i32
      %scan3A_49 = arith.constant 1 : i32
      %scan3A_50 = scf.for %scan3A_53 = %scan3A_46 to %scan3A_48 step %scan3A_49 iter_args(%scan3A_54 = %scan3A_45) -> (i32)  : i32 {
        %broadcast_in_dim3A = arith.constant 0.000000e+00 : f32
        %broadcast_in_dim3A_55 = vector.broadcast %broadcast_in_dim3A : f32 to vector<16xf32>
        %mul3A_56 = arith.constant 16 : i32
        %mul3A_57 = arith.muli %scan3A_53, %mul3A_56 : i32
        %swap3A = arith.index_cast %scan3A_43 : i32 to index
        %swap3A_58 = arith.index_cast %mul3A_57 : i32 to index
        %swap3A_59 = tpu.vector_load %arg8[%swap3A, %swap3A_58] {strides = array<i32>} : memref<128x128xf32, #tpu.memory_space<vmem>>, vector<1x16xf32>,
        %swap3A_60 = vector.shape_cast %swap3A_59 : vector<1x16xf32> to vector<16xf32>
        %swap3A_61 = vector.shape_cast %broadcast_in_dim3A_55 : vector<16xf32> to vector<1x16xf32>
        tpu.vector_store %arg8[%swap3A, %swap3A_58], %swap3A_61 {strides = array<i32>} : memref<128x128xf32, #tpu.memory_space<vmem>>, vector<1x16xf32>,
        %scan3A_62 = arith.constant 0 : i32
        scf.yield %scan3A_62 : i32
      }
      %scan3A_51 = arith.constant 8 : i32
      %scan3A_52 = arith.constant 0 : i32
      scf.yield %scan3A_52 : i32
    }
    %scan3A_5 = arith.constant 128 : i32
    %mul3A = arith.constant 640 : i32
    %mul3A_6 = arith.muli %arg1, %mul3A : i32
    %add3A = arith.constant 0 : i32
    %add3A_7 = arith.addi %mul3A_6, %add3A : i32
    "tpu.region"() ({
      %run_scoped3A = tpu.sem_alloc : memref<!tpu.dma_semaphore, #tpu.memory_space<semaphore_mem>>
      %dma_start3A = arith.constant 0 : i32
      %dma_start3A_43 = tpu.memref_slice %arg10[%add3A_7, %dma_start3A] : memref<10248x128xf32, #tpu.memory_space<vmem_shared>> -> memref<128x128xf32, #tpu.memory_space<vmem_shared>>
      %dma_start3A_44 = arith.constant 0 : i32
      %dma_start3A_45 = tpu.memref_slice %arg10[%add3A_7, %dma_start3A_44] : memref<10248x128xf32, #tpu.memory_space<vmem_shared>> -> memref<128x128xf32, #tpu.memory_space<vmem_shared>>
      tpu.enqueue_dma source(%arg8 : memref<128x128xf32, #tpu.memory_space<vmem>>) target(%dma_start3A_45 : memref<128x128xf32, #tpu.memory_space<vmem_shared>>) target_semaphore(%run_scoped3A : memref<!tpu.dma_semaphore, #tpu.memory_space<semaphore_mem>>)
      %dma_wait3A = arith.constant 0 : i32
      %dma_wait3A_46 = tpu.memref_slice %arg10[%add3A_7, %dma_wait3A] : memref<10248x128xf32, #tpu.memory_space<vmem_shared>> -> memref<128x128xf32, #tpu.memory_space<vmem_shared>>
      %dma_wait3A_47 = arith.constant 0 : i32
      %dma_wait3A_48 = tpu.memref_slice %arg10[%add3A_7, %dma_wait3A_47] : memref<10248x128xf32, #tpu.memory_space<vmem_shared>> -> memref<128x128xf32, #tpu.memory_space<vmem_shared>>
      tpu.wait_dma2 semaphore(%run_scoped3A : memref<!tpu.dma_semaphore, #tpu.memory_space<semaphore_mem>>) src(%arg8 : memref<128x128xf32, #tpu.memory_space<vmem>>) dst(%dma_wait3A_48 : memref<128x128xf32, #tpu.memory_space<vmem_shared>>)
      tpu.yield
    }) : () -> ()
    %mul3A_8 = arith.constant 640 : i32
    %mul3A_9 = arith.muli %arg1, %mul3A_8 : i32
    %add3A_10 = arith.constant 128 : i32
    %add3A_11 = arith.addi %mul3A_9, %add3A_10 : i32
    "tpu.region"() ({
      %run_scoped3A = tpu.sem_alloc : memref<!tpu.dma_semaphore, #tpu.memory_space<semaphore_mem>>
      %dma_start3A = arith.constant 0 : i32
      %dma_start3A_43 = tpu.memref_slice %arg10[%add3A_11, %dma_start3A] : memref<10248x128xf32, #tpu.memory_space<vmem_shared>> -> memref<128x128xf32, #tpu.memory_space<vmem_shared>>
      %dma_start3A_44 = arith.constant 0 : i32
      %dma_start3A_45 = tpu.memref_slice %arg10[%add3A_11, %dma_start3A_44] : memref<10248x128xf32, #tpu.memory_space<vmem_shared>> -> memref<128x128xf32, #tpu.memory_space<vmem_shared>>
      tpu.enqueue_dma source(%arg8 : memref<128x128xf32, #tpu.memory_space<vmem>>) target(%dma_start3A_45 : memref<128x128xf32, #tpu.memory_space<vmem_shared>>) target_semaphore(%run_scoped3A : memref<!tpu.dma_semaphore, #tpu.memory_space<semaphore_mem>>)
      %dma_wait3A = arith.constant 0 : i32
      %dma_wait3A_46 = tpu.memref_slice %arg10[%add3A_11, %dma_wait3A] : memref<10248x128xf32, #tpu.memory_space<vmem_shared>> -> memref<128x128xf32, #tpu.memory_space<vmem_shared>>
      %dma_wait3A_47 = arith.constant 0 : i32
      %dma_wait3A_48 = tpu.memref_slice %arg10[%add3A_11, %dma_wait3A_47] : memref<10248x128xf32, #tpu.memory_space<vmem_shared>> -> memref<128x128xf32, #tpu.memory_space<vmem_shared>>
      tpu.wait_dma2 semaphore(%run_scoped3A : memref<!tpu.dma_semaphore, #tpu.memory_space<semaphore_mem>>) src(%arg8 : memref<128x128xf32, #tpu.memory_space<vmem>>) dst(%dma_wait3A_48 : memref<128x128xf32, #tpu.memory_space<vmem_shared>>)
      tpu.yield
    }) : () -> ()
    %mul3A_12 = arith.constant 640 : i32
    %mul3A_13 = arith.muli %arg1, %mul3A_12 : i32
    %add3A_14 = arith.constant 256 : i32
    %add3A_15 = arith.addi %mul3A_13, %add3A_14 : i32
    "tpu.region"() ({
      %run_scoped3A = tpu.sem_alloc : memref<!tpu.dma_semaphore, #tpu.memory_space<semaphore_mem>>
      %dma_start3A = arith.constant 0 : i32
      %dma_start3A_43 = tpu.memref_slice %arg10[%add3A_15, %dma_start3A] : memref<10248x128xf32, #tpu.memory_space<vmem_shared>> -> memref<128x128xf32, #tpu.memory_space<vmem_shared>>
      %dma_start3A_44 = arith.constant 0 : i32
      %dma_start3A_45 = tpu.memref_slice %arg10[%add3A_15, %dma_start3A_44] : memref<10248x128xf32, #tpu.memory_space<vmem_shared>> -> memref<128x128xf32, #tpu.memory_space<vmem_shared>>
      tpu.enqueue_dma source(%arg8 : memref<128x128xf32, #tpu.memory_space<vmem>>) target(%dma_start3A_45 : memref<128x128xf32, #tpu.memory_space<vmem_shared>>) target_semaphore(%run_scoped3A : memref<!tpu.dma_semaphore, #tpu.memory_space<semaphore_mem>>)
      %dma_wait3A = arith.constant 0 : i32
      %dma_wait3A_46 = tpu.memref_slice %arg10[%add3A_15, %dma_wait3A] : memref<10248x128xf32, #tpu.memory_space<vmem_shared>> -> memref<128x128xf32, #tpu.memory_space<vmem_shared>>
      %dma_wait3A_47 = arith.constant 0 : i32
      %dma_wait3A_48 = tpu.memref_slice %arg10[%add3A_15, %dma_wait3A_47] : memref<10248x128xf32, #tpu.memory_space<vmem_shared>> -> memref<128x128xf32, #tpu.memory_space<vmem_shared>>
      tpu.wait_dma2 semaphore(%run_scoped3A : memref<!tpu.dma_semaphore, #tpu.memory_space<semaphore_mem>>) src(%arg8 : memref<128x128xf32, #tpu.memory_space<vmem>>) dst(%dma_wait3A_48 : memref<128x128xf32, #tpu.memory_space<vmem_shared>>)
      tpu.yield
    }) : () -> ()
    %mul3A_16 = arith.constant 640 : i32
    %mul3A_17 = arith.muli %arg1, %mul3A_16 : i32
    %add3A_18 = arith.constant 384 : i32
    %add3A_19 = arith.addi %mul3A_17, %add3A_18 : i32
    "tpu.region"() ({
      %run_scoped3A = tpu.sem_alloc : memref<!tpu.dma_semaphore, #tpu.memory_space<semaphore_mem>>
      %dma_start3A = arith.constant 0 : i32
      %dma_start3A_43 = tpu.memref_slice %arg10[%add3A_19, %dma_start3A] : memref<10248x128xf32, #tpu.memory_space<vmem_shared>> -> memref<128x128xf32, #tpu.memory_space<vmem_shared>>
      %dma_start3A_44 = arith.constant 0 : i32
      %dma_start3A_45 = tpu.memref_slice %arg10[%add3A_19, %dma_start3A_44] : memref<10248x128xf32, #tpu.memory_space<vmem_shared>> -> memref<128x128xf32, #tpu.memory_space<vmem_shared>>
      tpu.enqueue_dma source(%arg8 : memref<128x128xf32, #tpu.memory_space<vmem>>) target(%dma_start3A_45 : memref<128x128xf32, #tpu.memory_space<vmem_shared>>) target_semaphore(%run_scoped3A : memref<!tpu.dma_semaphore, #tpu.memory_space<semaphore_mem>>)
      %dma_wait3A = arith.constant 0 : i32
      %dma_wait3A_46 = tpu.memref_slice %arg10[%add3A_19, %dma_wait3A] : memref<10248x128xf32, #tpu.memory_space<vmem_shared>> -> memref<128x128xf32, #tpu.memory_space<vmem_shared>>
      %dma_wait3A_47 = arith.constant 0 : i32
      %dma_wait3A_48 = tpu.memref_slice %arg10[%add3A_19, %dma_wait3A_47] : memref<10248x128xf32, #tpu.memory_space<vmem_shared>> -> memref<128x128xf32, #tpu.memory_space<vmem_shared>>
      tpu.wait_dma2 semaphore(%run_scoped3A : memref<!tpu.dma_semaphore, #tpu.memory_space<semaphore_mem>>) src(%arg8 : memref<128x128xf32, #tpu.memory_space<vmem>>) dst(%dma_wait3A_48 : memref<128x128xf32, #tpu.memory_space<vmem_shared>>)
      tpu.yield
    }) : () -> ()
    %mul3A_20 = arith.constant 640 : i32
    %mul3A_21 = arith.muli %arg1, %mul3A_20 : i32
    %add3A_22 = arith.constant 512 : i32
    %add3A_23 = arith.addi %mul3A_21, %add3A_22 : i32
    "tpu.region"() ({
      %run_scoped3A = tpu.sem_alloc : memref<!tpu.dma_semaphore, #tpu.memory_space<semaphore_mem>>
      %dma_start3A = arith.constant 0 : i32
      %dma_start3A_43 = tpu.memref_slice %arg10[%add3A_23, %dma_start3A] : memref<10248x128xf32, #tpu.memory_space<vmem_shared>> -> memref<128x128xf32, #tpu.memory_space<vmem_shared>>
      %dma_start3A_44 = arith.constant 0 : i32
      %dma_start3A_45 = tpu.memref_slice %arg10[%add3A_23, %dma_start3A_44] : memref<10248x128xf32, #tpu.memory_space<vmem_shared>> -> memref<128x128xf32, #tpu.memory_space<vmem_shared>>
      tpu.enqueue_dma source(%arg8 : memref<128x128xf32, #tpu.memory_space<vmem>>) target(%dma_start3A_45 : memref<128x128xf32, #tpu.memory_space<vmem_shared>>) target_semaphore(%run_scoped3A : memref<!tpu.dma_semaphore, #tpu.memory_space<semaphore_mem>>)
      %dma_wait3A = arith.constant 0 : i32
      %dma_wait3A_46 = tpu.memref_slice %arg10[%add3A_23, %dma_wait3A] : memref<10248x128xf32, #tpu.memory_space<vmem_shared>> -> memref<128x128xf32, #tpu.memory_space<vmem_shared>>
      %dma_wait3A_47 = arith.constant 0 : i32
      %dma_wait3A_48 = tpu.memref_slice %arg10[%add3A_23, %dma_wait3A_47] : memref<10248x128xf32, #tpu.memory_space<vmem_shared>> -> memref<128x128xf32, #tpu.memory_space<vmem_shared>>
      tpu.wait_dma2 semaphore(%run_scoped3A : memref<!tpu.dma_semaphore, #tpu.memory_space<semaphore_mem>>) src(%arg8 : memref<128x128xf32, #tpu.memory_space<vmem>>) dst(%dma_wait3A_48 : memref<128x128xf32, #tpu.memory_space<vmem_shared>>)
      tpu.yield
    }) : () -> ()
    %barrier3A = arith.constant 0 : index
    tpu.barrier barrier_id(%barrier3A)
    "tpu.region"() ({
      %run_scoped3A = tpu.sem_alloc : memref<!tpu.dma_semaphore, #tpu.memory_space<semaphore_mem>>
      %dma_start3A = arith.constant 0 : i32
      %dma_start3A_43 = arith.constant 0 : i32
      %dma_start3A_44 = tpu.memref_slice %arg3[%arg1, %dma_start3A, %dma_start3A_43] : memref<16x80x128xi32, #tpu.memory_space<hbm>> -> memref<1x40x128xi32, #tpu.memory_space<hbm>>
      %dma_start3A_45 = tpu.memref_squeeze %dma_start3A_44 : memref<1x40x128xi32, #tpu.memory_space<hbm>> -> memref<40x128xi32, #tpu.memory_space<hbm>>
      %dma_start3A_46 = arith.constant 0 : i32
      %dma_start3A_47 = arith.constant 0 : i32
      %dma_start3A_48 = tpu.memref_slice %arg3[%arg1, %dma_start3A_46, %dma_start3A_47] : memref<16x80x128xi32, #tpu.memory_space<hbm>> -> memref<1x40x128xi32, #tpu.memory_space<hbm>>
      %dma_start3A_49 = tpu.memref_squeeze %dma_start3A_48 : memref<1x40x128xi32, #tpu.memory_space<hbm>> -> memref<40x128xi32, #tpu.memory_space<hbm>>
      tpu.enqueue_dma source(%dma_start3A_49 : memref<40x128xi32, #tpu.memory_space<hbm>>) target(%arg6 : memref<40x128xi32, #tpu.memory_space<vmem>>) target_semaphore(%run_scoped3A : memref<!tpu.dma_semaphore, #tpu.memory_space<semaphore_mem>>)
      %dma_wait3A = arith.constant 0 : i32
      %dma_wait3A_50 = arith.constant 0 : i32
      %dma_wait3A_51 = tpu.memref_slice %arg3[%arg1, %dma_wait3A, %dma_wait3A_50] : memref<16x80x128xi32, #tpu.memory_space<hbm>> -> memref<1x40x128xi32, #tpu.memory_space<hbm>>
      %dma_wait3A_52 = tpu.memref_squeeze %dma_wait3A_51 : memref<1x40x128xi32, #tpu.memory_space<hbm>> -> memref<40x128xi32, #tpu.memory_space<hbm>>
      %dma_wait3A_53 = arith.constant 0 : i32
      %dma_wait3A_54 = arith.constant 0 : i32
      %dma_wait3A_55 = tpu.memref_slice %arg3[%arg1, %dma_wait3A_53, %dma_wait3A_54] : memref<16x80x128xi32, #tpu.memory_space<hbm>> -> memref<1x40x128xi32, #tpu.memory_space<hbm>>
      %dma_wait3A_56 = tpu.memref_squeeze %dma_wait3A_55 : memref<1x40x128xi32, #tpu.memory_space<hbm>> -> memref<40x128xi32, #tpu.memory_space<hbm>>
      tpu.wait_dma2 semaphore(%run_scoped3A : memref<!tpu.dma_semaphore, #tpu.memory_space<semaphore_mem>>) src(%dma_wait3A_56 : memref<40x128xi32, #tpu.memory_space<hbm>>) dst(%arg6 : memref<40x128xi32, #tpu.memory_space<vmem>>)
      tpu.yield
    }) : () -> ()
    "tpu.region"() ({
      %run_scoped3A = tpu.sem_alloc : memref<!tpu.dma_semaphore, #tpu.memory_space<semaphore_mem>>
      %dma_start3A = arith.constant 0 : i32
      %dma_start3A_43 = arith.constant 0 : i32
      %dma_start3A_44 = tpu.memref_slice %arg4[%arg1, %dma_start3A, %dma_start3A_43] : memref<16x80x128xi32, #tpu.memory_space<hbm>> -> memref<1x40x128xi32, #tpu.memory_space<hbm>>
      %dma_start3A_45 = tpu.memref_squeeze %dma_start3A_44 : memref<1x40x128xi32, #tpu.memory_space<hbm>> -> memref<40x128xi32, #tpu.memory_space<hbm>>
      %dma_start3A_46 = arith.constant 0 : i32
      %dma_start3A_47 = arith.constant 0 : i32
      %dma_start3A_48 = tpu.memref_slice %arg4[%arg1, %dma_start3A_46, %dma_start3A_47] : memref<16x80x128xi32, #tpu.memory_space<hbm>> -> memref<1x40x128xi32, #tpu.memory_space<hbm>>
      %dma_start3A_49 = tpu.memref_squeeze %dma_start3A_48 : memref<1x40x128xi32, #tpu.memory_space<hbm>> -> memref<40x128xi32, #tpu.memory_space<hbm>>
      tpu.enqueue_dma source(%dma_start3A_49 : memref<40x128xi32, #tpu.memory_space<hbm>>) target(%arg7 : memref<40x128xi32, #tpu.memory_space<vmem>>) target_semaphore(%run_scoped3A : memref<!tpu.dma_semaphore, #tpu.memory_space<semaphore_mem>>)
      %dma_wait3A = arith.constant 0 : i32
      %dma_wait3A_50 = arith.constant 0 : i32
      %dma_wait3A_51 = tpu.memref_slice %arg4[%arg1, %dma_wait3A, %dma_wait3A_50] : memref<16x80x128xi32, #tpu.memory_space<hbm>> -> memref<1x40x128xi32, #tpu.memory_space<hbm>>
      %dma_wait3A_52 = tpu.memref_squeeze %dma_wait3A_51 : memref<1x40x128xi32, #tpu.memory_space<hbm>> -> memref<40x128xi32, #tpu.memory_space<hbm>>
      %dma_wait3A_53 = arith.constant 0 : i32
      %dma_wait3A_54 = arith.constant 0 : i32
      %dma_wait3A_55 = tpu.memref_slice %arg4[%arg1, %dma_wait3A_53, %dma_wait3A_54] : memref<16x80x128xi32, #tpu.memory_space<hbm>> -> memref<1x40x128xi32, #tpu.memory_space<hbm>>
      %dma_wait3A_56 = tpu.memref_squeeze %dma_wait3A_55 : memref<1x40x128xi32, #tpu.memory_space<hbm>> -> memref<40x128xi32, #tpu.memory_space<hbm>>
      tpu.wait_dma2 semaphore(%run_scoped3A : memref<!tpu.dma_semaphore, #tpu.memory_space<semaphore_mem>>) src(%dma_wait3A_56 : memref<40x128xi32, #tpu.memory_space<hbm>>) dst(%arg7 : memref<40x128xi32, #tpu.memory_space<vmem>>)
      tpu.yield
    }) : () -> ()
    %scan3A_24 = arith.constant 0 : i32
    %scan3A_25 = arith.constant 0 : i32
    %scan3A_26 = arith.constant 20 : i32
    %scan3A_27 = arith.addi %scan3A_25, %scan3A_26 : i32
    %scan3A_28 = arith.constant 1 : i32
    %scan3A_29 = scf.for %scan3A_43 = %scan3A_25 to %scan3A_27 step %scan3A_28 iter_args(%scan3A_44 = %scan3A_24) -> (i32)  : i32 {
      %mul3A_45 = arith.constant 2 : i32
      %mul3A_46 = arith.muli %mul3A_45, %scan3A_43 : i32
      %add3A_47 = arith.constant 1 : i32
      %add3A_48 = arith.addi %mul3A_46, %add3A_47 : i32
      %dma_start3A = arith.constant 0 : i32
      %dma_start3A_49 = tpu.memref_slice %arg6[%mul3A_46, %dma_start3A] : memref<40x128xi32, #tpu.memory_space<vmem>> -> memref<1x128xi32, #tpu.memory_space<vmem>>
      %dma_start3A_50 = tpu.memref_squeeze %dma_start3A_49 : memref<1x128xi32, #tpu.memory_space<vmem>> -> memref<128xi32, #tpu.memory_space<vmem>>
      %dma_start3A_51 = arith.constant 0 : i32
      %dma_start3A_52 = arith.constant 0 : i32
      %dma_start3A_53 = tpu.memref_slice %arg2[%arg0, %dma_start3A_51, %dma_start3A_52] : memref<2x10240x128xf32, #tpu.memory_space<hbm>> -> memref<1x10240x128xf32, #tpu.memory_space<hbm>>
      %dma_start3A_54 = tpu.memref_squeeze %dma_start3A_53 : memref<1x10240x128xf32, #tpu.memory_space<hbm>> -> memref<10240x128xf32, #tpu.memory_space<hbm>>
      %dma_start3A_55 = arith.constant 0 : i32
      %dma_start3A_56 = arith.constant 0 : i32
      %dma_start3A_57 = tpu.memref_slice %dma_start3A_54[%dma_start3A_55, %dma_start3A_56] : memref<10240x128xf32, #tpu.memory_space<hbm>> -> memref<10240x128xf32, #tpu.memory_space<hbm>>
      tpu.enqueue_indirect_dma source(%dma_start3A_57 : memref<10240x128xf32, #tpu.memory_space<hbm>>) target(%arg8 : memref<128x128xf32, #tpu.memory_space<vmem>>) offsets(%dma_start3A_50 : memref<128xi32, #tpu.memory_space<vmem>>) semaphore(%arg11 : memref<!tpu.dma_semaphore, #tpu.memory_space<semaphore_mem>>)
      %dma_start3A_58 = arith.constant 0 : i32
      %dma_start3A_59 = tpu.memref_slice %arg6[%add3A_48, %dma_start3A_58] : memref<40x128xi32, #tpu.memory_space<vmem>> -> memref<1x128xi32, #tpu.memory_space<vmem>>
      %dma_start3A_60 = tpu.memref_squeeze %dma_start3A_59 : memref<1x128xi32, #tpu.memory_space<vmem>> -> memref<128xi32, #tpu.memory_space<vmem>>
      %dma_start3A_61 = arith.constant 0 : i32
      %dma_start3A_62 = arith.constant 0 : i32
      %dma_start3A_63 = tpu.memref_slice %arg2[%arg0, %dma_start3A_61, %dma_start3A_62] : memref<2x10240x128xf32, #tpu.memory_space<hbm>> -> memref<1x10240x128xf32, #tpu.memory_space<hbm>>
      %dma_start3A_64 = tpu.memref_squeeze %dma_start3A_63 : memref<1x10240x128xf32, #tpu.memory_space<hbm>> -> memref<10240x128xf32, #tpu.memory_space<hbm>>
      %dma_start3A_65 = arith.constant 0 : i32
      %dma_start3A_66 = arith.constant 0 : i32
      %dma_start3A_67 = tpu.memref_slice %dma_start3A_64[%dma_start3A_65, %dma_start3A_66] : memref<10240x128xf32, #tpu.memory_space<hbm>> -> memref<10240x128xf32, #tpu.memory_space<hbm>>
      tpu.enqueue_indirect_dma source(%dma_start3A_67 : memref<10240x128xf32, #tpu.memory_space<hbm>>) target(%arg9 : memref<128x128xf32, #tpu.memory_space<vmem>>) offsets(%dma_start3A_60 : memref<128xi32, #tpu.memory_space<vmem>>) semaphore(%arg12 : memref<!tpu.dma_semaphore, #tpu.memory_space<semaphore_mem>>)
      %dma_wait3A = arith.constant 0 : i32
      %dma_wait3A_68 = tpu.memref_slice %arg6[%mul3A_46, %dma_wait3A] : memref<40x128xi32, #tpu.memory_space<vmem>> -> memref<1x128xi32, #tpu.memory_space<vmem>>
      %dma_wait3A_69 = tpu.memref_squeeze %dma_wait3A_68 : memref<1x128xi32, #tpu.memory_space<vmem>> -> memref<128xi32, #tpu.memory_space<vmem>>
      %dma_wait3A_70 = arith.constant 0 : i32
      %dma_wait3A_71 = arith.constant 0 : i32
      %dma_wait3A_72 = tpu.memref_slice %arg2[%arg0, %dma_wait3A_70, %dma_wait3A_71] : memref<2x10240x128xf32, #tpu.memory_space<hbm>> -> memref<1x10240x128xf32, #tpu.memory_space<hbm>>
      %dma_wait3A_73 = tpu.memref_squeeze %dma_wait3A_72 : memref<1x10240x128xf32, #tpu.memory_space<hbm>> -> memref<10240x128xf32, #tpu.memory_space<hbm>>
      %dma_wait3A_74 = arith.constant 0 : i32
      %dma_wait3A_75 = arith.constant 0 : i32
      %dma_wait3A_76 = tpu.memref_slice %dma_wait3A_73[%dma_wait3A_74, %dma_wait3A_75] : memref<10240x128xf32, #tpu.memory_space<hbm>> -> memref<10240x128xf32, #tpu.memory_space<hbm>>
      tpu.wait_indirect_dma semaphore(%arg11 : memref<!tpu.dma_semaphore, #tpu.memory_space<semaphore_mem>>) src(%dma_wait3A_76 : memref<10240x128xf32, #tpu.memory_space<hbm>>) dst(%arg8 : memref<128x128xf32, #tpu.memory_space<vmem>>)
      %dma_start3A_77 = arith.constant 0 : i32
      %dma_start3A_78 = tpu.memref_slice %arg7[%mul3A_46, %dma_start3A_77] : memref<40x128xi32, #tpu.memory_space<vmem>> -> memref<1x128xi32, #tpu.memory_space<vmem>>
      %dma_start3A_79 = tpu.memref_squeeze %dma_start3A_78 : memref<1x128xi32, #tpu.memory_space<vmem>> -> memref<128xi32, #tpu.memory_space<vmem>>
      %dma_start3A_80 = arith.constant 0 : i32
      %dma_start3A_81 = arith.constant 0 : i32
      %dma_start3A_82 = tpu.memref_slice %arg10[%dma_start3A_80, %dma_start3A_81] : memref<10248x128xf32, #tpu.memory_space<vmem_shared>> -> memref<10248x128xf32, #tpu.memory_space<vmem_shared>>
      tpu.enqueue_indirect_dma source(%arg8 : memref<128x128xf32, #tpu.memory_space<vmem>>) target(%dma_start3A_82 : memref<10248x128xf32, #tpu.memory_space<vmem_shared>>) offsets(%dma_start3A_79 : memref<128xi32, #tpu.memory_space<vmem>>) semaphore(%arg13 : memref<!tpu.dma_semaphore, #tpu.memory_space<semaphore_mem>>) {add = true}
      %dma_wait3A_83 = arith.constant 0 : i32
      %dma_wait3A_84 = tpu.memref_slice %arg6[%add3A_48, %dma_wait3A_83] : memref<40x128xi32, #tpu.memory_space<vmem>> -> memref<1x128xi32, #tpu.memory_space<vmem>>
      %dma_wait3A_85 = tpu.memref_squeeze %dma_wait3A_84 : memref<1x128xi32, #tpu.memory_space<vmem>> -> memref<128xi32, #tpu.memory_space<vmem>>
      %dma_wait3A_86 = arith.constant 0 : i32
      %dma_wait3A_87 = arith.constant 0 : i32
      %dma_wait3A_88 = tpu.memref_slice %arg2[%arg0, %dma_wait3A_86, %dma_wait3A_87] : memref<2x10240x128xf32, #tpu.memory_space<hbm>> -> memref<1x10240x128xf32, #tpu.memory_space<hbm>>
      %dma_wait3A_89 = tpu.memref_squeeze %dma_wait3A_88 : memref<1x10240x128xf32, #tpu.memory_space<hbm>> -> memref<10240x128xf32, #tpu.memory_space<hbm>>
      %dma_wait3A_90 = arith.constant 0 : i32
      %dma_wait3A_91 = arith.constant 0 : i32
      %dma_wait3A_92 = tpu.memref_slice %dma_wait3A_89[%dma_wait3A_90, %dma_wait3A_91] : memref<10240x128xf32, #tpu.memory_space<hbm>> -> memref<10240x128xf32, #tpu.memory_space<hbm>>
      tpu.wait_indirect_dma semaphore(%arg12 : memref<!tpu.dma_semaphore, #tpu.memory_space<semaphore_mem>>) src(%dma_wait3A_92 : memref<10240x128xf32, #tpu.memory_space<hbm>>) dst(%arg9 : memref<128x128xf32, #tpu.memory_space<vmem>>)
      %dma_wait3A_93 = arith.constant 0 : i32
      %dma_wait3A_94 = tpu.memref_slice %arg7[%mul3A_46, %dma_wait3A_93] : memref<40x128xi32, #tpu.memory_space<vmem>> -> memref<1x128xi32, #tpu.memory_space<vmem>>
      %dma_wait3A_95 = tpu.memref_squeeze %dma_wait3A_94 : memref<1x128xi32, #tpu.memory_space<vmem>> -> memref<128xi32, #tpu.memory_space<vmem>>
      %dma_wait3A_96 = arith.constant 0 : i32
      %dma_wait3A_97 = arith.constant 0 : i32
      %dma_wait3A_98 = tpu.memref_slice %arg10[%dma_wait3A_96, %dma_wait3A_97] : memref<10248x128xf32, #tpu.memory_space<vmem_shared>> -> memref<10248x128xf32, #tpu.memory_space<vmem_shared>>
      tpu.wait_indirect_dma semaphore(%arg13 : memref<!tpu.dma_semaphore, #tpu.memory_space<semaphore_mem>>) src(%arg8 : memref<128x128xf32, #tpu.memory_space<vmem>>) dst(%dma_wait3A_98 : memref<10248x128xf32, #tpu.memory_space<vmem_shared>>)
      "tpu.region"() ({
        %run_scoped3A = tpu.sem_alloc : memref<!tpu.dma_semaphore, #tpu.memory_space<semaphore_mem>>
        %dma_start3A_100 = arith.constant 0 : i32
        %dma_start3A_101 = tpu.memref_slice %arg7[%add3A_48, %dma_start3A_100] : memref<40x128xi32, #tpu.memory_space<vmem>> -> memref<1x128xi32, #tpu.memory_space<vmem>>
        %dma_start3A_102 = tpu.memref_squeeze %dma_start3A_101 : memref<1x128xi32, #tpu.memory_space<vmem>> -> memref<128xi32, #tpu.memory_space<vmem>>
        %dma_start3A_103 = arith.constant 0 : i32
        %dma_start3A_104 = arith.constant 0 : i32
        %dma_start3A_105 = tpu.memref_slice %arg10[%dma_start3A_103, %dma_start3A_104] : memref<10248x128xf32, #tpu.memory_space<vmem_shared>> -> memref<10248x128xf32, #tpu.memory_space<vmem_shared>>
        tpu.enqueue_indirect_dma source(%arg9 : memref<128x128xf32, #tpu.memory_space<vmem>>) target(%dma_start3A_105 : memref<10248x128xf32, #tpu.memory_space<vmem_shared>>) offsets(%dma_start3A_102 : memref<128xi32, #tpu.memory_space<vmem>>) semaphore(%run_scoped3A : memref<!tpu.dma_semaphore, #tpu.memory_space<semaphore_mem>>) {add = true}
        %dma_wait3A_106 = arith.constant 0 : i32
        %dma_wait3A_107 = tpu.memref_slice %arg7[%add3A_48, %dma_wait3A_106] : memref<40x128xi32, #tpu.memory_space<vmem>> -> memref<1x128xi32, #tpu.memory_space<vmem>>
        %dma_wait3A_108 = tpu.memref_squeeze %dma_wait3A_107 : memref<1x128xi32, #tpu.memory_space<vmem>> -> memref<128xi32, #tpu.memory_space<vmem>>
        %dma_wait3A_109 = arith.constant 0 : i32
        %dma_wait3A_110 = arith.constant 0 : i32
        %dma_wait3A_111 = tpu.memref_slice %arg10[%dma_wait3A_109, %dma_wait3A_110] : memref<10248x128xf32, #tpu.memory_space<vmem_shared>> -> memref<10248x128xf32, #tpu.memory_space<vmem_shared>>
        tpu.wait_indirect_dma semaphore(%run_scoped3A : memref<!tpu.dma_semaphore, #tpu.memory_space<semaphore_mem>>) src(%arg9 : memref<128x128xf32, #tpu.memory_space<vmem>>) dst(%dma_wait3A_111 : memref<10248x128xf32, #tpu.memory_space<vmem_shared>>)
        tpu.yield
      }) : () -> ()
      %scan3A_99 = arith.constant 0 : i32
      scf.yield %scan3A_99 : i32
    }
    %scan3A_30 = arith.constant 20 : i32
    "tpu.region"() ({
      %run_scoped3A = tpu.sem_alloc : memref<!tpu.dma_semaphore, #tpu.memory_space<semaphore_mem>>
      %dma_start3A = arith.constant 40 : i32
      %dma_start3A_43 = arith.constant 0 : i32
      %dma_start3A_44 = tpu.memref_slice %arg3[%arg1, %dma_start3A, %dma_start3A_43] : memref<16x80x128xi32, #tpu.memory_space<hbm>> -> memref<1x40x128xi32, #tpu.memory_space<hbm>>
      %dma_start3A_45 = tpu.memref_squeeze %dma_start3A_44 : memref<1x40x128xi32, #tpu.memory_space<hbm>> -> memref<40x128xi32, #tpu.memory_space<hbm>>
      %dma_start3A_46 = arith.constant 40 : i32
      %dma_start3A_47 = arith.constant 0 : i32
      %dma_start3A_48 = tpu.memref_slice %arg3[%arg1, %dma_start3A_46, %dma_start3A_47] : memref<16x80x128xi32, #tpu.memory_space<hbm>> -> memref<1x40x128xi32, #tpu.memory_space<hbm>>
      %dma_start3A_49 = tpu.memref_squeeze %dma_start3A_48 : memref<1x40x128xi32, #tpu.memory_space<hbm>> -> memref<40x128xi32, #tpu.memory_space<hbm>>
      tpu.enqueue_dma source(%dma_start3A_49 : memref<40x128xi32, #tpu.memory_space<hbm>>) target(%arg6 : memref<40x128xi32, #tpu.memory_space<vmem>>) target_semaphore(%run_scoped3A : memref<!tpu.dma_semaphore, #tpu.memory_space<semaphore_mem>>)
      %dma_wait3A = arith.constant 40 : i32
      %dma_wait3A_50 = arith.constant 0 : i32
      %dma_wait3A_51 = tpu.memref_slice %arg3[%arg1, %dma_wait3A, %dma_wait3A_50] : memref<16x80x128xi32, #tpu.memory_space<hbm>> -> memref<1x40x128xi32, #tpu.memory_space<hbm>>
      %dma_wait3A_52 = tpu.memref_squeeze %dma_wait3A_51 : memref<1x40x128xi32, #tpu.memory_space<hbm>> -> memref<40x128xi32, #tpu.memory_space<hbm>>
      %dma_wait3A_53 = arith.constant 40 : i32
      %dma_wait3A_54 = arith.constant 0 : i32
      %dma_wait3A_55 = tpu.memref_slice %arg3[%arg1, %dma_wait3A_53, %dma_wait3A_54] : memref<16x80x128xi32, #tpu.memory_space<hbm>> -> memref<1x40x128xi32, #tpu.memory_space<hbm>>
      %dma_wait3A_56 = tpu.memref_squeeze %dma_wait3A_55 : memref<1x40x128xi32, #tpu.memory_space<hbm>> -> memref<40x128xi32, #tpu.memory_space<hbm>>
      tpu.wait_dma2 semaphore(%run_scoped3A : memref<!tpu.dma_semaphore, #tpu.memory_space<semaphore_mem>>) src(%dma_wait3A_56 : memref<40x128xi32, #tpu.memory_space<hbm>>) dst(%arg6 : memref<40x128xi32, #tpu.memory_space<vmem>>)
      tpu.yield
    }) : () -> ()
    "tpu.region"() ({
      %run_scoped3A = tpu.sem_alloc : memref<!tpu.dma_semaphore, #tpu.memory_space<semaphore_mem>>
      %dma_start3A = arith.constant 40 : i32
      %dma_start3A_43 = arith.constant 0 : i32
      %dma_start3A_44 = tpu.memref_slice %arg4[%arg1, %dma_start3A, %dma_start3A_43] : memref<16x80x128xi32, #tpu.memory_space<hbm>> -> memref<1x40x128xi32, #tpu.memory_space<hbm>>
      %dma_start3A_45 = tpu.memref_squeeze %dma_start3A_44 : memref<1x40x128xi32, #tpu.memory_space<hbm>> -> memref<40x128xi32, #tpu.memory_space<hbm>>
      %dma_start3A_46 = arith.constant 40 : i32
      %dma_start3A_47 = arith.constant 0 : i32
      %dma_start3A_48 = tpu.memref_slice %arg4[%arg1, %dma_start3A_46, %dma_start3A_47] : memref<16x80x128xi32, #tpu.memory_space<hbm>> -> memref<1x40x128xi32, #tpu.memory_space<hbm>>
      %dma_start3A_49 = tpu.memref_squeeze %dma_start3A_48 : memref<1x40x128xi32, #tpu.memory_space<hbm>> -> memref<40x128xi32, #tpu.memory_space<hbm>>
      tpu.enqueue_dma source(%dma_start3A_49 : memref<40x128xi32, #tpu.memory_space<hbm>>) target(%arg7 : memref<40x128xi32, #tpu.memory_space<vmem>>) target_semaphore(%run_scoped3A : memref<!tpu.dma_semaphore, #tpu.memory_space<semaphore_mem>>)
      %dma_wait3A = arith.constant 40 : i32
      %dma_wait3A_50 = arith.constant 0 : i32
      %dma_wait3A_51 = tpu.memref_slice %arg4[%arg1, %dma_wait3A, %dma_wait3A_50] : memref<16x80x128xi32, #tpu.memory_space<hbm>> -> memref<1x40x128xi32, #tpu.memory_space<hbm>>
      %dma_wait3A_52 = tpu.memref_squeeze %dma_wait3A_51 : memref<1x40x128xi32, #tpu.memory_space<hbm>> -> memref<40x128xi32, #tpu.memory_space<hbm>>
      %dma_wait3A_53 = arith.constant 40 : i32
      %dma_wait3A_54 = arith.constant 0 : i32
      %dma_wait3A_55 = tpu.memref_slice %arg4[%arg1, %dma_wait3A_53, %dma_wait3A_54] : memref<16x80x128xi32, #tpu.memory_space<hbm>> -> memref<1x40x128xi32, #tpu.memory_space<hbm>>
      %dma_wait3A_56 = tpu.memref_squeeze %dma_wait3A_55 : memref<1x40x128xi32, #tpu.memory_space<hbm>> -> memref<40x128xi32, #tpu.memory_space<hbm>>
      tpu.wait_dma2 semaphore(%run_scoped3A : memref<!tpu.dma_semaphore, #tpu.memory_space<semaphore_mem>>) src(%dma_wait3A_56 : memref<40x128xi32, #tpu.memory_space<hbm>>) dst(%arg7 : memref<40x128xi32, #tpu.memory_space<vmem>>)
      tpu.yield
    }) : () -> ()
    %scan3A_31 = arith.constant 0 : i32
    %scan3A_32 = arith.constant 0 : i32
    %scan3A_33 = arith.constant 20 : i32
    %scan3A_34 = arith.addi %scan3A_32, %scan3A_33 : i32
    %scan3A_35 = arith.constant 1 : i32
    %scan3A_36 = scf.for %scan3A_43 = %scan3A_32 to %scan3A_34 step %scan3A_35 iter_args(%scan3A_44 = %scan3A_31) -> (i32)  : i32 {
      %mul3A_45 = arith.constant 2 : i32
      %mul3A_46 = arith.muli %mul3A_45, %scan3A_43 : i32
      %add3A_47 = arith.constant 1 : i32
      %add3A_48 = arith.addi %mul3A_46, %add3A_47 : i32
      %dma_start3A = arith.constant 0 : i32
      %dma_start3A_49 = tpu.memref_slice %arg6[%mul3A_46, %dma_start3A] : memref<40x128xi32, #tpu.memory_space<vmem>> -> memref<1x128xi32, #tpu.memory_space<vmem>>
      %dma_start3A_50 = tpu.memref_squeeze %dma_start3A_49 : memref<1x128xi32, #tpu.memory_space<vmem>> -> memref<128xi32, #tpu.memory_space<vmem>>
      %dma_start3A_51 = arith.constant 0 : i32
      %dma_start3A_52 = arith.constant 0 : i32
      %dma_start3A_53 = tpu.memref_slice %arg2[%arg0, %dma_start3A_51, %dma_start3A_52] : memref<2x10240x128xf32, #tpu.memory_space<hbm>> -> memref<1x10240x128xf32, #tpu.memory_space<hbm>>
      %dma_start3A_54 = tpu.memref_squeeze %dma_start3A_53 : memref<1x10240x128xf32, #tpu.memory_space<hbm>> -> memref<10240x128xf32, #tpu.memory_space<hbm>>
      %dma_start3A_55 = arith.constant 0 : i32
      %dma_start3A_56 = arith.constant 0 : i32
      %dma_start3A_57 = tpu.memref_slice %dma_start3A_54[%dma_start3A_55, %dma_start3A_56] : memref<10240x128xf32, #tpu.memory_space<hbm>> -> memref<10240x128xf32, #tpu.memory_space<hbm>>
      tpu.enqueue_indirect_dma source(%dma_start3A_57 : memref<10240x128xf32, #tpu.memory_space<hbm>>) target(%arg8 : memref<128x128xf32, #tpu.memory_space<vmem>>) offsets(%dma_start3A_50 : memref<128xi32, #tpu.memory_space<vmem>>) semaphore(%arg11 : memref<!tpu.dma_semaphore, #tpu.memory_space<semaphore_mem>>)
      %dma_start3A_58 = arith.constant 0 : i32
      %dma_start3A_59 = tpu.memref_slice %arg6[%add3A_48, %dma_start3A_58] : memref<40x128xi32, #tpu.memory_space<vmem>> -> memref<1x128xi32, #tpu.memory_space<vmem>>
      %dma_start3A_60 = tpu.memref_squeeze %dma_start3A_59 : memref<1x128xi32, #tpu.memory_space<vmem>> -> memref<128xi32, #tpu.memory_space<vmem>>
      %dma_start3A_61 = arith.constant 0 : i32
      %dma_start3A_62 = arith.constant 0 : i32
      %dma_start3A_63 = tpu.memref_slice %arg2[%arg0, %dma_start3A_61, %dma_start3A_62] : memref<2x10240x128xf32, #tpu.memory_space<hbm>> -> memref<1x10240x128xf32, #tpu.memory_space<hbm>>
      %dma_start3A_64 = tpu.memref_squeeze %dma_start3A_63 : memref<1x10240x128xf32, #tpu.memory_space<hbm>> -> memref<10240x128xf32, #tpu.memory_space<hbm>>
      %dma_start3A_65 = arith.constant 0 : i32
      %dma_start3A_66 = arith.constant 0 : i32
      %dma_start3A_67 = tpu.memref_slice %dma_start3A_64[%dma_start3A_65, %dma_start3A_66] : memref<10240x128xf32, #tpu.memory_space<hbm>> -> memref<10240x128xf32, #tpu.memory_space<hbm>>
      tpu.enqueue_indirect_dma source(%dma_start3A_67 : memref<10240x128xf32, #tpu.memory_space<hbm>>) target(%arg9 : memref<128x128xf32, #tpu.memory_space<vmem>>) offsets(%dma_start3A_60 : memref<128xi32, #tpu.memory_space<vmem>>) semaphore(%arg12 : memref<!tpu.dma_semaphore, #tpu.memory_space<semaphore_mem>>)
      %dma_wait3A = arith.constant 0 : i32
      %dma_wait3A_68 = tpu.memref_slice %arg6[%mul3A_46, %dma_wait3A] : memref<40x128xi32, #tpu.memory_space<vmem>> -> memref<1x128xi32, #tpu.memory_space<vmem>>
      %dma_wait3A_69 = tpu.memref_squeeze %dma_wait3A_68 : memref<1x128xi32, #tpu.memory_space<vmem>> -> memref<128xi32, #tpu.memory_space<vmem>>
      %dma_wait3A_70 = arith.constant 0 : i32
      %dma_wait3A_71 = arith.constant 0 : i32
      %dma_wait3A_72 = tpu.memref_slice %arg2[%arg0, %dma_wait3A_70, %dma_wait3A_71] : memref<2x10240x128xf32, #tpu.memory_space<hbm>> -> memref<1x10240x128xf32, #tpu.memory_space<hbm>>
      %dma_wait3A_73 = tpu.memref_squeeze %dma_wait3A_72 : memref<1x10240x128xf32, #tpu.memory_space<hbm>> -> memref<10240x128xf32, #tpu.memory_space<hbm>>
      %dma_wait3A_74 = arith.constant 0 : i32
      %dma_wait3A_75 = arith.constant 0 : i32
      %dma_wait3A_76 = tpu.memref_slice %dma_wait3A_73[%dma_wait3A_74, %dma_wait3A_75] : memref<10240x128xf32, #tpu.memory_space<hbm>> -> memref<10240x128xf32, #tpu.memory_space<hbm>>
      tpu.wait_indirect_dma semaphore(%arg11 : memref<!tpu.dma_semaphore, #tpu.memory_space<semaphore_mem>>) src(%dma_wait3A_76 : memref<10240x128xf32, #tpu.memory_space<hbm>>) dst(%arg8 : memref<128x128xf32, #tpu.memory_space<vmem>>)
      %dma_start3A_77 = arith.constant 0 : i32
      %dma_start3A_78 = tpu.memref_slice %arg7[%mul3A_46, %dma_start3A_77] : memref<40x128xi32, #tpu.memory_space<vmem>> -> memref<1x128xi32, #tpu.memory_space<vmem>>
      %dma_start3A_79 = tpu.memref_squeeze %dma_start3A_78 : memref<1x128xi32, #tpu.memory_space<vmem>> -> memref<128xi32, #tpu.memory_space<vmem>>
      %dma_start3A_80 = arith.constant 0 : i32
      %dma_start3A_81 = arith.constant 0 : i32
      %dma_start3A_82 = tpu.memref_slice %arg10[%dma_start3A_80, %dma_start3A_81] : memref<10248x128xf32, #tpu.memory_space<vmem_shared>> -> memref<10248x128xf32, #tpu.memory_space<vmem_shared>>
      tpu.enqueue_indirect_dma source(%arg8 : memref<128x128xf32, #tpu.memory_space<vmem>>) target(%dma_start3A_82 : memref<10248x128xf32, #tpu.memory_space<vmem_shared>>) offsets(%dma_start3A_79 : memref<128xi32, #tpu.memory_space<vmem>>) semaphore(%arg13 : memref<!tpu.dma_semaphore, #tpu.memory_space<semaphore_mem>>) {add = true}
      %dma_wait3A_83 = arith.constant 0 : i32
      %dma_wait3A_84 = tpu.memref_slice %arg6[%add3A_48, %dma_wait3A_83] : memref<40x128xi32, #tpu.memory_space<vmem>> -> memref<1x128xi32, #tpu.memory_space<vmem>>
      %dma_wait3A_85 = tpu.memref_squeeze %dma_wait3A_84 : memref<1x128xi32, #tpu.memory_space<vmem>> -> memref<128xi32, #tpu.memory_space<vmem>>
      %dma_wait3A_86 = arith.constant 0 : i32
      %dma_wait3A_87 = arith.constant 0 : i32
      %dma_wait3A_88 = tpu.memref_slice %arg2[%arg0, %dma_wait3A_86, %dma_wait3A_87] : memref<2x10240x128xf32, #tpu.memory_space<hbm>> -> memref<1x10240x128xf32, #tpu.memory_space<hbm>>
      %dma_wait3A_89 = tpu.memref_squeeze %dma_wait3A_88 : memref<1x10240x128xf32, #tpu.memory_space<hbm>> -> memref<10240x128xf32, #tpu.memory_space<hbm>>
      %dma_wait3A_90 = arith.constant 0 : i32
      %dma_wait3A_91 = arith.constant 0 : i32
      %dma_wait3A_92 = tpu.memref_slice %dma_wait3A_89[%dma_wait3A_90, %dma_wait3A_91] : memref<10240x128xf32, #tpu.memory_space<hbm>> -> memref<10240x128xf32, #tpu.memory_space<hbm>>
      tpu.wait_indirect_dma semaphore(%arg12 : memref<!tpu.dma_semaphore, #tpu.memory_space<semaphore_mem>>) src(%dma_wait3A_92 : memref<10240x128xf32, #tpu.memory_space<hbm>>) dst(%arg9 : memref<128x128xf32, #tpu.memory_space<vmem>>)
      %dma_wait3A_93 = arith.constant 0 : i32
      %dma_wait3A_94 = tpu.memref_slice %arg7[%mul3A_46, %dma_wait3A_93] : memref<40x128xi32, #tpu.memory_space<vmem>> -> memref<1x128xi32, #tpu.memory_space<vmem>>
      %dma_wait3A_95 = tpu.memref_squeeze %dma_wait3A_94 : memref<1x128xi32, #tpu.memory_space<vmem>> -> memref<128xi32, #tpu.memory_space<vmem>>
      %dma_wait3A_96 = arith.constant 0 : i32
      %dma_wait3A_97 = arith.constant 0 : i32
      %dma_wait3A_98 = tpu.memref_slice %arg10[%dma_wait3A_96, %dma_wait3A_97] : memref<10248x128xf32, #tpu.memory_space<vmem_shared>> -> memref<10248x128xf32, #tpu.memory_space<vmem_shared>>
      tpu.wait_indirect_dma semaphore(%arg13 : memref<!tpu.dma_semaphore, #tpu.memory_space<semaphore_mem>>) src(%arg8 : memref<128x128xf32, #tpu.memory_space<vmem>>) dst(%dma_wait3A_98 : memref<10248x128xf32, #tpu.memory_space<vmem_shared>>)
      "tpu.region"() ({
        %run_scoped3A = tpu.sem_alloc : memref<!tpu.dma_semaphore, #tpu.memory_space<semaphore_mem>>
        %dma_start3A_100 = arith.constant 0 : i32
        %dma_start3A_101 = tpu.memref_slice %arg7[%add3A_48, %dma_start3A_100] : memref<40x128xi32, #tpu.memory_space<vmem>> -> memref<1x128xi32, #tpu.memory_space<vmem>>
        %dma_start3A_102 = tpu.memref_squeeze %dma_start3A_101 : memref<1x128xi32, #tpu.memory_space<vmem>> -> memref<128xi32, #tpu.memory_space<vmem>>
        %dma_start3A_103 = arith.constant 0 : i32
        %dma_start3A_104 = arith.constant 0 : i32
        %dma_start3A_105 = tpu.memref_slice %arg10[%dma_start3A_103, %dma_start3A_104] : memref<10248x128xf32, #tpu.memory_space<vmem_shared>> -> memref<10248x128xf32, #tpu.memory_space<vmem_shared>>
        tpu.enqueue_indirect_dma source(%arg9 : memref<128x128xf32, #tpu.memory_space<vmem>>) target(%dma_start3A_105 : memref<10248x128xf32, #tpu.memory_space<vmem_shared>>) offsets(%dma_start3A_102 : memref<128xi32, #tpu.memory_space<vmem>>) semaphore(%run_scoped3A : memref<!tpu.dma_semaphore, #tpu.memory_space<semaphore_mem>>) {add = true}
        %dma_wait3A_106 = arith.constant 0 : i32
        %dma_wait3A_107 = tpu.memref_slice %arg7[%add3A_48, %dma_wait3A_106] : memref<40x128xi32, #tpu.memory_space<vmem>> -> memref<1x128xi32, #tpu.memory_space<vmem>>
        %dma_wait3A_108 = tpu.memref_squeeze %dma_wait3A_107 : memref<1x128xi32, #tpu.memory_space<vmem>> -> memref<128xi32, #tpu.memory_space<vmem>>
        %dma_wait3A_109 = arith.constant 0 : i32
        %dma_wait3A_110 = arith.constant 0 : i32
        %dma_wait3A_111 = tpu.memref_slice %arg10[%dma_wait3A_109, %dma_wait3A_110] : memref<10248x128xf32, #tpu.memory_space<vmem_shared>> -> memref<10248x128xf32, #tpu.memory_space<vmem_shared>>
        tpu.wait_indirect_dma semaphore(%run_scoped3A : memref<!tpu.dma_semaphore, #tpu.memory_space<semaphore_mem>>) src(%arg9 : memref<128x128xf32, #tpu.memory_space<vmem>>) dst(%dma_wait3A_111 : memref<10248x128xf32, #tpu.memory_space<vmem_shared>>)
        tpu.yield
      }) : () -> ()
      %scan3A_99 = arith.constant 0 : i32
      scf.yield %scan3A_99 : i32
    }
    %scan3A_37 = arith.constant 20 : i32
    %barrier3A_38 = arith.constant 0 : index
    tpu.barrier barrier_id(%barrier3A_38)
    %mul3A_39 = arith.constant 640 : i32
    %mul3A_40 = arith.muli %arg1, %mul3A_39 : i32
    %mul3A_41 = arith.constant 640 : i32
    %mul3A_42 = arith.muli %arg1, %mul3A_41 : i32
    "tpu.region"() ({
      %run_scoped3A = tpu.sem_alloc : memref<!tpu.dma_semaphore, #tpu.memory_space<semaphore_mem>>
      %dma_start3A = arith.constant 0 : i32
      %dma_start3A_43 = arith.constant 0 : i32
      %dma_start3A_44 = tpu.memref_slice %arg5[%arg0, %dma_start3A, %dma_start3A_43] : memref<2x10240x128xf32, #tpu.memory_space<hbm>> -> memref<1x10240x128xf32, #tpu.memory_space<hbm>>
      %dma_start3A_45 = tpu.memref_squeeze %dma_start3A_44 : memref<1x10240x128xf32, #tpu.memory_space<hbm>> -> memref<10240x128xf32, #tpu.memory_space<hbm>>
      %dma_start3A_46 = arith.constant 0 : i32
      %dma_start3A_47 = tpu.memref_slice %dma_start3A_45[%mul3A_42, %dma_start3A_46] : memref<10240x128xf32, #tpu.memory_space<hbm>> -> memref<640x128xf32, #tpu.memory_space<hbm>>
      %dma_start3A_48 = arith.constant 0 : i32
      %dma_start3A_49 = tpu.memref_slice %arg10[%mul3A_40, %dma_start3A_48] : memref<10248x128xf32, #tpu.memory_space<vmem_shared>> -> memref<640x128xf32, #tpu.memory_space<vmem_shared>>
      tpu.enqueue_dma source(%dma_start3A_49 : memref<640x128xf32, #tpu.memory_space<vmem_shared>>) target(%dma_start3A_47 : memref<640x128xf32, #tpu.memory_space<hbm>>) target_semaphore(%run_scoped3A : memref<!tpu.dma_semaphore, #tpu.memory_space<semaphore_mem>>)
      %dma_wait3A = arith.constant 0 : i32
      %dma_wait3A_50 = arith.constant 0 : i32
      %dma_wait3A_51 = tpu.memref_slice %arg5[%arg0, %dma_wait3A, %dma_wait3A_50] : memref<2x10240x128xf32, #tpu.memory_space<hbm>> -> memref<1x10240x128xf32, #tpu.memory_space<hbm>>
      %dma_wait3A_52 = tpu.memref_squeeze %dma_wait3A_51 : memref<1x10240x128xf32, #tpu.memory_space<hbm>> -> memref<10240x128xf32, #tpu.memory_space<hbm>>
      %dma_wait3A_53 = arith.constant 0 : i32
      %dma_wait3A_54 = tpu.memref_slice %dma_wait3A_52[%mul3A_42, %dma_wait3A_53] : memref<10240x128xf32, #tpu.memory_space<hbm>> -> memref<640x128xf32, #tpu.memory_space<hbm>>
      %dma_wait3A_55 = arith.constant 0 : i32
      %dma_wait3A_56 = tpu.memref_slice %arg10[%mul3A_40, %dma_wait3A_55] : memref<10248x128xf32, #tpu.memory_space<vmem_shared>> -> memref<640x128xf32, #tpu.memory_space<vmem_shared>>
      tpu.wait_dma2 semaphore(%run_scoped3A : memref<!tpu.dma_semaphore, #tpu.memory_space<semaphore_mem>>) src(%dma_wait3A_56 : memref<640x128xf32, #tpu.memory_space<vmem_shared>>) dst(%dma_wait3A_54 : memref<640x128xf32, #tpu.memory_space<hbm>>)
      tpu.yield
    }) : () -> ()
    return
  }
}

module attributes {stable_mosaic.version = 14 : i64} {
  func.func @_tc_a_body(%arg0: i32, %arg1: memref<1024x256xf32, #tpu.memory_space<vmem>>, %arg2: memref<256x256xf32, #tpu.memory_space<vmem>>, %arg3: memref<256x256xf32, #tpu.memory_space<vmem>>, %arg4: memref<1x256xf32, #tpu.memory_space<vmem>>, %arg5: memref<2x1024xf32, #tpu.memory_space<vmem>>, %arg6: memref<2x1024x128xf32, #tpu.memory_space<vmem>>, %arg7: memref<1024x256xf32, #tpu.memory_space<vmem>>) attributes {dimension_semantics = [#tpu.dimension_semantics<arbitrary>], iteration_bounds = array<i64: 10>, scalar_prefetch = 0 : i64, scratch_operands = 0 : i64, tpu.core_type = #tpu.core_type<tc>, window_params = [{transform_indices = @transform_0, window_bounds = array<i64: 1024, 256>}, {pipeline_mode = #tpu.pipeline_mode<synchronous>, transform_indices = @transform_1, window_bounds = array<i64: 256, 256>}, {pipeline_mode = #tpu.pipeline_mode<synchronous>, transform_indices = @transform_2, window_bounds = array<i64: 256, 256>}, {pipeline_mode = #tpu.pipeline_mode<synchronous>, transform_indices = @transform_3, window_bounds = array<i64: 1, 256>}, {transform_indices = @transform_4, window_bounds = array<i64: 2, 1024>}, {transform_indices = @transform_5, window_bounds = array<i64: 2, 1024, 128>}, {transform_indices = @transform_6, window_bounds = array<i64: 1024, 256>}]} {
    %get3A = arith.constant 0 : index
    %get3A_0 = arith.constant 0 : index
    %get3A_1 = vector.load %arg5[%get3A, %get3A_0] : memref<2x1024xf32, #tpu.memory_space<vmem>>, vector<2x1024xf32>
    %slice3A = vector.extract_strided_slice %get3A_1 {offsets = [0, 0], sizes = [1, 1024], strides = [1, 1]} : vector<2x1024xf32> to vector<1x1024xf32>
    %squeeze3A = vector.shape_cast %slice3A : vector<1x1024xf32> to vector<1024xf32>
    %slice3A_2 = vector.extract_strided_slice %get3A_1 {offsets = [1, 0], sizes = [1, 1024], strides = [1, 1]} : vector<2x1024xf32> to vector<1x1024xf32>
    %squeeze3A_3 = vector.shape_cast %slice3A_2 : vector<1x1024xf32> to vector<1024xf32>
    %add3A = arith.addf %squeeze3A, %squeeze3A_3 : vector<1024xf32>
    %mul3A = arith.constant 5.000000e-01 : f32
    %mul3A_4 = vector.broadcast %mul3A : f32 to vector<1024xf32>
    %mul3A_5 = arith.mulf %mul3A_4, %add3A : vector<1024xf32>
    %gt3A = arith.constant 0.000000e+00 : f32
    %gt3A_6 = vector.broadcast %gt3A : f32 to vector<1024xf32>
    %gt3A_7 = arith.cmpf ogt, %mul3A_5, %gt3A_6 : vector<1024xf32>
    %max3A = arith.constant 9.99999996E-13 : f32
    %max3A_8 = vector.broadcast %max3A : f32 to vector<1024xf32>
    %max3A_9 = arith.maximumf %mul3A_5, %max3A_8 : vector<1024xf32>
    %rsqrt3A = math.rsqrt %max3A_9 : vector<1024xf32>
    %jit3A = arith.constant 0.000000e+00 : f32
    %broadcast_in_dim3A = vector.broadcast %jit3A : f32 to vector<1024xf32>
    %select_n3A = arith.select %gt3A_7, %rsqrt3A, %broadcast_in_dim3A : vector<1024xi1>, vector<1024xf32>
    %get3A_10 = arith.constant 0 : index
    %get3A_11 = arith.constant 0 : index
    %get3A_12 = vector.load %arg1[%get3A_10, %get3A_11] : memref<1024x256xf32, #tpu.memory_space<vmem>>, vector<1024x256xf32>
    %get3A_13 = arith.constant 0 : index
    %get3A_14 = arith.constant 0 : index
    %get3A_15 = vector.load %arg2[%get3A_13, %get3A_14] : memref<256x256xf32, #tpu.memory_space<vmem>>, vector<256x256xf32>
    %dot_general3A = arith.constant dense<0.000000e+00> : vector<1024x256xf32>
    %dot_general3A_16 = tpu.matmul %get3A_12, %get3A_15, %dot_general3A {dimension_numbers = #tpu.dot_dimension_numbers<[1], [0], [0], [1], [0, 0, 1, 1], [], []>, transpose_lhs_hint = false} : vector<1024x256xf32>, vector<256x256xf32>, vector<1024x256xf32> -> vector<1024x256xf32>
    %broadcast_in_dim3A_17 = vector.shape_cast %select_n3A : vector<1024xf32> to vector<1024x1xf32>
    %mul3A_18 = vector.broadcast %broadcast_in_dim3A_17 : vector<1024x1xf32> to vector<1024x256xf32>
    %mul3A_19 = arith.mulf %dot_general3A_16, %mul3A_18 : vector<1024x256xf32>
    %slice3A_20 = vector.extract_strided_slice %mul3A_19 {offsets = [0, 0], sizes = [1024, 128], strides = [1, 1]} : vector<1024x256xf32> to vector<1024x128xf32>
    %swap3A = arith.constant 0 : index
    %swap3A_21 = arith.constant 0 : index
    %swap3A_22 = arith.constant 0 : index
    %swap3A_23 = vector.load %arg6[%swap3A, %swap3A_21, %swap3A_22] : memref<2x1024x128xf32, #tpu.memory_space<vmem>>, vector<1x1024x128xf32>
    %swap3A_24 = vector.shape_cast %swap3A_23 : vector<1x1024x128xf32> to vector<1024x128xf32>
    %swap3A_25 = vector.shape_cast %slice3A_20 : vector<1024x128xf32> to vector<1x1024x128xf32>
    tpu.vector_store %arg6[%swap3A, %swap3A_21, %swap3A_22], %swap3A_25 {strides = array<i32>} : memref<2x1024x128xf32, #tpu.memory_space<vmem>>, vector<1x1024x128xf32>,
    %slice3A_26 = vector.extract_strided_slice %mul3A_19 {offsets = [0, 128], sizes = [1024, 128], strides = [1, 1]} : vector<1024x256xf32> to vector<1024x128xf32>
    %swap3A_27 = arith.constant 1 : index
    %swap3A_28 = arith.constant 0 : index
    %swap3A_29 = arith.constant 0 : index
    %swap3A_30 = vector.load %arg6[%swap3A_27, %swap3A_28, %swap3A_29] : memref<2x1024x128xf32, #tpu.memory_space<vmem>>, vector<1x1024x128xf32>
    %swap3A_31 = vector.shape_cast %swap3A_30 : vector<1x1024x128xf32> to vector<1024x128xf32>
    %swap3A_32 = vector.shape_cast %slice3A_26 : vector<1024x128xf32> to vector<1x1024x128xf32>
    tpu.vector_store %arg6[%swap3A_27, %swap3A_28, %swap3A_29], %swap3A_32 {strides = array<i32>} : memref<2x1024x128xf32, #tpu.memory_space<vmem>>, vector<1x1024x128xf32>,
    %get3A_33 = arith.constant 0 : index
    %get3A_34 = arith.constant 0 : index
    %get3A_35 = vector.load %arg3[%get3A_33, %get3A_34] : memref<256x256xf32, #tpu.memory_space<vmem>>, vector<256x256xf32>
    %dot_general3A_36 = arith.constant dense<0.000000e+00> : vector<1024x256xf32>
    %dot_general3A_37 = tpu.matmul %get3A_12, %get3A_35, %dot_general3A_36 {dimension_numbers = #tpu.dot_dimension_numbers<[1], [0], [0], [1], [0, 0, 1, 1], [], []>, transpose_lhs_hint = false} : vector<1024x256xf32>, vector<256x256xf32>, vector<1024x256xf32> -> vector<1024x256xf32>
    %get3A_38 = arith.constant 0 : index
    %get3A_39 = arith.constant 0 : index
    %get3A_40 = vector.load %arg4[%get3A_38, %get3A_39] : memref<1x256xf32, #tpu.memory_space<vmem>>, vector<1x256xf32>
    %add3A_41 = vector.broadcast %get3A_40 : vector<1x256xf32> to vector<1024x256xf32>
    %add3A_42 = arith.addf %dot_general3A_37, %add3A_41 : vector<1024x256xf32>
    %swap3A_43 = arith.constant 0 : index
    %swap3A_44 = arith.constant 0 : index
    %swap3A_45 = vector.load %arg7[%swap3A_43, %swap3A_44] : memref<1024x256xf32, #tpu.memory_space<vmem>>, vector<1024x256xf32>
    tpu.vector_store %arg7[%swap3A_43, %swap3A_44], %add3A_42 {strides = array<i32>} : memref<1024x256xf32, #tpu.memory_space<vmem>>, vector<1024x256xf32>,
    return
  }
  func.func @transform_0(%arg0: i32) -> (i32, i32) {
    %c0_i32 = arith.constant 0 : i32
    %c0_i32_0 = arith.constant 0 : i32
    return %arg0, %c0_i32 : i32, i32
  }
  func.func @transform_1(%arg0: i32) -> (i32, i32) {
    %c0_i32 = arith.constant 0 : i32
    %c0_i32_0 = arith.constant 0 : i32
    %c0_i32_1 = arith.constant 0 : i32
    return %c0_i32, %c0_i32_0 : i32, i32
  }
  func.func @transform_2(%arg0: i32) -> (i32, i32) {
    %c0_i32 = arith.constant 0 : i32
    %c0_i32_0 = arith.constant 0 : i32
    %c0_i32_1 = arith.constant 0 : i32
    return %c0_i32, %c0_i32_0 : i32, i32
  }
  func.func @transform_3(%arg0: i32) -> (i32, i32) {
    %c0_i32 = arith.constant 0 : i32
    %c0_i32_0 = arith.constant 0 : i32
    %c0_i32_1 = arith.constant 0 : i32
    return %c0_i32, %c0_i32_0 : i32, i32
  }
  func.func @transform_4(%arg0: i32) -> (i32, i32) {
    %c0_i32 = arith.constant 0 : i32
    %c0_i32_0 = arith.constant 0 : i32
    return %c0_i32, %arg0 : i32, i32
  }
  func.func @transform_5(%arg0: i32) -> (i32, i32, i32) {
    %c0_i32 = arith.constant 0 : i32
    %c0_i32_0 = arith.constant 0 : i32
    %c0_i32_1 = arith.constant 0 : i32
    return %c0_i32, %arg0, %c0_i32_0 : i32, i32, i32
  }
  func.func @transform_6(%arg0: i32) -> (i32, i32) {
    %c0_i32 = arith.constant 0 : i32
    %c0_i32_0 = arith.constant 0 : i32
    return %arg0, %c0_i32 : i32, i32
  }
}

module attributes {stable_mosaic.version = 14 : i64} {
  func.func @_tc_b_body(%arg0: i32, %arg1: memref<2x1024x128xf32, #tpu.memory_space<vmem>>, %arg2: memref<2x1024xf32, #tpu.memory_space<vmem>>, %arg3: memref<1024x256xf32, #tpu.memory_space<vmem>>, %arg4: memref<256x256xf32, #tpu.memory_space<vmem>>, %arg5: memref<256x256xf32, #tpu.memory_space<vmem>>, %arg6: memref<1x256xf32, #tpu.memory_space<vmem>>, %arg7: memref<2x1024x128xf32, #tpu.memory_space<vmem>>, %arg8: memref<1024x256xf32, #tpu.memory_space<vmem>>) attributes {dimension_semantics = [#tpu.dimension_semantics<arbitrary>], iteration_bounds = array<i64: 10>, scalar_prefetch = 0 : i64, scratch_operands = 0 : i64, tpu.core_type = #tpu.core_type<tc>, window_params = [{transform_indices = @transform_0, window_bounds = array<i64: 2, 1024, 128>}, {transform_indices = @transform_1, window_bounds = array<i64: 2, 1024>}, {transform_indices = @transform_2, window_bounds = array<i64: 1024, 256>}, {pipeline_mode = #tpu.pipeline_mode<synchronous>, transform_indices = @transform_3, window_bounds = array<i64: 256, 256>}, {pipeline_mode = #tpu.pipeline_mode<synchronous>, transform_indices = @transform_4, window_bounds = array<i64: 256, 256>}, {pipeline_mode = #tpu.pipeline_mode<synchronous>, transform_indices = @transform_5, window_bounds = array<i64: 1, 256>}, {transform_indices = @transform_6, window_bounds = array<i64: 2, 1024, 128>}, {transform_indices = @transform_7, window_bounds = array<i64: 1024, 256>}]} {
    %get3A = arith.constant 0 : index
    %get3A_0 = arith.constant 0 : index
    %get3A_1 = vector.load %arg2[%get3A, %get3A_0] : memref<2x1024xf32, #tpu.memory_space<vmem>>, vector<2x1024xf32>
    %slice3A = vector.extract_strided_slice %get3A_1 {offsets = [0, 0], sizes = [1, 1024], strides = [1, 1]} : vector<2x1024xf32> to vector<1x1024xf32>
    %squeeze3A = vector.shape_cast %slice3A : vector<1x1024xf32> to vector<1024xf32>
    %slice3A_2 = vector.extract_strided_slice %get3A_1 {offsets = [1, 0], sizes = [1, 1024], strides = [1, 1]} : vector<2x1024xf32> to vector<1x1024xf32>
    %squeeze3A_3 = vector.shape_cast %slice3A_2 : vector<1x1024xf32> to vector<1024xf32>
    %add3A = arith.addf %squeeze3A, %squeeze3A_3 : vector<1024xf32>
    %mul3A = arith.constant 5.000000e-01 : f32
    %mul3A_4 = vector.broadcast %mul3A : f32 to vector<1024xf32>
    %mul3A_5 = arith.mulf %mul3A_4, %add3A : vector<1024xf32>
    %gt3A = arith.constant 0.000000e+00 : f32
    %gt3A_6 = vector.broadcast %gt3A : f32 to vector<1024xf32>
    %gt3A_7 = arith.cmpf ogt, %mul3A_5, %gt3A_6 : vector<1024xf32>
    %max3A = arith.constant 9.99999996E-13 : f32
    %max3A_8 = vector.broadcast %max3A : f32 to vector<1024xf32>
    %max3A_9 = arith.maximumf %mul3A_5, %max3A_8 : vector<1024xf32>
    %rsqrt3A = math.rsqrt %max3A_9 : vector<1024xf32>
    %jit3A = arith.constant 0.000000e+00 : f32
    %broadcast_in_dim3A = vector.broadcast %jit3A : f32 to vector<1024xf32>
    %select_n3A = arith.select %gt3A_7, %rsqrt3A, %broadcast_in_dim3A : vector<1024xi1>, vector<1024xf32>
    %get3A_10 = arith.constant 0 : index
    %get3A_11 = arith.constant 0 : index
    %get3A_12 = arith.constant 0 : index
    %get3A_13 = vector.load %arg1[%get3A_10, %get3A_11, %get3A_12] : memref<2x1024x128xf32, #tpu.memory_space<vmem>>, vector<1x1024x128xf32>
    %get3A_14 = vector.shape_cast %get3A_13 : vector<1x1024x128xf32> to vector<1024x128xf32>
    %get3A_15 = arith.constant 1 : index
    %get3A_16 = arith.constant 0 : index
    %get3A_17 = arith.constant 0 : index
    %get3A_18 = vector.load %arg1[%get3A_15, %get3A_16, %get3A_17] : memref<2x1024x128xf32, #tpu.memory_space<vmem>>, vector<1x1024x128xf32>
    %get3A_19 = vector.shape_cast %get3A_18 : vector<1x1024x128xf32> to vector<1024x128xf32>
    %concatenate3A = tpu.concatenate %get3A_14, %get3A_19 in 1 : vector<1024x128xf32>, vector<1024x128xf32> -> vector<1024x256xf32>
    %broadcast_in_dim3A_20 = vector.shape_cast %select_n3A : vector<1024xf32> to vector<1024x1xf32>
    %mul3A_21 = vector.broadcast %broadcast_in_dim3A_20 : vector<1024x1xf32> to vector<1024x256xf32>
    %mul3A_22 = arith.mulf %concatenate3A, %mul3A_21 : vector<1024x256xf32>
    %get3A_23 = arith.constant 0 : index
    %get3A_24 = arith.constant 0 : index
    %get3A_25 = vector.load %arg3[%get3A_23, %get3A_24] : memref<1024x256xf32, #tpu.memory_space<vmem>>, vector<1024x256xf32>
    %add3A_26 = arith.addf %mul3A_22, %get3A_25 : vector<1024x256xf32>
    %gt3A_27 = arith.constant 0.000000e+00 : f32
    %gt3A_28 = vector.broadcast %gt3A_27 : f32 to vector<1024x256xf32>
    %gt3A_29 = arith.cmpf ogt, %add3A_26, %gt3A_28 : vector<1024x256xf32>
    %mul3A_30 = arith.constant 2.000000e-01 : f32
    %mul3A_31 = vector.broadcast %mul3A_30 : f32 to vector<1024x256xf32>
    %mul3A_32 = arith.mulf %mul3A_31, %add3A_26 : vector<1024x256xf32>
    %select_n3A_33 = arith.select %gt3A_29, %add3A_26, %mul3A_32 : vector<1024x256xi1>, vector<1024x256xf32>
    %get3A_34 = arith.constant 0 : index
    %get3A_35 = arith.constant 0 : index
    %get3A_36 = vector.load %arg4[%get3A_34, %get3A_35] : memref<256x256xf32, #tpu.memory_space<vmem>>, vector<256x256xf32>
    %dot_general3A = arith.constant dense<0.000000e+00> : vector<1024x256xf32>
    %dot_general3A_37 = tpu.matmul %select_n3A_33, %get3A_36, %dot_general3A {dimension_numbers = #tpu.dot_dimension_numbers<[1], [0], [0], [1], [0, 0, 1, 1], [], []>, transpose_lhs_hint = false} : vector<1024x256xf32>, vector<256x256xf32>, vector<1024x256xf32> -> vector<1024x256xf32>
    %broadcast_in_dim3A_38 = vector.shape_cast %select_n3A : vector<1024xf32> to vector<1024x1xf32>
    %mul3A_39 = vector.broadcast %broadcast_in_dim3A_38 : vector<1024x1xf32> to vector<1024x256xf32>
    %mul3A_40 = arith.mulf %dot_general3A_37, %mul3A_39 : vector<1024x256xf32>
    %slice3A_41 = vector.extract_strided_slice %mul3A_40 {offsets = [0, 0], sizes = [1024, 128], strides = [1, 1]} : vector<1024x256xf32> to vector<1024x128xf32>
    %swap3A = arith.constant 0 : index
    %swap3A_42 = arith.constant 0 : index
    %swap3A_43 = arith.constant 0 : index
    %swap3A_44 = vector.load %arg7[%swap3A, %swap3A_42, %swap3A_43] : memref<2x1024x128xf32, #tpu.memory_space<vmem>>, vector<1x1024x128xf32>
    %swap3A_45 = vector.shape_cast %swap3A_44 : vector<1x1024x128xf32> to vector<1024x128xf32>
    %swap3A_46 = vector.shape_cast %slice3A_41 : vector<1024x128xf32> to vector<1x1024x128xf32>
    tpu.vector_store %arg7[%swap3A, %swap3A_42, %swap3A_43], %swap3A_46 {strides = array<i32>} : memref<2x1024x128xf32, #tpu.memory_space<vmem>>, vector<1x1024x128xf32>,
    %slice3A_47 = vector.extract_strided_slice %mul3A_40 {offsets = [0, 128], sizes = [1024, 128], strides = [1, 1]} : vector<1024x256xf32> to vector<1024x128xf32>
    %swap3A_48 = arith.constant 1 : index
    %swap3A_49 = arith.constant 0 : index
    %swap3A_50 = arith.constant 0 : index
    %swap3A_51 = vector.load %arg7[%swap3A_48, %swap3A_49, %swap3A_50] : memref<2x1024x128xf32, #tpu.memory_space<vmem>>, vector<1x1024x128xf32>
    %swap3A_52 = vector.shape_cast %swap3A_51 : vector<1x1024x128xf32> to vector<1024x128xf32>
    %swap3A_53 = vector.shape_cast %slice3A_47 : vector<1024x128xf32> to vector<1x1024x128xf32>
    tpu.vector_store %arg7[%swap3A_48, %swap3A_49, %swap3A_50], %swap3A_53 {strides = array<i32>} : memref<2x1024x128xf32, #tpu.memory_space<vmem>>, vector<1x1024x128xf32>,
    %get3A_54 = arith.constant 0 : index
    %get3A_55 = arith.constant 0 : index
    %get3A_56 = vector.load %arg5[%get3A_54, %get3A_55] : memref<256x256xf32, #tpu.memory_space<vmem>>, vector<256x256xf32>
    %dot_general3A_57 = arith.constant dense<0.000000e+00> : vector<1024x256xf32>
    %dot_general3A_58 = tpu.matmul %select_n3A_33, %get3A_56, %dot_general3A_57 {dimension_numbers = #tpu.dot_dimension_numbers<[1], [0], [0], [1], [0, 0, 1, 1], [], []>, transpose_lhs_hint = false} : vector<1024x256xf32>, vector<256x256xf32>, vector<1024x256xf32> -> vector<1024x256xf32>
    %get3A_59 = arith.constant 0 : index
    %get3A_60 = arith.constant 0 : index
    %get3A_61 = vector.load %arg6[%get3A_59, %get3A_60] : memref<1x256xf32, #tpu.memory_space<vmem>>, vector<1x256xf32>
    %add3A_62 = vector.broadcast %get3A_61 : vector<1x256xf32> to vector<1024x256xf32>
    %add3A_63 = arith.addf %dot_general3A_58, %add3A_62 : vector<1024x256xf32>
    %swap3A_64 = arith.constant 0 : index
    %swap3A_65 = arith.constant 0 : index
    %swap3A_66 = vector.load %arg8[%swap3A_64, %swap3A_65] : memref<1024x256xf32, #tpu.memory_space<vmem>>, vector<1024x256xf32>
    tpu.vector_store %arg8[%swap3A_64, %swap3A_65], %add3A_63 {strides = array<i32>} : memref<1024x256xf32, #tpu.memory_space<vmem>>, vector<1024x256xf32>,
    return
  }
  func.func @transform_0(%arg0: i32) -> (i32, i32, i32) {
    %c0_i32 = arith.constant 0 : i32
    %c0_i32_0 = arith.constant 0 : i32
    %c0_i32_1 = arith.constant 0 : i32
    return %c0_i32, %arg0, %c0_i32_0 : i32, i32, i32
  }
  func.func @transform_1(%arg0: i32) -> (i32, i32) {
    %c0_i32 = arith.constant 0 : i32
    %c0_i32_0 = arith.constant 0 : i32
    return %c0_i32, %arg0 : i32, i32
  }
  func.func @transform_2(%arg0: i32) -> (i32, i32) {
    %c0_i32 = arith.constant 0 : i32
    %c0_i32_0 = arith.constant 0 : i32
    return %arg0, %c0_i32 : i32, i32
  }
  func.func @transform_3(%arg0: i32) -> (i32, i32) {
    %c0_i32 = arith.constant 0 : i32
    %c0_i32_0 = arith.constant 0 : i32
    %c0_i32_1 = arith.constant 0 : i32
    return %c0_i32, %c0_i32_0 : i32, i32
  }
  func.func @transform_4(%arg0: i32) -> (i32, i32) {
    %c0_i32 = arith.constant 0 : i32
    %c0_i32_0 = arith.constant 0 : i32
    %c0_i32_1 = arith.constant 0 : i32
    return %c0_i32, %c0_i32_0 : i32, i32
  }
  func.func @transform_5(%arg0: i32) -> (i32, i32) {
    %c0_i32 = arith.constant 0 : i32
    %c0_i32_0 = arith.constant 0 : i32
    %c0_i32_1 = arith.constant 0 : i32
    return %c0_i32, %c0_i32_0 : i32, i32
  }
  func.func @transform_6(%arg0: i32) -> (i32, i32, i32) {
    %c0_i32 = arith.constant 0 : i32
    %c0_i32_0 = arith.constant 0 : i32
    %c0_i32_1 = arith.constant 0 : i32
    return %c0_i32, %arg0, %c0_i32_0 : i32, i32, i32
  }
  func.func @transform_7(%arg0: i32) -> (i32, i32) {
    %c0_i32 = arith.constant 0 : i32
    %c0_i32_0 = arith.constant 0 : i32
    return %arg0, %c0_i32 : i32, i32
  }
}

module attributes {stable_mosaic.version = 14 : i64} {
  func.func @_tc_c_body(%arg0: i32, %arg1: memref<2x1024x128xf32, #tpu.memory_space<vmem>>, %arg2: memref<2x1024xf32, #tpu.memory_space<vmem>>, %arg3: memref<1024x256xf32, #tpu.memory_space<vmem>>, %arg4: memref<256x2xf32, #tpu.memory_space<vmem>>, %arg5: memref<1x2xf32, #tpu.memory_space<vmem>>, %arg6: memref<1024x2xf32, #tpu.memory_space<vmem>>) attributes {dimension_semantics = [#tpu.dimension_semantics<arbitrary>], iteration_bounds = array<i64: 10>, scalar_prefetch = 0 : i64, scratch_operands = 0 : i64, tpu.core_type = #tpu.core_type<tc>, window_params = [{transform_indices = @transform_0, window_bounds = array<i64: 2, 1024, 128>}, {transform_indices = @transform_1, window_bounds = array<i64: 2, 1024>}, {transform_indices = @transform_2, window_bounds = array<i64: 1024, 256>}, {pipeline_mode = #tpu.pipeline_mode<synchronous>, transform_indices = @transform_3, window_bounds = array<i64: 256, 2>}, {pipeline_mode = #tpu.pipeline_mode<synchronous>, transform_indices = @transform_4, window_bounds = array<i64: 1, 2>}, {transform_indices = @transform_5, window_bounds = array<i64: 1024, 2>}]} {
    %get3A = arith.constant 0 : index
    %get3A_0 = arith.constant 0 : index
    %get3A_1 = vector.load %arg2[%get3A, %get3A_0] : memref<2x1024xf32, #tpu.memory_space<vmem>>, vector<2x1024xf32>
    %slice3A = vector.extract_strided_slice %get3A_1 {offsets = [0, 0], sizes = [1, 1024], strides = [1, 1]} : vector<2x1024xf32> to vector<1x1024xf32>
    %squeeze3A = vector.shape_cast %slice3A : vector<1x1024xf32> to vector<1024xf32>
    %slice3A_2 = vector.extract_strided_slice %get3A_1 {offsets = [1, 0], sizes = [1, 1024], strides = [1, 1]} : vector<2x1024xf32> to vector<1x1024xf32>
    %squeeze3A_3 = vector.shape_cast %slice3A_2 : vector<1x1024xf32> to vector<1024xf32>
    %add3A = arith.addf %squeeze3A, %squeeze3A_3 : vector<1024xf32>
    %mul3A = arith.constant 5.000000e-01 : f32
    %mul3A_4 = vector.broadcast %mul3A : f32 to vector<1024xf32>
    %mul3A_5 = arith.mulf %mul3A_4, %add3A : vector<1024xf32>
    %gt3A = arith.constant 0.000000e+00 : f32
    %gt3A_6 = vector.broadcast %gt3A : f32 to vector<1024xf32>
    %gt3A_7 = arith.cmpf ogt, %mul3A_5, %gt3A_6 : vector<1024xf32>
    %max3A = arith.constant 9.99999996E-13 : f32
    %max3A_8 = vector.broadcast %max3A : f32 to vector<1024xf32>
    %max3A_9 = arith.maximumf %mul3A_5, %max3A_8 : vector<1024xf32>
    %rsqrt3A = math.rsqrt %max3A_9 : vector<1024xf32>
    %jit3A = arith.constant 0.000000e+00 : f32
    %broadcast_in_dim3A = vector.broadcast %jit3A : f32 to vector<1024xf32>
    %select_n3A = arith.select %gt3A_7, %rsqrt3A, %broadcast_in_dim3A : vector<1024xi1>, vector<1024xf32>
    %get3A_10 = arith.constant 0 : index
    %get3A_11 = arith.constant 0 : index
    %get3A_12 = arith.constant 0 : index
    %get3A_13 = vector.load %arg1[%get3A_10, %get3A_11, %get3A_12] : memref<2x1024x128xf32, #tpu.memory_space<vmem>>, vector<1x1024x128xf32>
    %get3A_14 = vector.shape_cast %get3A_13 : vector<1x1024x128xf32> to vector<1024x128xf32>
    %get3A_15 = arith.constant 1 : index
    %get3A_16 = arith.constant 0 : index
    %get3A_17 = arith.constant 0 : index
    %get3A_18 = vector.load %arg1[%get3A_15, %get3A_16, %get3A_17] : memref<2x1024x128xf32, #tpu.memory_space<vmem>>, vector<1x1024x128xf32>
    %get3A_19 = vector.shape_cast %get3A_18 : vector<1x1024x128xf32> to vector<1024x128xf32>
    %concatenate3A = tpu.concatenate %get3A_14, %get3A_19 in 1 : vector<1024x128xf32>, vector<1024x128xf32> -> vector<1024x256xf32>
    %broadcast_in_dim3A_20 = vector.shape_cast %select_n3A : vector<1024xf32> to vector<1024x1xf32>
    %mul3A_21 = vector.broadcast %broadcast_in_dim3A_20 : vector<1024x1xf32> to vector<1024x256xf32>
    %mul3A_22 = arith.mulf %concatenate3A, %mul3A_21 : vector<1024x256xf32>
    %get3A_23 = arith.constant 0 : index
    %get3A_24 = arith.constant 0 : index
    %get3A_25 = vector.load %arg3[%get3A_23, %get3A_24] : memref<1024x256xf32, #tpu.memory_space<vmem>>, vector<1024x256xf32>
    %add3A_26 = arith.addf %mul3A_22, %get3A_25 : vector<1024x256xf32>
    %gt3A_27 = arith.constant 0.000000e+00 : f32
    %gt3A_28 = vector.broadcast %gt3A_27 : f32 to vector<1024x256xf32>
    %gt3A_29 = arith.cmpf ogt, %add3A_26, %gt3A_28 : vector<1024x256xf32>
    %mul3A_30 = arith.constant 2.000000e-01 : f32
    %mul3A_31 = vector.broadcast %mul3A_30 : f32 to vector<1024x256xf32>
    %mul3A_32 = arith.mulf %mul3A_31, %add3A_26 : vector<1024x256xf32>
    %select_n3A_33 = arith.select %gt3A_29, %add3A_26, %mul3A_32 : vector<1024x256xi1>, vector<1024x256xf32>
    %get3A_34 = arith.constant 0 : index
    %get3A_35 = arith.constant 0 : index
    %get3A_36 = vector.load %arg4[%get3A_34, %get3A_35] : memref<256x2xf32, #tpu.memory_space<vmem>>, vector<256x2xf32>
    %dot_general3A = arith.constant dense<0.000000e+00> : vector<1024x2xf32>
    %dot_general3A_37 = tpu.matmul %select_n3A_33, %get3A_36, %dot_general3A {dimension_numbers = #tpu.dot_dimension_numbers<[1], [0], [0], [1], [0, 0, 1, 1], [], []>, transpose_lhs_hint = false} : vector<1024x256xf32>, vector<256x2xf32>, vector<1024x2xf32> -> vector<1024x2xf32>
    %get3A_38 = arith.constant 0 : index
    %get3A_39 = arith.constant 0 : index
    %get3A_40 = vector.load %arg5[%get3A_38, %get3A_39] : memref<1x2xf32, #tpu.memory_space<vmem>>, vector<1x2xf32>
    %add3A_41 = vector.broadcast %get3A_40 : vector<1x2xf32> to vector<1024x2xf32>
    %add3A_42 = arith.addf %dot_general3A_37, %add3A_41 : vector<1024x2xf32>
    %reduce_max3A = arith.constant dense<0xFF800000> : vector<1024xf32>
    %reduce_max3A_43 = vector.multi_reduction <maximumf>, %add3A_42, %reduce_max3A [1] : vector<1024x2xf32> to vector<1024xf32>
    %broadcast_in_dim3A_44 = vector.shape_cast %reduce_max3A_43 : vector<1024xf32> to vector<1024x1xf32>
    %sub3A = vector.broadcast %broadcast_in_dim3A_44 : vector<1024x1xf32> to vector<1024x2xf32>
    %sub3A_45 = arith.subf %add3A_42, %sub3A : vector<1024x2xf32>
    %exp3A = math.exp %sub3A_45 : vector<1024x2xf32>
    %reduce_sum3A = arith.constant dense<0.000000e+00> : vector<1024xf32>
    %reduce_sum3A_46 = vector.multi_reduction <add>, %exp3A, %reduce_sum3A [1] : vector<1024x2xf32> to vector<1024xf32>
    %broadcast_in_dim3A_47 = vector.shape_cast %reduce_sum3A_46 : vector<1024xf32> to vector<1024x1xf32>
    %div3A = vector.broadcast %broadcast_in_dim3A_47 : vector<1024x1xf32> to vector<1024x2xf32>
    %div3A_48 = arith.divf %exp3A, %div3A : vector<1024x2xf32>
    %swap3A = arith.constant 0 : index
    %swap3A_49 = arith.constant 0 : index
    %swap3A_50 = vector.load %arg6[%swap3A, %swap3A_49] : memref<1024x2xf32, #tpu.memory_space<vmem>>, vector<1024x2xf32>
    tpu.vector_store %arg6[%swap3A, %swap3A_49], %div3A_48 {strides = array<i32>} : memref<1024x2xf32, #tpu.memory_space<vmem>>, vector<1024x2xf32>,
    return
  }
  func.func @transform_0(%arg0: i32) -> (i32, i32, i32) {
    %c0_i32 = arith.constant 0 : i32
    %c0_i32_0 = arith.constant 0 : i32
    %c0_i32_1 = arith.constant 0 : i32
    return %c0_i32, %arg0, %c0_i32_0 : i32, i32, i32
  }
  func.func @transform_1(%arg0: i32) -> (i32, i32) {
    %c0_i32 = arith.constant 0 : i32
    %c0_i32_0 = arith.constant 0 : i32
    return %c0_i32, %arg0 : i32, i32
  }
  func.func @transform_2(%arg0: i32) -> (i32, i32) {
    %c0_i32 = arith.constant 0 : i32
    %c0_i32_0 = arith.constant 0 : i32
    return %arg0, %c0_i32 : i32, i32
  }
  func.func @transform_3(%arg0: i32) -> (i32, i32) {
    %c0_i32 = arith.constant 0 : i32
    %c0_i32_0 = arith.constant 0 : i32
    %c0_i32_1 = arith.constant 0 : i32
    return %c0_i32, %c0_i32_0 : i32, i32
  }
  func.func @transform_4(%arg0: i32) -> (i32, i32) {
    %c0_i32 = arith.constant 0 : i32
    %c0_i32_0 = arith.constant 0 : i32
    %c0_i32_1 = arith.constant 0 : i32
    return %c0_i32, %c0_i32_0 : i32, i32
  }
  func.func @transform_5(%arg0: i32) -> (i32, i32) {
    %c0_i32 = arith.constant 0 : i32
    %c0_i32_0 = arith.constant 0 : i32
    return %arg0, %c0_i32 : i32, i32
  }
}

</mosaic_0001>

<sc_bundles>
// kernel: kernel.11.cloned.1.call-start
scs
__scs_entry_jumppad:
0x0: {  	(pc) =	sbr.rel $0x88, $3  }
0x1: {  	(tag) =	ssettag $0x0;
	lr =	simm.s32 $0x1  }
0x2: {  	[smem:$0x3F97] =	sst lr;
	_ =	strace $0xD0000000  }
0x3: {  	_ = 	snop  }
0x4: {  	_ = 	snop  }
0x5: {  	_ = 	snop  }
0x6: {  	_ = 	snop  }
0x7: {  	_ = 	snop  }
__scs_overlays_trampoline_lowered:
0x8: {  	[smem:$0x3FA6] =	sst s0  }
0x9: {  	[smem:$0x3FA7] =	sst s1  }
0xa: {  	[smem:$0x3FA8] =	sst s2  }
0xb: {  	[smem:$0x3FA9] =	sst s3  }
0xc: {  	[smem:$0x3FAA] =	sst s4  }
0xd: {  	[smem:$0x3FAB] =	sst s5  }
0xe: {  	[smem:$0x3FAC] =	sst s6  }
0xf: {  	[smem:$0x3FAD] =	sst s7  }
0x10: {  	[smem:$0x3FAE] =	sst s8  }
0x11: {  	[smem:$0x3FAF] =	sst s9;
	s0 =	simm.s32 @!p0 $0x0  }
0x12: {  	s1 =	sld [smem:$0x3F95];
	s0 =	simm.s32 @p0 $0x1  }
0x13: {  	[smem:$0x3FB0] =	sst s0;
	s0 =	simm.s32 @!p1 $0x0  }
0x14: {  	s2 =	sld [smem:$0x3F94];
	s0 =	simm.s32 @p1 $0x1  }
0x15: {  	[smem:$0x3FB1] =	sst s0;
	s0 =	simm.s32 @!p2 $0x0  }
0x16: {  	s3 =	sld [smem:$0x3FDB];
	s0 =	simm.s32 @p2 $0x1  }
0x17: {  	s4 =	simm.s32 $0x1BF5;
	[smem:$0x3FB3] =	sst s0  }
0x18: {  	s0 =	sld [smem:$0x3F96];
	_ =	swait.ge [sflag:s4], $0x0  }
0x19: {  	s7 =	sld [smem:$0x3F97]  }
0x1a: {  	s8 =	sadd.s32 $0xFFFFE003, lr  }
0x1b: {  	s9 =	sadd.s32 $0xFFFFFEF7, lr;
	s5 =	simm.s32 $0xFFFFFFFF;
	p2 =	slt.u32 s8, $0xFFFFF086  }
0x1c: {  	p1 =	slt.u32 s9, $0xF7A;
	s5 =	simm.s32 @!p2 $0x0  }
0x1d: {  	s5 =	simm.s32 @p1 $0x1;
	p0 =	seq.s32 s7, s2  }
0x1e: {  	s7 =	smul.u32 @!p0 $0xF7A, s2;
	p2 =	seq.s32 @!p0 s5, $0x0  }
0x1f: {  	s9 =	smul.u32 $0xF7A, s1;
	s8 =	simm.s32 @!p0 $0x1BF5;
	p2 =	por !p2, p0  }
0x20: {  	[sflag:s8] =	ssyncset.s32 @!p0 $0xFFFFF086;
	s6 =	sadd.s32 @!p0 s3, s7;
	s7 =	simm.s32 @!p0 $0x108  }
0x21: {  	s3 =	sadd.s32 s3, s9;
	s6 =	sadd.s32 @!p0 $0x88, s6;
	s7 =	simm.s32 @p2 $0x1082  }
0x22: {  	[simem:s7], [sflag:s8] =	dma.local @!p0 [hbm:s6], $0xF7A  }
0x23: {  	s9 =	sor.u32 $0xD0000000, s2;
	s6 =	simm.s32 $0x108;
	_ =	swait.ge @!p0 [sflag:s8], $0x0  }
0x24: {  	s3 =	sadd.s32 $0x88, s3;
	s6 =	simm.s32 @!p1 $0x1082;
	[sflag:s4] =	ssyncset.s32 $0xFFFFF086  }
0x25: {  	[simem:s6], [sflag:s4] =	dma.local [hbm:s3], $0xF7A  }
0x26: {  	[smem:$0x3F97] =	sst s1;
	(tag) =	ssettag s2;
	_ =	strace s9  }
0x27: {  	s1 =	sld [smem:$0x3FA7]  }
0x28: {  	s2 =	sld [smem:$0x3FA8]  }
0x29: {  	s4 =	sld [smem:$0x3FAA]  }
0x2a: {  	p0 =	seq.s32 s5, $0x0;
	s5 =	sld [smem:$0x3FAB]  }
0x2b: {  	s6 =	sld [smem:$0x3FAC]  }
0x2c: {  	s7 =	sld [smem:$0x3FAD]  }
0x2d: {  	s3 =	simm.s32 $0x108;
	s8 =	sld [smem:$0x3FAE]  }
0x2e: {  	s3 =	simm.s32 @!p0 $0x1082;
	s9 =	sld [smem:$0x3FAF]  }
0x2f: {  	lr =	sadd.s32 s0, s3;
	s0 =	sld [smem:$0x3FA6]  }
0x30: {  	s3 =	sld [smem:$0x3FA9]  }
0x31: {  	[smem:$0x3FB2] =	sst s10  }
0x32: {  	s10 =	sld [smem:$0x3FB0];
	_ =	sdelay $0x3  }
0x33: {  	p0 =	seq.s32 s10, $0x1;
	s10 =	sld [smem:$0x3FB2];
	_ =	sdelay $0x3  }
0x34: {  	[smem:$0x3FB2] =	sst s10  }
0x35: {  	s10 =	sld [smem:$0x3FB1];
	_ =	sdelay $0x3  }
0x36: {  	p1 =	seq.s32 s10, $0x1;
	s10 =	sld [smem:$0x3FB2];
	_ =	sdelay $0x3  }
0x37: {  	[smem:$0x3FB2] =	sst s10  }
0x38: {  	s10 =	sld [smem:$0x3FB3]  }
0x39: {  	_ = 	snop;
	(pc) =	sbr.ind lr, $3  }
0x3a: {  	_ = 	snop  }
0x3b: {  	_ = 	snop  }
0x3c: {  	p2 =	seq.s32 s10, $0x1;
	s10 =	sld [smem:$0x3FB2]  }
0x3d: {  	_ =	shalt  }
0x3e: {  	_ =	shalt  }
0x3f: {  	_ =	shalt  }
0x40: {  	_ =	shalt  }
0x41: {  	_ =	shalt  }
0x42: {  	_ =	shalt  }
0x43: {  	_ =	shalt  }
0x44: {  	_ =	shalt  }
0x45: {  	_ =	shalt  }
0x46: {  	_ =	shalt  }
0x47: {  	_ =	shalt  }
0x48: {  	_ =	shalt  }
0x49: {  	_ =	shalt  }
0x4a: {  	_ =	shalt  }
0x4b: {  	_ =	shalt  }
0x4c: {  	_ =	shalt  }
0x4d: {  	_ =	shalt  }
0x4e: {  	_ =	shalt  }
0x4f: {  	_ =	shalt  }
0x50: {  	_ =	shalt  }
0x51: {  	_ =	shalt  }
0x52: {  	_ =	shalt  }
0x53: {  	_ =	shalt  }
0x54: {  	_ =	shalt  }
0x55: {  	_ =	shalt  }
0x56: {  	_ =	shalt  }
0x57: {  	_ =	shalt  }
0x58: {  	_ =	shalt  }
0x59: {  	_ =	shalt  }
0x5a: {  	_ =	shalt  }
0x5b: {  	_ =	shalt  }
0x5c: {  	_ =	shalt  }
0x5d: {  	_ =	shalt  }
0x5e: {  	_ =	shalt  }
0x5f: {  	_ =	shalt  }
0x60: {  	_ =	shalt  }
0x61: {  	_ =	shalt  }
0x62: {  	_ =	shalt  }
0x63: {  	_ =	shalt  }
0x64: {  	_ =	shalt  }
0x65: {  	_ =	shalt  }
0x66: {  	_ =	shalt  }
0x67: {  	_ =	shalt  }
0x68: {  	_ =	shalt  }
0x69: {  	_ =	shalt  }
0x6a: {  	_ =	shalt  }
0x6b: {  	_ =	shalt  }
0x6c: {  	_ =	shalt  }
0x6d: {  	_ =	shalt  }
0x6e: {  	_ =	shalt  }
0x6f: {  	_ =	shalt  }
0x70: {  	_ =	shalt  }
0x71: {  	_ =	shalt  }
0x72: {  	_ =	shalt  }
0x73: {  	_ =	shalt  }
0x74: {  	_ =	shalt  }
0x75: {  	_ =	shalt  }
0x76: {  	_ =	shalt  }
0x77: {  	_ =	shalt  }
0x78: {  	_ =	shalt  }
0x79: {  	_ =	shalt  }
0x7a: {  	_ =	shalt  }
0x7b: {  	_ =	shalt  }
0x7c: {  	_ =	shalt  }
0x7d: {  	_ =	shalt  }
0x7e: {  	_ =	shalt  }
0x7f: {  	_ =	shalt  }
0x80: {  	_ =	shalt  }
0x81: {  	_ =	shalt  }
0x82: {  	_ =	shalt  }
0x83: {  	_ =	shalt  }
0x84: {  	_ =	shalt  }
0x85: {  	_ =	shalt  }
0x86: {  	_ =	shalt  }
0x87: {  	_ =	shalt  }
.Lfunc_end0:
.L_simem_size_0:
called_computation.1_lowered:
.L_overlay_start_0:
0x88: {  	s2 =	sld [smem:$0x3FD9]  }
0x89: {  	s3 =	sld [smem:$0x3FFE];
	_ =	sdelay $0x1  }
0x8a: {  	s1 =	srdreg.scid  }
0x8b: {  	s0 =	sand.u32 $0x1, s1  }
0x8c: {  	s16 =	sshll.u32 s0, $0xA;
	s2 =	sadd.s32 s3, s2  }
0x8d: {  	s2 =	sadd.s32 s2, s16  }
0x8e: {  	[smem:$0x3FBE] =	sst s2  }
0x8f: {  	_ = 	snop  }
0x90: {  	(tm) =	ssettm $0x1  }
0x91: {  	s17 =	sld [smem:$0x3FFB];
	_ =	sdelay $0x3  }
0x92: {  	_ =	strace s17  }
0x93: {  	s2 =	sld [smem:$0x3FFC];
	_ =	sdelay $0x3  }
0x94: {  	_ =	strace s2  }
0x95: {  	s2 =	sld [smem:$0x3FFD];
	_ =	sdelay $0x3  }
0x96: {  	_ =	strace s2  }
0x97: {  	_ =	strace $0x8FFFFFFF  }
0x98: {  	s18 =	sld [smem:$0x3FDB];
	_ =	sdelay $0x1  }
0x99: {  	s19 =	simm.s32 $_scs_section_size  }
0x9a: {  	s4 =	simm.s32 $_size__tile_overlayer_lowered;
	s5 =	simm.s32 $_tile_overlayer_lowered  }
0x9b: {  	s22 =	simm.s32 $0x1BFF;
	s21 =	sshll.u32 s5, $0x1;
	s2 =	sadd.s32 s19, s18  }
0x9c: {  	s6 =	simm.s32 $0x0;
	s20 =	sshll.u32 s4, $0x1;
	s4 =	sadd.s32 s21, s2  }
0x9d: {  	[timem:s6], [sflag:s22] =	dma.local [hbm:s4], s20  }
0x9e: {  	_ =	swait.ge [sflag:s22], s20  }
0x9f: {  	s3 =	ssub.s32 $0x0, s20;
	[sflag:s22] =	ssyncset.done $0x0  }
0xa0: {  	[sflag:s22] =	ssyncadd.s32 s3;
	_ =	sdelay $0x1  }
0xa1: {  	s23 =	simm.s32 $0x1B8B  }
0xa2: {  	_ =	swait.ge [sflag:s23], $0x1  }
0xa3: {  	[sflag:s23] =	ssyncset.done $0x0  }
0xa4: {  	s25 =	simm.s32 $0x1B8E;
	s24 =	sld [smem:$0x3FFE];
	[sflag:s23] =	ssyncadd.s32 $0xFFFFFFFF  }
0xa5: {  	s26 =	simm.s32 $execute0_lowered;
	[smem:$0x3FD2] =	sst s25  }
0xa6: {  	s4 =	sshll.u32 s26, $0x1;
	_ =	strace $0x80000049;
	[dreg:$0x1] =	wrdreg $0xFFFFFFFF  }
0xa7: {  	s28 =	simm.s32 $_size_execute0_lowered;
	s2 =	sadd.s32 s2, s4;
	[dreg:$0x0] =	wrdreg $0x0  }
0xa8: {  	s4 =	sshll.u32 s28, $0x1;
	[dreg:$0x2] =	wrdreg s2  }
0xa9: {  	[dreg:$0x3] =	wrdreg s4  }
0xaa: {  	[dreg:$0x4] =	wrdreg $0xC0  }
0xab: {  	_ =	task [dreg:s6], $0x5FFFF  }
0xac: {  	[dreg:$0x1] =	wrdreg $0xFFFFFFFF  }
0xad: {  	[dreg:$0x0] =	wrdreg $0x60  }
0xae: {  	[dreg:$0x2] =	wrdreg s24  }
0xaf: {  	[dreg:$0x3] =	wrdreg $0xA8000  }
0xb0: {  	[dreg:$0x4] =	wrdreg $0x9  }
0xb1: {  	_ =	task.clear_ibuf [dreg:s6], $0x5FFFF;
	_ =	strace $0x90000049  }
0xb2: {  	s29 =	simm.s32 $0x9;
	_ =	strace $0x8000004B  }
0xb3: {  	_ =	swait.ge [sflag:s29], $0x1  }
0xb4: {  	[sflag:s29] =	ssyncadd.s32 $0xFFFFFFFF  }
0xb5: {  	_ =	strace $0x9000004B  }
0xb6: {  	_ =	sfence  }
0xb7: {  	s30 =	sld [smem:$0x0];
	_ =	sdelay $0x2  }
0xb8: {  	s31 =	sshll.u32 s1, $0xD;
	s1 =	sshrl.u32 s1, $0x2  }
0xb9: {  	s3 =	sand.u32 $0x4000, s31;
	s1 =	sadd.s32 s1, s30  }
0xba: {  	s0 =	sor.u32 s3, s0;
	s1 =	sshll.u32 s1, $0x11  }
0xbb: {  	s0 =	sor.u32 s1, s0  }
0xbc: {  	s0 =	sadd.s32 $0x8F2B, s0  }
0xbd: {  	[sflag:s0] =	ssyncadd.remote.s32 $0x1  }
0xbe: {  	_ =	sfence.sel $0xFFFF  }
0xbf: {  	[dreg:$0x0] =	wrdreg $0xFFFFFFFF;
	(pc) =	sbr.abs _section_cstart, $3  }
0xc0: {  	[dreg:$0x1] =	wrdreg $0xFFFFFFFF  }
0xc1: {  	_ =	task.clear_ibuf [dreg:s6], $0x2FFFF;
	_ =	strace $0x9FFFFFFF  }
0xc2: {  	(tm) =	ssettm $0x7FFFFFFF  }
0xc3: {  	_ =	shalt  }
tec
execute0_lowered:
.L_overlay_start_1:
0x0: {  	(tag) =	ssettag $0x1  }
0x1: {  	s5 =	rddreg [dreg:$0x0]  }
0x2: {  	s2 =	rddreg [dreg:$0x1]  }
0x3: {  	s0 =	rddreg [dreg:$0x2]  }
0x4: {  	s3 =	simm.s32 $0x0;
	s1 =	stileid.u32;
	s4 =	srdreg.scid  }
0x5: {  	s17 =	simm.s32 $0x1400;
	s18 =	simm.s32 $0x80;
	s19 =	simm.s32 $0x6800  }
0x6: {  	s20 =	simm.s32 $0x1;
	s21 =	simm.s32 $0x2;
	s22 =	simm.s32 $0x3  }
0x7: {  	[smem:$0x7FF] =	sst s3;
	s6 =	smul.u32 $0x50000, s1;
	s12 =	sadd.s32 $0xD000, s5  }
0x8: {  	s13 =	sadd.s32 $0x12000, s5;
	s4 =	sand.u32 $0x1, s4;
	s23 =	smul.u32 $0x2800, s1  }
0x9: {  	_ =	strace $0x8000004A;
	s7 =	smul.u32 $0x28000, s4;
	s8 =	ssub.s32 $0x2, s4  }
0xa: {  	s30 =	sshrl.u32 s6, $0x2;
	s31 =	sshrl.u32 s8, $0x1;
	s10 =	sshrl.u32 s23, $0x3  }
0xb: {  	s4 =	sadd.s32 s30, s2;
	s14 =	sadd.s32 s7, s5;
	s15 =	ssub.s32 s8, s31  }
0xc: {  	s9 =	sadd.s32 s12, s10;
	s16 =	sadd.s32 $0x280, s10;
	s10 =	sadd.s32 s13, s10  }
0xd: {  	s5 =	sadd.s32 $0x4000, s4;
	s6 =	sadd.s32 $0x8000, s4;
	s7 =	sadd.s32 $0xC000, s4  }
0xe: {  	s8 =	sadd.s32 $0x10000, s4;
	s11 =	sadd.s32 $0x17000, s14;
	s12 =	sadd.s32 s12, s16  }
0xf: {  	s13 =	sadd.s32 s13, s16;
	s24 =	sadd.s32 $0xB7000, s14;
	s14 =	smax.u32 s15, $0x1  }
0x10: {  	v0 =	vimm.f32 $0.0e+00;
	s15 =	simm.s32 $0x2800;
	s16 =	simm.s32 $0x4;
	s23 =	sadd.s32 s23, s24  }
.LBB2_1:
0x11: {  	s24 =	simm.s32 $0x0;
	s25 =	simm.s32 $0x200  }
.LBB2_2:
0x12: {  	p0 =	sne.s32 s25, $0xFE00;
	[tilespmem:s24+$0x2870] =	vst v0  }
0x13: {  	[tilespmem:s24+$0x2800] =	vst v0  }
0x14: {  	[tilespmem:s24+$0x2810] =	vst v0  }
.Ltmp0:
0x15: {  	[tilespmem:s24+$0x2820] =	vst v0;
	(pc) =	sbr.rel @p0 .LBB2_2-.Ltmp0, $4  }
0x16: {  	[tilespmem:s24+$0x2830] =	vst v0  }
0x17: {  	[tilespmem:s24+$0x2840] =	vst v0  }
0x18: {  	[tilespmem:s24+$0x2850] =	vst v0  }
0x19: {  	[tilespmem:s24+$0x2860] =	vst v0;
	s24 =	sshra.s32 s25, $0x2;
	s25 =	sadd.s32 $0x200, s25  }
0x1a: {  	[tilespmem:s24+$0x2870] =	vst v0  }
0x1b: {  	[tilespmem:s24+$0x2800] =	vst v0  }
0x1c: {  	[tilespmem:s24+$0x2810] =	vst v0  }
0x1d: {  	[tilespmem:s24+$0x2820] =	vst v0  }
0x1e: {  	[tilespmem:s24+$0x2830] =	vst v0  }
0x1f: {  	[tilespmem:s24+$0x2840] =	vst v0  }
0x20: {  	[tilespmem:s24+$0x2850] =	vst v0  }
0x21: {  	[tilespmem:s24+$0x2860] =	vst v0  }
0x22: {  	[spmem:s4] =	stream.linear.scatter [tilespmem:s15], [sflag:$0x4], $0x4000, $0x38;
	[tilespmem:$0x1E840] =	vst v63  }
0x23: {  	_ =	swait.ge [sflag:s16], $0x4000  }
0x24: {  	[sflag:s16] =	ssyncset.done $0x0  }
0x25: {  	[sflag:s16] =	ssyncadd.s32 $0xFFFFC000  }
0x26: {  	[spmem:s5] =	stream.linear.scatter [tilespmem:s15], [sflag:$0x4], $0x4000, $0x38;
	[tilespmem:$0x1E840] =	vst v63  }
0x27: {  	_ =	swait.ge [sflag:s16], $0x4000  }
0x28: {  	[sflag:s16] =	ssyncset.done $0x0  }
0x29: {  	[sflag:s16] =	ssyncadd.s32 $0xFFFFC000  }
0x2a: {  	[spmem:s6] =	stream.linear.scatter [tilespmem:s15], [sflag:$0x4], $0x4000, $0x38;
	[tilespmem:$0x1E840] =	vst v63  }
0x2b: {  	_ =	swait.ge [sflag:s16], $0x4000  }
0x2c: {  	[sflag:s16] =	ssyncset.done $0x0  }
0x2d: {  	[sflag:s16] =	ssyncadd.s32 $0xFFFFC000  }
0x2e: {  	[spmem:s7] =	stream.linear.scatter [tilespmem:s15], [sflag:$0x4], $0x4000, $0x38;
	[tilespmem:$0x1E840] =	vst v63  }
0x2f: {  	_ =	swait.ge [sflag:s16], $0x4000  }
0x30: {  	[sflag:s16] =	ssyncset.done $0x0  }
0x31: {  	[sflag:s16] =	ssyncadd.s32 $0xFFFFC000  }
0x32: {  	[spmem:s8] =	stream.linear.scatter [tilespmem:s15], [sflag:$0x4], $0x4000, $0x38;
	[tilespmem:$0x1E840] =	vst v63  }
0x33: {  	_ =	swait.ge [sflag:s16], $0x4000  }
0x34: {  	[sflag:s16] =	ssyncset.done $0x0  }
0x35: {  	[sflag:s16] =	ssyncadd.s32 $0xFFFFC000  }
0x36: {  	s26 =	simm.s32 $0x0;
	[bflag:$0x0] =	sbarrier.arrive $0xFFFF  }
0x37: {  	[tilespmem:s26], [sflag:$0x4] =	stream.linear.gather [hbm4b:s9+s26], $0x1400, $0x38;
	[tilespmem:$0x1E840] =	vst v63  }
0x38: {  	_ =	swait.ge [sflag:s16], $0x1400  }
0x39: {  	[sflag:s16] =	ssyncset.done $0x0  }
0x3a: {  	[sflag:s16] =	ssyncadd.s32 $0xFFFFEC00  }
0x3b: {  	[tilespmem:s17], [sflag:$0x4] =	stream.linear.gather [hbm4b:s10+s26], $0x1400, $0x38;
	[tilespmem:$0x1E840] =	vst v63  }
0x3c: {  	_ =	swait.ge [sflag:s16], $0x1400  }
0x3d: {  	[sflag:s16] =	ssyncset.done $0x0  }
0x3e: {  	s28 =	simm.s32 $0x0;
	[sflag:s16] =	ssyncadd.s32 $0xFFFFEC00  }
0x3f: {  	[tilespmem:s15], [sflag:$0x1] =	stream.indirect.gather [hbm4b:s11+s18], $0x80, s28, s18, $0xb8;
	[tilespmem:$0x1E840] =	vst v63  }
0x40: {  	s29 =	simm.s32 $0x80  }
0x41: {  	[tilespmem:s19], [sflag:$0x2] =	stream.indirect.gather [hbm4b:s11+s18], $0x80, s29, s18, $0xb8;
	[tilespmem:$0x1E840] =	vst v63  }
0x42: {  	_ =	swait.ge [sflag:s20], $0x4000  }
0x43: {  	[sflag:s20] =	ssyncset.done $0x0  }
0x44: {  	s30 =	simm.s32 $0x1400;
	[sflag:s20] =	ssyncadd.s32 $0xFFFFC000  }
0x45: {  	[spmem:s2] =	stream.indirect.scatter.add.f32 [tilespmem:s15], [sflag:$0x3], $0x80, s30, s18, $0xb8;
	[tilespmem:$0x1E840] =	vst v63  }
0x46: {  	_ =	swait.ge [sflag:s21], $0x4000  }
0x47: {  	[sflag:s21] =	ssyncset.done $0x0  }
0x48: {  	[sflag:s21] =	ssyncadd.s32 $0xFFFFC000  }
0x49: {  	_ =	swait.ge [sflag:s22], $0x4000  }
0x4a: {  	[sflag:s22] =	ssyncset.done $0x0  }
0x4b: {  	s31 =	simm.s32 $0x1480;
	[sflag:s22] =	ssyncadd.s32 $0xFFFFC000  }
0x4c: {  	[spmem:s2] =	stream.indirect.scatter.add.f32 [tilespmem:s19], [sflag:$0x4], $0x80, s31, s18, $0xb8;
	[tilespmem:$0x1E840] =	vst v63  }
0x4d: {  	_ =	swait.ge [sflag:s16], $0x4000  }
0x4e: {  	s24 =	simm.s32 $0x400;
	s25 =	simm.s32 $0x800;
	[sflag:s16] =	ssyncset.done $0x0  }
.LBB2_4:
0x4f: {  	s26 =	sshra.s32 s24, $0x2  }
0x50: {  	[sflag:s16] =	ssyncadd.s32 $0xFFFFC000;
	s24 =	smov.u32 s25;
	s28 =	sadd.s32 $0x400, s25  }
0x51: {  	[tilespmem:s15], [sflag:$0x1] =	stream.indirect.gather [hbm4b:s11+s18], $0x80, s26, s18, $0xb8;
	[tilespmem:$0x1E840] =	vst v63  }
0x52: {  	p0 =	sne.s32 s25, $0x4C00;
	s25 =	sadd.s32 $0x80, s26  }
0x53: {  	[tilespmem:s19], [sflag:$0x2] =	stream.indirect.gather [hbm4b:s11+s18], $0x80, s25, s18, $0xb8;
	[tilespmem:$0x1E840] =	vst v63  }
0x54: {  	_ =	swait.ge [sflag:s20], $0x4000  }
0x55: {  	[sflag:s20] =	ssyncset.done $0x0  }
0x56: {  	s25 =	sadd.s32 $0x1400, s26;
	[sflag:s20] =	ssyncadd.s32 $0xFFFFC000  }
0x57: {  	[spmem:s2] =	stream.indirect.scatter.add.f32 [tilespmem:s15], [sflag:$0x3], $0x80, s25, s18, $0xb8;
	[tilespmem:$0x1E840] =	vst v63  }
0x58: {  	_ =	swait.ge [sflag:s21], $0x4000  }
0x59: {  	[sflag:s21] =	ssyncset.done $0x0  }
0x5a: {  	[sflag:s21] =	ssyncadd.s32 $0xFFFFC000  }
0x5b: {  	_ =	swait.ge [sflag:s22], $0x4000  }
.Ltmp1:
0x5c: {  	[sflag:s22] =	ssyncset.done $0x0;
	(pc) =	sbr.rel @p0 .LBB2_4-.Ltmp1, $4  }
0x5d: {  	s25 =	sadd.s32 $0x1480, s26;
	[sflag:s22] =	ssyncadd.s32 $0xFFFFC000  }
0x5e: {  	[spmem:s2] =	stream.indirect.scatter.add.f32 [tilespmem:s19], [sflag:$0x4], $0x80, s25, s18, $0xb8;
	[tilespmem:$0x1E840] =	vst v63  }
0x5f: {  	_ =	swait.ge [sflag:s16], $0x4000  }
0x60: {  	s25 =	smov.u32 s28;
	[sflag:s16] =	ssyncset.done $0x0  }
0x61: {  	s24 =	sshra.s32 s24, $0x2;
	[sflag:s16] =	ssyncadd.s32 $0xFFFFC000  }
0x62: {  	[tilespmem:s15], [sflag:$0x1] =	stream.indirect.gather [hbm4b:s11+s18], $0x80, s24, s18, $0xb8;
	[tilespmem:$0x1E840] =	vst v63  }
0x63: {  	s25 =	sadd.s32 $0x80, s24  }
0x64: {  	[tilespmem:s19], [sflag:$0x2] =	stream.indirect.gather [hbm4b:s11+s18], $0x80, s25, s18, $0xb8;
	[tilespmem:$0x1E840] =	vst v63  }
0x65: {  	_ =	swait.ge [sflag:s20], $0x4000  }
0x66: {  	[sflag:s20] =	ssyncset.done $0x0  }
0x67: {  	s31 =	sadd.s32 $0x1400, s24;
	[sflag:s20] =	ssyncadd.s32 $0xFFFFC000  }
0x68: {  	[spmem:s2] =	stream.indirect.scatter.add.f32 [tilespmem:s15], [sflag:$0x3], $0x80, s31, s18, $0xb8;
	[tilespmem:$0x1E840] =	vst v63  }
0x69: {  	_ =	swait.ge [sflag:s21], $0x4000  }
0x6a: {  	[sflag:s21] =	ssyncset.done $0x0  }
0x6b: {  	[sflag:s21] =	ssyncadd.s32 $0xFFFFC000  }
0x6c: {  	_ =	swait.ge [sflag:s22], $0x4000  }
0x6d: {  	[sflag:s22] =	ssyncset.done $0x0  }
0x6e: {  	s24 =	sadd.s32 $0x1480, s24;
	[sflag:s22] =	ssyncadd.s32 $0xFFFFC000  }
0x6f: {  	[spmem:s2] =	stream.indirect.scatter.add.f32 [tilespmem:s19], [sflag:$0x4], $0x80, s24, s18, $0xb8;
	[tilespmem:$0x1E840] =	vst v63  }
0x70: {  	_ =	swait.ge [sflag:s16], $0x4000  }
0x71: {  	[sflag:s16] =	ssyncset.done $0x0  }
0x72: {  	s26 =	simm.s32 $0x0;
	[sflag:s16] =	ssyncadd.s32 $0xFFFFC000  }
0x73: {  	[tilespmem:s26], [sflag:$0x4] =	stream.linear.gather [hbm4b:s12+s26], $0x1400, $0x38;
	[tilespmem:$0x1E840] =	vst v63  }
0x74: {  	_ =	swait.ge [sflag:s16], $0x1400  }
0x75: {  	[sflag:s16] =	ssyncset.done $0x0  }
0x76: {  	[sflag:s16] =	ssyncadd.s32 $0xFFFFEC00  }
0x77: {  	[tilespmem:s17], [sflag:$0x4] =	stream.linear.gather [hbm4b:s13+s26], $0x1400, $0x38;
	[tilespmem:$0x1E840] =	vst v63  }
0x78: {  	_ =	swait.ge [sflag:s16], $0x1400  }
0x79: {  	[sflag:s16] =	ssyncset.done $0x0  }
0x7a: {  	s28 =	simm.s32 $0x0;
	[sflag:s16] =	ssyncadd.s32 $0xFFFFEC00  }
0x7b: {  	[tilespmem:s15], [sflag:$0x1] =	stream.indirect.gather [hbm4b:s11+s18], $0x80, s28, s18, $0xb8;
	[tilespmem:$0x1E840] =	vst v63  }
0x7c: {  	s29 =	simm.s32 $0x80  }
0x7d: {  	[tilespmem:s19], [sflag:$0x2] =	stream.indirect.gather [hbm4b:s11+s18], $0x80, s29, s18, $0xb8;
	[tilespmem:$0x1E840] =	vst v63  }
0x7e: {  	_ =	swait.ge [sflag:s20], $0x4000  }
0x7f: {  	[sflag:s20] =	ssyncset.done $0x0  }
0x80: {  	s30 =	simm.s32 $0x1400;
	[sflag:s20] =	ssyncadd.s32 $0xFFFFC000  }
0x81: {  	[spmem:s2] =	stream.indirect.scatter.add.f32 [tilespmem:s15], [sflag:$0x3], $0x80, s30, s18, $0xb8;
	[tilespmem:$0x1E840] =	vst v63  }
0x82: {  	_ =	swait.ge [sflag:s21], $0x4000  }
0x83: {  	[sflag:s21] =	ssyncset.done $0x0  }
0x84: {  	[sflag:s21] =	ssyncadd.s32 $0xFFFFC000  }
0x85: {  	_ =	swait.ge [sflag:s22], $0x4000  }
0x86: {  	[sflag:s22] =	ssyncset.done $0x0  }
0x87: {  	s31 =	simm.s32 $0x1480;
	[sflag:s22] =	ssyncadd.s32 $0xFFFFC000  }
0x88: {  	[spmem:s2] =	stream.indirect.scatter.add.f32 [tilespmem:s19], [sflag:$0x4], $0x80, s31, s18, $0xb8;
	[tilespmem:$0x1E840] =	vst v63  }
0x89: {  	_ =	swait.ge [sflag:s16], $0x4000  }
0x8a: {  	s25 =	simm.s32 $0x800;
	s24 =	simm.s32 $0x400;
	[sflag:s16] =	ssyncset.done $0x0  }
.LBB2_6:
0x8b: {  	s26 =	sshra.s32 s24, $0x2  }
0x8c: {  	[sflag:s16] =	ssyncadd.s32 $0xFFFFC000;
	s24 =	smov.u32 s25;
	s28 =	sadd.s32 $0x400, s25  }
0x8d: {  	[tilespmem:s15], [sflag:$0x1] =	stream.indirect.gather [hbm4b:s11+s18], $0x80, s26, s18, $0xb8;
	[tilespmem:$0x1E840] =	vst v63  }
0x8e: {  	p0 =	sne.s32 s25, $0x4C00;
	s25 =	sadd.s32 $0x80, s26  }
0x8f: {  	[tilespmem:s19], [sflag:$0x2] =	stream.indirect.gather [hbm4b:s11+s18], $0x80, s25, s18, $0xb8;
	[tilespmem:$0x1E840] =	vst v63  }
0x90: {  	_ =	swait.ge [sflag:s20], $0x4000  }
0x91: {  	[sflag:s20] =	ssyncset.done $0x0  }
0x92: {  	s25 =	sadd.s32 $0x1400, s26;
	[sflag:s20] =	ssyncadd.s32 $0xFFFFC000  }
0x93: {  	[spmem:s2] =	stream.indirect.scatter.add.f32 [tilespmem:s15], [sflag:$0x3], $0x80, s25, s18, $0xb8;
	[tilespmem:$0x1E840] =	vst v63  }
0x94: {  	_ =	swait.ge [sflag:s21], $0x4000  }
0x95: {  	[sflag:s21] =	ssyncset.done $0x0  }
0x96: {  	[sflag:s21] =	ssyncadd.s32 $0xFFFFC000  }
0x97: {  	_ =	swait.ge [sflag:s22], $0x4000  }
.Ltmp2:
0x98: {  	[sflag:s22] =	ssyncset.done $0x0;
	(pc) =	sbr.rel @p0 .LBB2_6-.Ltmp2, $4  }
0x99: {  	s25 =	sadd.s32 $0x1480, s26;
	[sflag:s22] =	ssyncadd.s32 $0xFFFFC000  }
0x9a: {  	[spmem:s2] =	stream.indirect.scatter.add.f32 [tilespmem:s19], [sflag:$0x4], $0x80, s25, s18, $0xb8;
	[tilespmem:$0x1E840] =	vst v63  }
0x9b: {  	_ =	swait.ge [sflag:s16], $0x4000  }
0x9c: {  	s25 =	smov.u32 s28;
	[sflag:s16] =	ssyncset.done $0x0  }
0x9d: {  	s24 =	sshra.s32 s24, $0x2;
	[sflag:s16] =	ssyncadd.s32 $0xFFFFC000  }
0x9e: {  	[tilespmem:s15], [sflag:$0x1] =	stream.indirect.gather [hbm4b:s11+s18], $0x80, s24, s18, $0xb8;
	[tilespmem:$0x1E840] =	vst v63  }
0x9f: {  	s25 =	sadd.s32 $0x80, s24  }
0xa0: {  	[tilespmem:s19], [sflag:$0x2] =	stream.indirect.gather [hbm4b:s11+s18], $0x80, s25, s18, $0xb8;
	[tilespmem:$0x1E840] =	vst v63  }
0xa1: {  	_ =	swait.ge [sflag:s20], $0x4000  }
0xa2: {  	[sflag:s20] =	ssyncset.done $0x0  }
0xa3: {  	s29 =	sadd.s32 $0x1400, s24;
	[sflag:s20] =	ssyncadd.s32 $0xFFFFC000  }
0xa4: {  	[spmem:s2] =	stream.indirect.scatter.add.f32 [tilespmem:s15], [sflag:$0x3], $0x80, s29, s18, $0xb8;
	[tilespmem:$0x1E840] =	vst v63  }
0xa5: {  	_ =	swait.ge [sflag:s21], $0x4000  }
0xa6: {  	[sflag:s21] =	ssyncset.done $0x0  }
0xa7: {  	[sflag:s21] =	ssyncadd.s32 $0xFFFFC000  }
0xa8: {  	_ =	swait.ge [sflag:s22], $0x4000  }
0xa9: {  	[sflag:s22] =	ssyncset.done $0x0  }
0xaa: {  	s24 =	sadd.s32 $0x1480, s24;
	[sflag:s22] =	ssyncadd.s32 $0xFFFFC000  }
0xab: {  	[spmem:s2] =	stream.indirect.scatter.add.f32 [tilespmem:s19], [sflag:$0x4], $0x80, s24, s18, $0xb8;
	[tilespmem:$0x1E840] =	vst v63  }
0xac: {  	_ =	swait.ge [sflag:s16], $0x4000  }
0xad: {  	s30 =	sshll.u32 s1, $0x6;
	s3 =	sadd.s32 $0x1, s3;
	[sflag:s16] =	ssyncset.done $0x0  }
0xae: {  	s31 =	sshrl.u32 s4, $0x3;
	p0 =	sne.s32 s3, s14;
	[sflag:s16] =	ssyncadd.s32 $0xFFFFC000  }
.Ltmp3:
0xaf: {  	s24 =	sor.u32 $0x1C04, s30;
	[bflag:$0x0] =	sbarrier.arrive $0xFFFF;
	(pc) =	sbr.rel @p0 .LBB2_1-.Ltmp3, $4  }
0xb0: {  	[hbm:s23], [sflag:s24] =	dma.local [spmem:s31], $0x2800  }
0xb1: {  	_ =	swait.ge [sflag:s16], $0x2800  }
0xb2: {  	[sflag:s16] =	ssyncset.done $0x0  }
0xb3: {  	[sflag:s16] =	ssyncadd.s32 $0xFFFFD800  }
0xb4: {  	_ =	sfence.sel $0x180000  }
0xb5: {  	[bflag:$0x0] =	sbarrier.arrive $0xFFFF  }
0xb6: {  	p0 =	sne.s32 s1, $0x0;
	_ =	strace $0x9000004A  }
0xb7: {  	s0 =	sadd.s32 @!p0 $0x100000, s0;
	[bflag:$0x2] =	sbarrier.arrive $0xFFFF  }
0xb8: {  	[sflag:s0] =	ssyncadd.tile.s32 @!p0 $0x1;
	_ =	shalt  }
.Lfunc_end2:
_tile_overlayer_lowered:
.L_overlay_start_2:
0xb9: {  	(tag) =	ssettag $0x2  }
0xba: {  	s0 =	rddreg [dreg:$0x0];
	s2 =	stileid.u32  }
0xbb: {  	s1 =	rddreg [dreg:$0x1];
	p0 =	sne.s32 s2, $0x0  }
0xbc: {  	s3 =	rddreg [dreg:$0x2];
	[bflag:$0x3] =	sbarrier.arrive $0xFFFF;
	s2 =	simm.s32 @!p0 $0x1C04  }
0xbd: {  	[timem:s3], [sflag:s2] =	dma.local @!p0 [hbm:s0], s1  }
0xbe: {  	s0 =	simm.s32 @!p0 $0x4  }
0xbf: {  	_ =	swait.ge @!p0 [sflag:s0], s1  }
0xc0: {  	s1 =	ssub.s32 @!p0 $0x0, s1;
	[sflag:s0] =	ssyncset.done @!p0 $0x0  }
0xc1: {  	[sflag:s0] =	ssyncadd.s32 @!p0 s1  }
0xc2: {  	[bflag:$0x3] =	sbarrier.arrive $0xFFFF  }
0xc3: {  	_ =	shalt  }

// kernel: kernel.14.cloned.1.call-start
scs
__scs_entry_jumppad:
0x0: {  	(pc) =	sbr.rel $0x88, $3  }
0x1: {  	(tag) =	ssettag $0x0;
	lr =	simm.s32 $0x1  }
0x2: {  	[smem:$0x3F97] =	sst lr;
	_ =	strace $0xD0000000  }
0x3: {  	_ = 	snop  }
0x4: {  	_ = 	snop  }
0x5: {  	_ = 	snop  }
0x6: {  	_ = 	snop  }
0x7: {  	_ = 	snop  }
__scs_overlays_trampoline_lowered:
0x8: {  	[smem:$0x3FA6] =	sst s0  }
0x9: {  	[smem:$0x3FA7] =	sst s1  }
0xa: {  	[smem:$0x3FA8] =	sst s2  }
0xb: {  	[smem:$0x3FA9] =	sst s3  }
0xc: {  	[smem:$0x3FAA] =	sst s4  }
0xd: {  	[smem:$0x3FAB] =	sst s5  }
0xe: {  	[smem:$0x3FAC] =	sst s6  }
0xf: {  	[smem:$0x3FAD] =	sst s7  }
0x10: {  	[smem:$0x3FAE] =	sst s8  }
0x11: {  	[smem:$0x3FAF] =	sst s9;
	s0 =	simm.s32 @!p0 $0x0  }
0x12: {  	s1 =	sld [smem:$0x3F95];
	s0 =	simm.s32 @p0 $0x1  }
0x13: {  	[smem:$0x3FB0] =	sst s0;
	s0 =	simm.s32 @!p1 $0x0  }
0x14: {  	s2 =	sld [smem:$0x3F94];
	s0 =	simm.s32 @p1 $0x1  }
0x15: {  	[smem:$0x3FB1] =	sst s0;
	s0 =	simm.s32 @!p2 $0x0  }
0x16: {  	s3 =	sld [smem:$0x3FDB];
	s0 =	simm.s32 @p2 $0x1  }
0x17: {  	s4 =	simm.s32 $0x1BF5;
	[smem:$0x3FB3] =	sst s0  }
0x18: {  	s0 =	sld [smem:$0x3F96];
	_ =	swait.ge [sflag:s4], $0x0  }
0x19: {  	s7 =	sld [smem:$0x3F97]  }
0x1a: {  	s8 =	sadd.s32 $0xFFFFE003, lr  }
0x1b: {  	s9 =	sadd.s32 $0xFFFFFEF7, lr;
	s5 =	simm.s32 $0xFFFFFFFF;
	p2 =	slt.u32 s8, $0xFFFFF086  }
0x1c: {  	p1 =	slt.u32 s9, $0xF7A;
	s5 =	simm.s32 @!p2 $0x0  }
0x1d: {  	s5 =	simm.s32 @p1 $0x1;
	p0 =	seq.s32 s7, s2  }
0x1e: {  	s7 =	smul.u32 @!p0 $0xF7A, s2;
	p2 =	seq.s32 @!p0 s5, $0x0  }
0x1f: {  	s9 =	smul.u32 $0xF7A, s1;
	s8 =	simm.s32 @!p0 $0x1BF5;
	p2 =	por !p2, p0  }
0x20: {  	[sflag:s8] =	ssyncset.s32 @!p0 $0xFFFFF086;
	s6 =	sadd.s32 @!p0 s3, s7;
	s7 =	simm.s32 @!p0 $0x108  }
0x21: {  	s3 =	sadd.s32 s3, s9;
	s6 =	sadd.s32 @!p0 $0x88, s6;
	s7 =	simm.s32 @p2 $0x1082  }
0x22: {  	[simem:s7], [sflag:s8] =	dma.local @!p0 [hbm:s6], $0xF7A  }
0x23: {  	s9 =	sor.u32 $0xD0000000, s2;
	s6 =	simm.s32 $0x108;
	_ =	swait.ge @!p0 [sflag:s8], $0x0  }
0x24: {  	s3 =	sadd.s32 $0x88, s3;
	s6 =	simm.s32 @!p1 $0x1082;
	[sflag:s4] =	ssyncset.s32 $0xFFFFF086  }
0x25: {  	[simem:s6], [sflag:s4] =	dma.local [hbm:s3], $0xF7A  }
0x26: {  	[smem:$0x3F97] =	sst s1;
	(tag) =	ssettag s2;
	_ =	strace s9  }
0x27: {  	s1 =	sld [smem:$0x3FA7]  }
0x28: {  	s2 =	sld [smem:$0x3FA8]  }
0x29: {  	s4 =	sld [smem:$0x3FAA]  }
0x2a: {  	p0 =	seq.s32 s5, $0x0;
	s5 =	sld [smem:$0x3FAB]  }
0x2b: {  	s6 =	sld [smem:$0x3FAC]  }
0x2c: {  	s7 =	sld [smem:$0x3FAD]  }
0x2d: {  	s3 =	simm.s32 $0x108;
	s8 =	sld [smem:$0x3FAE]  }
0x2e: {  	s3 =	simm.s32 @!p0 $0x1082;
	s9 =	sld [smem:$0x3FAF]  }
0x2f: {  	lr =	sadd.s32 s0, s3;
	s0 =	sld [smem:$0x3FA6]  }
0x30: {  	s3 =	sld [smem:$0x3FA9]  }
0x31: {  	[smem:$0x3FB2] =	sst s10  }
0x32: {  	s10 =	sld [smem:$0x3FB0];
	_ =	sdelay $0x3  }
0x33: {  	p0 =	seq.s32 s10, $0x1;
	s10 =	sld [smem:$0x3FB2];
	_ =	sdelay $0x3  }
0x34: {  	[smem:$0x3FB2] =	sst s10  }
0x35: {  	s10 =	sld [smem:$0x3FB1];
	_ =	sdelay $0x3  }
0x36: {  	p1 =	seq.s32 s10, $0x1;
	s10 =	sld [smem:$0x3FB2];
	_ =	sdelay $0x3  }
0x37: {  	[smem:$0x3FB2] =	sst s10  }
0x38: {  	s10 =	sld [smem:$0x3FB3]  }
0x39: {  	_ = 	snop;
	(pc) =	sbr.ind lr, $3  }
0x3a: {  	_ = 	snop  }
0x3b: {  	_ = 	snop  }
0x3c: {  	p2 =	seq.s32 s10, $0x1;
	s10 =	sld [smem:$0x3FB2]  }
0x3d: {  	_ =	shalt  }
0x3e: {  	_ =	shalt  }
0x3f: {  	_ =	shalt  }
0x40: {  	_ =	shalt  }
0x41: {  	_ =	shalt  }
0x42: {  	_ =	shalt  }
0x43: {  	_ =	shalt  }
0x44: {  	_ =	shalt  }
0x45: {  	_ =	shalt  }
0x46: {  	_ =	shalt  }
0x47: {  	_ =	shalt  }
0x48: {  	_ =	shalt  }
0x49: {  	_ =	shalt  }
0x4a: {  	_ =	shalt  }
0x4b: {  	_ =	shalt  }
0x4c: {  	_ =	shalt  }
0x4d: {  	_ =	shalt  }
0x4e: {  	_ =	shalt  }
0x4f: {  	_ =	shalt  }
0x50: {  	_ =	shalt  }
0x51: {  	_ =	shalt  }
0x52: {  	_ =	shalt  }
0x53: {  	_ =	shalt  }
0x54: {  	_ =	shalt  }
0x55: {  	_ =	shalt  }
0x56: {  	_ =	shalt  }
0x57: {  	_ =	shalt  }
0x58: {  	_ =	shalt  }
0x59: {  	_ =	shalt  }
0x5a: {  	_ =	shalt  }
0x5b: {  	_ =	shalt  }
0x5c: {  	_ =	shalt  }
0x5d: {  	_ =	shalt  }
0x5e: {  	_ =	shalt  }
0x5f: {  	_ =	shalt  }
0x60: {  	_ =	shalt  }
0x61: {  	_ =	shalt  }
0x62: {  	_ =	shalt  }
0x63: {  	_ =	shalt  }
0x64: {  	_ =	shalt  }
0x65: {  	_ =	shalt  }
0x66: {  	_ =	shalt  }
0x67: {  	_ =	shalt  }
0x68: {  	_ =	shalt  }
0x69: {  	_ =	shalt  }
0x6a: {  	_ =	shalt  }
0x6b: {  	_ =	shalt  }
0x6c: {  	_ =	shalt  }
0x6d: {  	_ =	shalt  }
0x6e: {  	_ =	shalt  }
0x6f: {  	_ =	shalt  }
0x70: {  	_ =	shalt  }
0x71: {  	_ =	shalt  }
0x72: {  	_ =	shalt  }
0x73: {  	_ =	shalt  }
0x74: {  	_ =	shalt  }
0x75: {  	_ =	shalt  }
0x76: {  	_ =	shalt  }
0x77: {  	_ =	shalt  }
0x78: {  	_ =	shalt  }
0x79: {  	_ =	shalt  }
0x7a: {  	_ =	shalt  }
0x7b: {  	_ =	shalt  }
0x7c: {  	_ =	shalt  }
0x7d: {  	_ =	shalt  }
0x7e: {  	_ =	shalt  }
0x7f: {  	_ =	shalt  }
0x80: {  	_ =	shalt  }
0x81: {  	_ =	shalt  }
0x82: {  	_ =	shalt  }
0x83: {  	_ =	shalt  }
0x84: {  	_ =	shalt  }
0x85: {  	_ =	shalt  }
0x86: {  	_ =	shalt  }
0x87: {  	_ =	shalt  }
.Lfunc_end0:
.L_simem_size_0:
called_computation.2_lowered:
.L_overlay_start_0:
0x88: {  	s2 =	sld [smem:$0x3FD9]  }
0x89: {  	s3 =	sld [smem:$0x3FFE];
	_ =	sdelay $0x1  }
0x8a: {  	s1 =	srdreg.scid  }
0x8b: {  	s0 =	sand.u32 $0x1, s1  }
0x8c: {  	s16 =	sshll.u32 s0, $0xA;
	s2 =	sadd.s32 s3, s2  }
0x8d: {  	s2 =	sadd.s32 s2, s16  }
0x8e: {  	[smem:$0x3FBE] =	sst s2  }
0x8f: {  	_ = 	snop  }
0x90: {  	(tm) =	ssettm $0x1  }
0x91: {  	s17 =	sld [smem:$0x3FFB];
	_ =	sdelay $0x3  }
0x92: {  	_ =	strace s17  }
0x93: {  	s2 =	sld [smem:$0x3FFC];
	_ =	sdelay $0x3  }
0x94: {  	_ =	strace s2  }
0x95: {  	s2 =	sld [smem:$0x3FFD];
	_ =	sdelay $0x3  }
0x96: {  	_ =	strace s2  }
0x97: {  	_ =	strace $0x8FFFFFFF  }
0x98: {  	s18 =	sld [smem:$0x3FDB];
	_ =	sdelay $0x1  }
0x99: {  	s19 =	simm.s32 $_scs_section_size  }
0x9a: {  	s4 =	simm.s32 $_size__tile_overlayer_lowered;
	s5 =	simm.s32 $_tile_overlayer_lowered  }
0x9b: {  	s22 =	simm.s32 $0x1BFF;
	s21 =	sshll.u32 s5, $0x1;
	s2 =	sadd.s32 s19, s18  }
0x9c: {  	s6 =	simm.s32 $0x0;
	s20 =	sshll.u32 s4, $0x1;
	s4 =	sadd.s32 s21, s2  }
0x9d: {  	[timem:s6], [sflag:s22] =	dma.local [hbm:s4], s20  }
0x9e: {  	_ =	swait.ge [sflag:s22], s20  }
0x9f: {  	s3 =	ssub.s32 $0x0, s20;
	[sflag:s22] =	ssyncset.done $0x0  }
0xa0: {  	[sflag:s22] =	ssyncadd.s32 s3;
	_ =	sdelay $0x1  }
0xa1: {  	s23 =	simm.s32 $0x1B8B  }
0xa2: {  	_ =	swait.ge [sflag:s23], $0x1  }
0xa3: {  	[sflag:s23] =	ssyncset.done $0x0  }
0xa4: {  	s25 =	simm.s32 $0x1B8E;
	s24 =	sld [smem:$0x3FFE];
	[sflag:s23] =	ssyncadd.s32 $0xFFFFFFFF  }
0xa5: {  	s26 =	simm.s32 $execute0_lowered;
	[smem:$0x3FD2] =	sst s25  }
0xa6: {  	s4 =	sshll.u32 s26, $0x1;
	_ =	strace $0x8000004C;
	[dreg:$0x1] =	wrdreg $0xFFFFFFFF  }
0xa7: {  	s28 =	simm.s32 $_size_execute0_lowered;
	s2 =	sadd.s32 s2, s4;
	[dreg:$0x0] =	wrdreg $0x0  }
0xa8: {  	s4 =	sshll.u32 s28, $0x1;
	[dreg:$0x2] =	wrdreg s2  }
0xa9: {  	[dreg:$0x3] =	wrdreg s4  }
0xaa: {  	[dreg:$0x4] =	wrdreg $0xC0  }
0xab: {  	_ =	task [dreg:s6], $0x5FFFF  }
0xac: {  	[dreg:$0x1] =	wrdreg $0xFFFFFFFF  }
0xad: {  	[dreg:$0x0] =	wrdreg $0x60  }
0xae: {  	[dreg:$0x2] =	wrdreg s24  }
0xaf: {  	[dreg:$0x3] =	wrdreg $0xA8000  }
0xb0: {  	[dreg:$0x4] =	wrdreg $0x9  }
0xb1: {  	_ =	task.clear_ibuf [dreg:s6], $0x5FFFF;
	_ =	strace $0x9000004C  }
0xb2: {  	s29 =	simm.s32 $0x9;
	_ =	strace $0x8000004E  }
0xb3: {  	_ =	swait.ge [sflag:s29], $0x1  }
0xb4: {  	[sflag:s29] =	ssyncadd.s32 $0xFFFFFFFF  }
0xb5: {  	_ =	strace $0x9000004E  }
0xb6: {  	_ =	sfence  }
0xb7: {  	s30 =	sld [smem:$0x0];
	_ =	sdelay $0x2  }
0xb8: {  	s31 =	sshll.u32 s1, $0xD;
	s1 =	sshrl.u32 s1, $0x2  }
0xb9: {  	s3 =	sand.u32 $0x4000, s31;
	s1 =	sadd.s32 s1, s30  }
0xba: {  	s0 =	sor.u32 s3, s0;
	s1 =	sshll.u32 s1, $0x11  }
0xbb: {  	s0 =	sor.u32 s1, s0  }
0xbc: {  	s0 =	sadd.s32 $0x8F2B, s0  }
0xbd: {  	[sflag:s0] =	ssyncadd.remote.s32 $0x1  }
0xbe: {  	_ =	sfence.sel $0xFFFF  }
0xbf: {  	[dreg:$0x0] =	wrdreg $0xFFFFFFFF;
	(pc) =	sbr.abs _section_cstart, $3  }
0xc0: {  	[dreg:$0x1] =	wrdreg $0xFFFFFFFF  }
0xc1: {  	_ =	task.clear_ibuf [dreg:s6], $0x2FFFF;
	_ =	strace $0x9FFFFFFF  }
0xc2: {  	(tm) =	ssettm $0x7FFFFFFF  }
0xc3: {  	_ =	shalt  }
tec
execute0_lowered:
.L_overlay_start_1:
0x0: {  	(tag) =	ssettag $0x1  }
0x1: {  	s5 =	rddreg [dreg:$0x0]  }
0x2: {  	s2 =	rddreg [dreg:$0x1]  }
0x3: {  	s0 =	rddreg [dreg:$0x2]  }
0x4: {  	s3 =	simm.s32 $0x0;
	s1 =	stileid.u32;
	s4 =	srdreg.scid  }
0x5: {  	s17 =	simm.s32 $0x1400;
	s18 =	simm.s32 $0x80;
	s19 =	simm.s32 $0x6800  }
0x6: {  	s20 =	simm.s32 $0x1;
	s21 =	simm.s32 $0x2;
	s22 =	simm.s32 $0x3  }
0x7: {  	[smem:$0x7FF] =	sst s3;
	s6 =	smul.u32 $0x50000, s1;
	s12 =	sadd.s32 $0xD000, s5  }
0x8: {  	s13 =	sadd.s32 $0x12000, s5;
	s4 =	sand.u32 $0x1, s4;
	s23 =	smul.u32 $0x2800, s1  }
0x9: {  	_ =	strace $0x8000004D;
	s7 =	smul.u32 $0x28000, s4;
	s8 =	ssub.s32 $0x2, s4  }
0xa: {  	s30 =	sshrl.u32 s6, $0x2;
	s31 =	sshrl.u32 s8, $0x1;
	s10 =	sshrl.u32 s23, $0x3  }
0xb: {  	s4 =	sadd.s32 s30, s2;
	s14 =	sadd.s32 s7, s5;
	s15 =	ssub.s32 s8, s31  }
0xc: {  	s9 =	sadd.s32 s12, s10;
	s16 =	sadd.s32 $0x280, s10;
	s10 =	sadd.s32 s13, s10  }
0xd: {  	s5 =	sadd.s32 $0x4000, s4;
	s6 =	sadd.s32 $0x8000, s4;
	s7 =	sadd.s32 $0xC000, s4  }
0xe: {  	s8 =	sadd.s32 $0x10000, s4;
	s11 =	sadd.s32 $0x17000, s14;
	s12 =	sadd.s32 s12, s16  }
0xf: {  	s13 =	sadd.s32 s13, s16;
	s24 =	sadd.s32 $0xB7000, s14;
	s14 =	smax.u32 s15, $0x1  }
0x10: {  	v0 =	vimm.f32 $0.0e+00;
	s15 =	simm.s32 $0x2800;
	s16 =	simm.s32 $0x4;
	s23 =	sadd.s32 s23, s24  }
.LBB2_1:
0x11: {  	s24 =	simm.s32 $0x0;
	s25 =	simm.s32 $0x200  }
.LBB2_2:
0x12: {  	p0 =	sne.s32 s25, $0xFE00;
	[tilespmem:s24+$0x2870] =	vst v0  }
0x13: {  	[tilespmem:s24+$0x2800] =	vst v0  }
0x14: {  	[tilespmem:s24+$0x2810] =	vst v0  }
.Ltmp0:
0x15: {  	[tilespmem:s24+$0x2820] =	vst v0;
	(pc) =	sbr.rel @p0 .LBB2_2-.Ltmp0, $4  }
0x16: {  	[tilespmem:s24+$0x2830] =	vst v0  }
0x17: {  	[tilespmem:s24+$0x2840] =	vst v0  }
0x18: {  	[tilespmem:s24+$0x2850] =	vst v0  }
0x19: {  	[tilespmem:s24+$0x2860] =	vst v0;
	s24 =	sshra.s32 s25, $0x2;
	s25 =	sadd.s32 $0x200, s25  }
0x1a: {  	[tilespmem:s24+$0x2870] =	vst v0  }
0x1b: {  	[tilespmem:s24+$0x2800] =	vst v0  }
0x1c: {  	[tilespmem:s24+$0x2810] =	vst v0  }
0x1d: {  	[tilespmem:s24+$0x2820] =	vst v0  }
0x1e: {  	[tilespmem:s24+$0x2830] =	vst v0  }
0x1f: {  	[tilespmem:s24+$0x2840] =	vst v0  }
0x20: {  	[tilespmem:s24+$0x2850] =	vst v0  }
0x21: {  	[tilespmem:s24+$0x2860] =	vst v0  }
0x22: {  	[spmem:s4] =	stream.linear.scatter [tilespmem:s15], [sflag:$0x4], $0x4000, $0x38;
	[tilespmem:$0x1E840] =	vst v63  }
0x23: {  	_ =	swait.ge [sflag:s16], $0x4000  }
0x24: {  	[sflag:s16] =	ssyncset.done $0x0  }
0x25: {  	[sflag:s16] =	ssyncadd.s32 $0xFFFFC000  }
0x26: {  	[spmem:s5] =	stream.linear.scatter [tilespmem:s15], [sflag:$0x4], $0x4000, $0x38;
	[tilespmem:$0x1E840] =	vst v63  }
0x27: {  	_ =	swait.ge [sflag:s16], $0x4000  }
0x28: {  	[sflag:s16] =	ssyncset.done $0x0  }
0x29: {  	[sflag:s16] =	ssyncadd.s32 $0xFFFFC000  }
0x2a: {  	[spmem:s6] =	stream.linear.scatter [tilespmem:s15], [sflag:$0x4], $0x4000, $0x38;
	[tilespmem:$0x1E840] =	vst v63  }
0x2b: {  	_ =	swait.ge [sflag:s16], $0x4000  }
0x2c: {  	[sflag:s16] =	ssyncset.done $0x0  }
0x2d: {  	[sflag:s16] =	ssyncadd.s32 $0xFFFFC000  }
0x2e: {  	[spmem:s7] =	stream.linear.scatter [tilespmem:s15], [sflag:$0x4], $0x4000, $0x38;
	[tilespmem:$0x1E840] =	vst v63  }
0x2f: {  	_ =	swait.ge [sflag:s16], $0x4000  }
0x30: {  	[sflag:s16] =	ssyncset.done $0x0  }
0x31: {  	[sflag:s16] =	ssyncadd.s32 $0xFFFFC000  }
0x32: {  	[spmem:s8] =	stream.linear.scatter [tilespmem:s15], [sflag:$0x4], $0x4000, $0x38;
	[tilespmem:$0x1E840] =	vst v63  }
0x33: {  	_ =	swait.ge [sflag:s16], $0x4000  }
0x34: {  	[sflag:s16] =	ssyncset.done $0x0  }
0x35: {  	[sflag:s16] =	ssyncadd.s32 $0xFFFFC000  }
0x36: {  	s26 =	simm.s32 $0x0;
	[bflag:$0x0] =	sbarrier.arrive $0xFFFF  }
0x37: {  	[tilespmem:s26], [sflag:$0x4] =	stream.linear.gather [hbm4b:s9+s26], $0x1400, $0x38;
	[tilespmem:$0x1E840] =	vst v63  }
0x38: {  	_ =	swait.ge [sflag:s16], $0x1400  }
0x39: {  	[sflag:s16] =	ssyncset.done $0x0  }
0x3a: {  	[sflag:s16] =	ssyncadd.s32 $0xFFFFEC00  }
0x3b: {  	[tilespmem:s17], [sflag:$0x4] =	stream.linear.gather [hbm4b:s10+s26], $0x1400, $0x38;
	[tilespmem:$0x1E840] =	vst v63  }
0x3c: {  	_ =	swait.ge [sflag:s16], $0x1400  }
0x3d: {  	[sflag:s16] =	ssyncset.done $0x0  }
0x3e: {  	s28 =	simm.s32 $0x0;
	[sflag:s16] =	ssyncadd.s32 $0xFFFFEC00  }
0x3f: {  	[tilespmem:s15], [sflag:$0x1] =	stream.indirect.gather [hbm4b:s11+s18], $0x80, s28, s18, $0xb8;
	[tilespmem:$0x1E840] =	vst v63  }
0x40: {  	s29 =	simm.s32 $0x80  }
0x41: {  	[tilespmem:s19], [sflag:$0x2] =	stream.indirect.gather [hbm4b:s11+s18], $0x80, s29, s18, $0xb8;
	[tilespmem:$0x1E840] =	vst v63  }
0x42: {  	_ =	swait.ge [sflag:s20], $0x4000  }
0x43: {  	[sflag:s20] =	ssyncset.done $0x0  }
0x44: {  	s30 =	simm.s32 $0x1400;
	[sflag:s20] =	ssyncadd.s32 $0xFFFFC000  }
0x45: {  	[spmem:s2] =	stream.indirect.scatter.add.f32 [tilespmem:s15], [sflag:$0x3], $0x80, s30, s18, $0xb8;
	[tilespmem:$0x1E840] =	vst v63  }
0x46: {  	_ =	swait.ge [sflag:s21], $0x4000  }
0x47: {  	[sflag:s21] =	ssyncset.done $0x0  }
0x48: {  	[sflag:s21] =	ssyncadd.s32 $0xFFFFC000  }
0x49: {  	_ =	swait.ge [sflag:s22], $0x4000  }
0x4a: {  	[sflag:s22] =	ssyncset.done $0x0  }
0x4b: {  	s31 =	simm.s32 $0x1480;
	[sflag:s22] =	ssyncadd.s32 $0xFFFFC000  }
0x4c: {  	[spmem:s2] =	stream.indirect.scatter.add.f32 [tilespmem:s19], [sflag:$0x4], $0x80, s31, s18, $0xb8;
	[tilespmem:$0x1E840] =	vst v63  }
0x4d: {  	_ =	swait.ge [sflag:s16], $0x4000  }
0x4e: {  	s24 =	simm.s32 $0x400;
	s25 =	simm.s32 $0x800;
	[sflag:s16] =	ssyncset.done $0x0  }
.LBB2_4:
0x4f: {  	s26 =	sshra.s32 s24, $0x2  }
0x50: {  	[sflag:s16] =	ssyncadd.s32 $0xFFFFC000;
	s24 =	smov.u32 s25;
	s28 =	sadd.s32 $0x400, s25  }
0x51: {  	[tilespmem:s15], [sflag:$0x1] =	stream.indirect.gather [hbm4b:s11+s18], $0x80, s26, s18, $0xb8;
	[tilespmem:$0x1E840] =	vst v63  }
0x52: {  	p0 =	sne.s32 s25, $0x4C00;
	s25 =	sadd.s32 $0x80, s26  }
0x53: {  	[tilespmem:s19], [sflag:$0x2] =	stream.indirect.gather [hbm4b:s11+s18], $0x80, s25, s18, $0xb8;
	[tilespmem:$0x1E840] =	vst v63  }
0x54: {  	_ =	swait.ge [sflag:s20], $0x4000  }
0x55: {  	[sflag:s20] =	ssyncset.done $0x0  }
0x56: {  	s25 =	sadd.s32 $0x1400, s26;
	[sflag:s20] =	ssyncadd.s32 $0xFFFFC000  }
0x57: {  	[spmem:s2] =	stream.indirect.scatter.add.f32 [tilespmem:s15], [sflag:$0x3], $0x80, s25, s18, $0xb8;
	[tilespmem:$0x1E840] =	vst v63  }
0x58: {  	_ =	swait.ge [sflag:s21], $0x4000  }
0x59: {  	[sflag:s21] =	ssyncset.done $0x0  }
0x5a: {  	[sflag:s21] =	ssyncadd.s32 $0xFFFFC000  }
0x5b: {  	_ =	swait.ge [sflag:s22], $0x4000  }
.Ltmp1:
0x5c: {  	[sflag:s22] =	ssyncset.done $0x0;
	(pc) =	sbr.rel @p0 .LBB2_4-.Ltmp1, $4  }
0x5d: {  	s25 =	sadd.s32 $0x1480, s26;
	[sflag:s22] =	ssyncadd.s32 $0xFFFFC000  }
0x5e: {  	[spmem:s2] =	stream.indirect.scatter.add.f32 [tilespmem:s19], [sflag:$0x4], $0x80, s25, s18, $0xb8;
	[tilespmem:$0x1E840] =	vst v63  }
0x5f: {  	_ =	swait.ge [sflag:s16], $0x4000  }
0x60: {  	s25 =	smov.u32 s28;
	[sflag:s16] =	ssyncset.done $0x0  }
0x61: {  	s24 =	sshra.s32 s24, $0x2;
	[sflag:s16] =	ssyncadd.s32 $0xFFFFC000  }
0x62: {  	[tilespmem:s15], [sflag:$0x1] =	stream.indirect.gather [hbm4b:s11+s18], $0x80, s24, s18, $0xb8;
	[tilespmem:$0x1E840] =	vst v63  }
0x63: {  	s25 =	sadd.s32 $0x80, s24  }
0x64: {  	[tilespmem:s19], [sflag:$0x2] =	stream.indirect.gather [hbm4b:s11+s18], $0x80, s25, s18, $0xb8;
	[tilespmem:$0x1E840] =	vst v63  }
0x65: {  	_ =	swait.ge [sflag:s20], $0x4000  }
0x66: {  	[sflag:s20] =	ssyncset.done $0x0  }
0x67: {  	s31 =	sadd.s32 $0x1400, s24;
	[sflag:s20] =	ssyncadd.s32 $0xFFFFC000  }
0x68: {  	[spmem:s2] =	stream.indirect.scatter.add.f32 [tilespmem:s15], [sflag:$0x3], $0x80, s31, s18, $0xb8;
	[tilespmem:$0x1E840] =	vst v63  }
0x69: {  	_ =	swait.ge [sflag:s21], $0x4000  }
0x6a: {  	[sflag:s21] =	ssyncset.done $0x0  }
0x6b: {  	[sflag:s21] =	ssyncadd.s32 $0xFFFFC000  }
0x6c: {  	_ =	swait.ge [sflag:s22], $0x4000  }
0x6d: {  	[sflag:s22] =	ssyncset.done $0x0  }
0x6e: {  	s24 =	sadd.s32 $0x1480, s24;
	[sflag:s22] =	ssyncadd.s32 $0xFFFFC000  }
0x6f: {  	[spmem:s2] =	stream.indirect.scatter.add.f32 [tilespmem:s19], [sflag:$0x4], $0x80, s24, s18, $0xb8;
	[tilespmem:$0x1E840] =	vst v63  }
0x70: {  	_ =	swait.ge [sflag:s16], $0x4000  }
0x71: {  	[sflag:s16] =	ssyncset.done $0x0  }
0x72: {  	s26 =	simm.s32 $0x0;
	[sflag:s16] =	ssyncadd.s32 $0xFFFFC000  }
0x73: {  	[tilespmem:s26], [sflag:$0x4] =	stream.linear.gather [hbm4b:s12+s26], $0x1400, $0x38;
	[tilespmem:$0x1E840] =	vst v63  }
0x74: {  	_ =	swait.ge [sflag:s16], $0x1400  }
0x75: {  	[sflag:s16] =	ssyncset.done $0x0  }
0x76: {  	[sflag:s16] =	ssyncadd.s32 $0xFFFFEC00  }
0x77: {  	[tilespmem:s17], [sflag:$0x4] =	stream.linear.gather [hbm4b:s13+s26], $0x1400, $0x38;
	[tilespmem:$0x1E840] =	vst v63  }
0x78: {  	_ =	swait.ge [sflag:s16], $0x1400  }
0x79: {  	[sflag:s16] =	ssyncset.done $0x0  }
0x7a: {  	s28 =	simm.s32 $0x0;
	[sflag:s16] =	ssyncadd.s32 $0xFFFFEC00  }
0x7b: {  	[tilespmem:s15], [sflag:$0x1] =	stream.indirect.gather [hbm4b:s11+s18], $0x80, s28, s18, $0xb8;
	[tilespmem:$0x1E840] =	vst v63  }
0x7c: {  	s29 =	simm.s32 $0x80  }
0x7d: {  	[tilespmem:s19], [sflag:$0x2] =	stream.indirect.gather [hbm4b:s11+s18], $0x80, s29, s18, $0xb8;
	[tilespmem:$0x1E840] =	vst v63  }
0x7e: {  	_ =	swait.ge [sflag:s20], $0x4000  }
0x7f: {  	[sflag:s20] =	ssyncset.done $0x0  }
0x80: {  	s30 =	simm.s32 $0x1400;
	[sflag:s20] =	ssyncadd.s32 $0xFFFFC000  }
0x81: {  	[spmem:s2] =	stream.indirect.scatter.add.f32 [tilespmem:s15], [sflag:$0x3], $0x80, s30, s18, $0xb8;
	[tilespmem:$0x1E840] =	vst v63  }
0x82: {  	_ =	swait.ge [sflag:s21], $0x4000  }
0x83: {  	[sflag:s21] =	ssyncset.done $0x0  }
0x84: {  	[sflag:s21] =	ssyncadd.s32 $0xFFFFC000  }
0x85: {  	_ =	swait.ge [sflag:s22], $0x4000  }
0x86: {  	[sflag:s22] =	ssyncset.done $0x0  }
0x87: {  	s31 =	simm.s32 $0x1480;
	[sflag:s22] =	ssyncadd.s32 $0xFFFFC000  }
0x88: {  	[spmem:s2] =	stream.indirect.scatter.add.f32 [tilespmem:s19], [sflag:$0x4], $0x80, s31, s18, $0xb8;
	[tilespmem:$0x1E840] =	vst v63  }
0x89: {  	_ =	swait.ge [sflag:s16], $0x4000  }
0x8a: {  	s25 =	simm.s32 $0x800;
	s24 =	simm.s32 $0x400;
	[sflag:s16] =	ssyncset.done $0x0  }
.LBB2_6:
0x8b: {  	s26 =	sshra.s32 s24, $0x2  }
0x8c: {  	[sflag:s16] =	ssyncadd.s32 $0xFFFFC000;
	s24 =	smov.u32 s25;
	s28 =	sadd.s32 $0x400, s25  }
0x8d: {  	[tilespmem:s15], [sflag:$0x1] =	stream.indirect.gather [hbm4b:s11+s18], $0x80, s26, s18, $0xb8;
	[tilespmem:$0x1E840] =	vst v63  }
0x8e: {  	p0 =	sne.s32 s25, $0x4C00;
	s25 =	sadd.s32 $0x80, s26  }
0x8f: {  	[tilespmem:s19], [sflag:$0x2] =	stream.indirect.gather [hbm4b:s11+s18], $0x80, s25, s18, $0xb8;
	[tilespmem:$0x1E840] =	vst v63  }
0x90: {  	_ =	swait.ge [sflag:s20], $0x4000  }
0x91: {  	[sflag:s20] =	ssyncset.done $0x0  }
0x92: {  	s25 =	sadd.s32 $0x1400, s26;
	[sflag:s20] =	ssyncadd.s32 $0xFFFFC000  }
0x93: {  	[spmem:s2] =	stream.indirect.scatter.add.f32 [tilespmem:s15], [sflag:$0x3], $0x80, s25, s18, $0xb8;
	[tilespmem:$0x1E840] =	vst v63  }
0x94: {  	_ =	swait.ge [sflag:s21], $0x4000  }
0x95: {  	[sflag:s21] =	ssyncset.done $0x0  }
0x96: {  	[sflag:s21] =	ssyncadd.s32 $0xFFFFC000  }
0x97: {  	_ =	swait.ge [sflag:s22], $0x4000  }
.Ltmp2:
0x98: {  	[sflag:s22] =	ssyncset.done $0x0;
	(pc) =	sbr.rel @p0 .LBB2_6-.Ltmp2, $4  }
0x99: {  	s25 =	sadd.s32 $0x1480, s26;
	[sflag:s22] =	ssyncadd.s32 $0xFFFFC000  }
0x9a: {  	[spmem:s2] =	stream.indirect.scatter.add.f32 [tilespmem:s19], [sflag:$0x4], $0x80, s25, s18, $0xb8;
	[tilespmem:$0x1E840] =	vst v63  }
0x9b: {  	_ =	swait.ge [sflag:s16], $0x4000  }
0x9c: {  	s25 =	smov.u32 s28;
	[sflag:s16] =	ssyncset.done $0x0  }
0x9d: {  	s24 =	sshra.s32 s24, $0x2;
	[sflag:s16] =	ssyncadd.s32 $0xFFFFC000  }
0x9e: {  	[tilespmem:s15], [sflag:$0x1] =	stream.indirect.gather [hbm4b:s11+s18], $0x80, s24, s18, $0xb8;
	[tilespmem:$0x1E840] =	vst v63  }
0x9f: {  	s25 =	sadd.s32 $0x80, s24  }
0xa0: {  	[tilespmem:s19], [sflag:$0x2] =	stream.indirect.gather [hbm4b:s11+s18], $0x80, s25, s18, $0xb8;
	[tilespmem:$0x1E840] =	vst v63  }
0xa1: {  	_ =	swait.ge [sflag:s20], $0x4000  }
0xa2: {  	[sflag:s20] =	ssyncset.done $0x0  }
0xa3: {  	s29 =	sadd.s32 $0x1400, s24;
	[sflag:s20] =	ssyncadd.s32 $0xFFFFC000  }
0xa4: {  	[spmem:s2] =	stream.indirect.scatter.add.f32 [tilespmem:s15], [sflag:$0x3], $0x80, s29, s18, $0xb8;
	[tilespmem:$0x1E840] =	vst v63  }
0xa5: {  	_ =	swait.ge [sflag:s21], $0x4000  }
0xa6: {  	[sflag:s21] =	ssyncset.done $0x0  }
0xa7: {  	[sflag:s21] =	ssyncadd.s32 $0xFFFFC000  }
0xa8: {  	_ =	swait.ge [sflag:s22], $0x4000  }
0xa9: {  	[sflag:s22] =	ssyncset.done $0x0  }
0xaa: {  	s24 =	sadd.s32 $0x1480, s24;
	[sflag:s22] =	ssyncadd.s32 $0xFFFFC000  }
0xab: {  	[spmem:s2] =	stream.indirect.scatter.add.f32 [tilespmem:s19], [sflag:$0x4], $0x80, s24, s18, $0xb8;
	[tilespmem:$0x1E840] =	vst v63  }
0xac: {  	_ =	swait.ge [sflag:s16], $0x4000  }
0xad: {  	s30 =	sshll.u32 s1, $0x6;
	s3 =	sadd.s32 $0x1, s3;
	[sflag:s16] =	ssyncset.done $0x0  }
0xae: {  	s31 =	sshrl.u32 s4, $0x3;
	p0 =	sne.s32 s3, s14;
	[sflag:s16] =	ssyncadd.s32 $0xFFFFC000  }
.Ltmp3:
0xaf: {  	s24 =	sor.u32 $0x1C04, s30;
	[bflag:$0x0] =	sbarrier.arrive $0xFFFF;
	(pc) =	sbr.rel @p0 .LBB2_1-.Ltmp3, $4  }
0xb0: {  	[hbm:s23], [sflag:s24] =	dma.local [spmem:s31], $0x2800  }
0xb1: {  	_ =	swait.ge [sflag:s16], $0x2800  }
0xb2: {  	[sflag:s16] =	ssyncset.done $0x0  }
0xb3: {  	[sflag:s16] =	ssyncadd.s32 $0xFFFFD800  }
0xb4: {  	_ =	sfence.sel $0x180000  }
0xb5: {  	[bflag:$0x0] =	sbarrier.arrive $0xFFFF  }
0xb6: {  	p0 =	sne.s32 s1, $0x0;
	_ =	strace $0x9000004D  }
0xb7: {  	s0 =	sadd.s32 @!p0 $0x100000, s0;
	[bflag:$0x2] =	sbarrier.arrive $0xFFFF  }
0xb8: {  	[sflag:s0] =	ssyncadd.tile.s32 @!p0 $0x1;
	_ =	shalt  }
.Lfunc_end2:
_tile_overlayer_lowered:
.L_overlay_start_2:
0xb9: {  	(tag) =	ssettag $0x2  }
0xba: {  	s0 =	rddreg [dreg:$0x0];
	s2 =	stileid.u32  }
0xbb: {  	s1 =	rddreg [dreg:$0x1];
	p0 =	sne.s32 s2, $0x0  }
0xbc: {  	s3 =	rddreg [dreg:$0x2];
	[bflag:$0x3] =	sbarrier.arrive $0xFFFF;
	s2 =	simm.s32 @!p0 $0x1C04  }
0xbd: {  	[timem:s3], [sflag:s2] =	dma.local @!p0 [hbm:s0], s1  }
0xbe: {  	s0 =	simm.s32 @!p0 $0x4  }
0xbf: {  	_ =	swait.ge @!p0 [sflag:s0], s1  }
0xc0: {  	s1 =	ssub.s32 @!p0 $0x0, s1;
	[sflag:s0] =	ssyncset.done @!p0 $0x0  }
0xc1: {  	[sflag:s0] =	ssyncadd.s32 @!p0 s1  }
0xc2: {  	[bflag:$0x3] =	sbarrier.arrive $0xFFFF  }
0xc3: {  	_ =	shalt  }

// kernel: kernel.8.cloned.1.call-start
scs
__scs_entry_jumppad:
0x0: {  	(pc) =	sbr.rel $0x88, $3  }
0x1: {  	(tag) =	ssettag $0x0;
	lr =	simm.s32 $0x1  }
0x2: {  	[smem:$0x3F97] =	sst lr;
	_ =	strace $0xD0000000  }
0x3: {  	_ = 	snop  }
0x4: {  	_ = 	snop  }
0x5: {  	_ = 	snop  }
0x6: {  	_ = 	snop  }
0x7: {  	_ = 	snop  }
__scs_overlays_trampoline_lowered:
0x8: {  	[smem:$0x3FA6] =	sst s0  }
0x9: {  	[smem:$0x3FA7] =	sst s1  }
0xa: {  	[smem:$0x3FA8] =	sst s2  }
0xb: {  	[smem:$0x3FA9] =	sst s3  }
0xc: {  	[smem:$0x3FAA] =	sst s4  }
0xd: {  	[smem:$0x3FAB] =	sst s5  }
0xe: {  	[smem:$0x3FAC] =	sst s6  }
0xf: {  	[smem:$0x3FAD] =	sst s7  }
0x10: {  	[smem:$0x3FAE] =	sst s8  }
0x11: {  	[smem:$0x3FAF] =	sst s9;
	s0 =	simm.s32 @!p0 $0x0  }
0x12: {  	s1 =	sld [smem:$0x3F95];
	s0 =	simm.s32 @p0 $0x1  }
0x13: {  	[smem:$0x3FB0] =	sst s0;
	s0 =	simm.s32 @!p1 $0x0  }
0x14: {  	s2 =	sld [smem:$0x3F94];
	s0 =	simm.s32 @p1 $0x1  }
0x15: {  	[smem:$0x3FB1] =	sst s0;
	s0 =	simm.s32 @!p2 $0x0  }
0x16: {  	s3 =	sld [smem:$0x3FDB];
	s0 =	simm.s32 @p2 $0x1  }
0x17: {  	s4 =	simm.s32 $0x1BF5;
	[smem:$0x3FB3] =	sst s0  }
0x18: {  	s0 =	sld [smem:$0x3F96];
	_ =	swait.ge [sflag:s4], $0x0  }
0x19: {  	s7 =	sld [smem:$0x3F97]  }
0x1a: {  	s8 =	sadd.s32 $0xFFFFE003, lr  }
0x1b: {  	s9 =	sadd.s32 $0xFFFFFEF7, lr;
	s5 =	simm.s32 $0xFFFFFFFF;
	p2 =	slt.u32 s8, $0xFFFFF086  }
0x1c: {  	p1 =	slt.u32 s9, $0xF7A;
	s5 =	simm.s32 @!p2 $0x0  }
0x1d: {  	s5 =	simm.s32 @p1 $0x1;
	p0 =	seq.s32 s7, s2  }
0x1e: {  	s7 =	smul.u32 @!p0 $0xF7A, s2;
	p2 =	seq.s32 @!p0 s5, $0x0  }
0x1f: {  	s9 =	smul.u32 $0xF7A, s1;
	s8 =	simm.s32 @!p0 $0x1BF5;
	p2 =	por !p2, p0  }
0x20: {  	[sflag:s8] =	ssyncset.s32 @!p0 $0xFFFFF086;
	s6 =	sadd.s32 @!p0 s3, s7;
	s7 =	simm.s32 @!p0 $0x108  }
0x21: {  	s3 =	sadd.s32 s3, s9;
	s6 =	sadd.s32 @!p0 $0x88, s6;
	s7 =	simm.s32 @p2 $0x1082  }
0x22: {  	[simem:s7], [sflag:s8] =	dma.local @!p0 [hbm:s6], $0xF7A  }
0x23: {  	s9 =	sor.u32 $0xD0000000, s2;
	s6 =	simm.s32 $0x108;
	_ =	swait.ge @!p0 [sflag:s8], $0x0  }
0x24: {  	s3 =	sadd.s32 $0x88, s3;
	s6 =	simm.s32 @!p1 $0x1082;
	[sflag:s4] =	ssyncset.s32 $0xFFFFF086  }
0x25: {  	[simem:s6], [sflag:s4] =	dma.local [hbm:s3], $0xF7A  }
0x26: {  	[smem:$0x3F97] =	sst s1;
	(tag) =	ssettag s2;
	_ =	strace s9  }
0x27: {  	s1 =	sld [smem:$0x3FA7]  }
0x28: {  	s2 =	sld [smem:$0x3FA8]  }
0x29: {  	s4 =	sld [smem:$0x3FAA]  }
0x2a: {  	p0 =	seq.s32 s5, $0x0;
	s5 =	sld [smem:$0x3FAB]  }
0x2b: {  	s6 =	sld [smem:$0x3FAC]  }
0x2c: {  	s7 =	sld [smem:$0x3FAD]  }
0x2d: {  	s3 =	simm.s32 $0x108;
	s8 =	sld [smem:$0x3FAE]  }
0x2e: {  	s3 =	simm.s32 @!p0 $0x1082;
	s9 =	sld [smem:$0x3FAF]  }
0x2f: {  	lr =	sadd.s32 s0, s3;
	s0 =	sld [smem:$0x3FA6]  }
0x30: {  	s3 =	sld [smem:$0x3FA9]  }
0x31: {  	[smem:$0x3FB2] =	sst s10  }
0x32: {  	s10 =	sld [smem:$0x3FB0];
	_ =	sdelay $0x3  }
0x33: {  	p0 =	seq.s32 s10, $0x1;
	s10 =	sld [smem:$0x3FB2];
	_ =	sdelay $0x3  }
0x34: {  	[smem:$0x3FB2] =	sst s10  }
0x35: {  	s10 =	sld [smem:$0x3FB1];
	_ =	sdelay $0x3  }
0x36: {  	p1 =	seq.s32 s10, $0x1;
	s10 =	sld [smem:$0x3FB2];
	_ =	sdelay $0x3  }
0x37: {  	[smem:$0x3FB2] =	sst s10  }
0x38: {  	s10 =	sld [smem:$0x3FB3]  }
0x39: {  	_ = 	snop;
	(pc) =	sbr.ind lr, $3  }
0x3a: {  	_ = 	snop  }
0x3b: {  	_ = 	snop  }
0x3c: {  	p2 =	seq.s32 s10, $0x1;
	s10 =	sld [smem:$0x3FB2]  }
0x3d: {  	_ =	shalt  }
0x3e: {  	_ =	shalt  }
0x3f: {  	_ =	shalt  }
0x40: {  	_ =	shalt  }
0x41: {  	_ =	shalt  }
0x42: {  	_ =	shalt  }
0x43: {  	_ =	shalt  }
0x44: {  	_ =	shalt  }
0x45: {  	_ =	shalt  }
0x46: {  	_ =	shalt  }
0x47: {  	_ =	shalt  }
0x48: {  	_ =	shalt  }
0x49: {  	_ =	shalt  }
0x4a: {  	_ =	shalt  }
0x4b: {  	_ =	shalt  }
0x4c: {  	_ =	shalt  }
0x4d: {  	_ =	shalt  }
0x4e: {  	_ =	shalt  }
0x4f: {  	_ =	shalt  }
0x50: {  	_ =	shalt  }
0x51: {  	_ =	shalt  }
0x52: {  	_ =	shalt  }
0x53: {  	_ =	shalt  }
0x54: {  	_ =	shalt  }
0x55: {  	_ =	shalt  }
0x56: {  	_ =	shalt  }
0x57: {  	_ =	shalt  }
0x58: {  	_ =	shalt  }
0x59: {  	_ =	shalt  }
0x5a: {  	_ =	shalt  }
0x5b: {  	_ =	shalt  }
0x5c: {  	_ =	shalt  }
0x5d: {  	_ =	shalt  }
0x5e: {  	_ =	shalt  }
0x5f: {  	_ =	shalt  }
0x60: {  	_ =	shalt  }
0x61: {  	_ =	shalt  }
0x62: {  	_ =	shalt  }
0x63: {  	_ =	shalt  }
0x64: {  	_ =	shalt  }
0x65: {  	_ =	shalt  }
0x66: {  	_ =	shalt  }
0x67: {  	_ =	shalt  }
0x68: {  	_ =	shalt  }
0x69: {  	_ =	shalt  }
0x6a: {  	_ =	shalt  }
0x6b: {  	_ =	shalt  }
0x6c: {  	_ =	shalt  }
0x6d: {  	_ =	shalt  }
0x6e: {  	_ =	shalt  }
0x6f: {  	_ =	shalt  }
0x70: {  	_ =	shalt  }
0x71: {  	_ =	shalt  }
0x72: {  	_ =	shalt  }
0x73: {  	_ =	shalt  }
0x74: {  	_ =	shalt  }
0x75: {  	_ =	shalt  }
0x76: {  	_ =	shalt  }
0x77: {  	_ =	shalt  }
0x78: {  	_ =	shalt  }
0x79: {  	_ =	shalt  }
0x7a: {  	_ =	shalt  }
0x7b: {  	_ =	shalt  }
0x7c: {  	_ =	shalt  }
0x7d: {  	_ =	shalt  }
0x7e: {  	_ =	shalt  }
0x7f: {  	_ =	shalt  }
0x80: {  	_ =	shalt  }
0x81: {  	_ =	shalt  }
0x82: {  	_ =	shalt  }
0x83: {  	_ =	shalt  }
0x84: {  	_ =	shalt  }
0x85: {  	_ =	shalt  }
0x86: {  	_ =	shalt  }
0x87: {  	_ =	shalt  }
.Lfunc_end0:
.L_simem_size_0:
called_computation_lowered:
.L_overlay_start_0:
0x88: {  	s2 =	sld [smem:$0x3FD9]  }
0x89: {  	s3 =	sld [smem:$0x3FFE];
	_ =	sdelay $0x1  }
0x8a: {  	s1 =	srdreg.scid  }
0x8b: {  	s0 =	sand.u32 $0x1, s1  }
0x8c: {  	s16 =	sshll.u32 s0, $0xA;
	s2 =	sadd.s32 s3, s2  }
0x8d: {  	s2 =	sadd.s32 s2, s16  }
0x8e: {  	[smem:$0x3FBE] =	sst s2  }
0x8f: {  	_ = 	snop  }
0x90: {  	(tm) =	ssettm $0x1  }
0x91: {  	s17 =	sld [smem:$0x3FFB];
	_ =	sdelay $0x3  }
0x92: {  	_ =	strace s17  }
0x93: {  	s2 =	sld [smem:$0x3FFC];
	_ =	sdelay $0x3  }
0x94: {  	_ =	strace s2  }
0x95: {  	s2 =	sld [smem:$0x3FFD];
	_ =	sdelay $0x3  }
0x96: {  	_ =	strace s2  }
0x97: {  	_ =	strace $0x8FFFFFFF  }
0x98: {  	s18 =	sld [smem:$0x3FDB];
	_ =	sdelay $0x1  }
0x99: {  	s19 =	simm.s32 $_scs_section_size  }
0x9a: {  	s4 =	simm.s32 $_size__tile_overlayer_lowered;
	s5 =	simm.s32 $_tile_overlayer_lowered  }
0x9b: {  	s22 =	simm.s32 $0x1BFF;
	s21 =	sshll.u32 s5, $0x1;
	s2 =	sadd.s32 s19, s18  }
0x9c: {  	s6 =	simm.s32 $0x0;
	s20 =	sshll.u32 s4, $0x1;
	s4 =	sadd.s32 s21, s2  }
0x9d: {  	[timem:s6], [sflag:s22] =	dma.local [hbm:s4], s20  }
0x9e: {  	_ =	swait.ge [sflag:s22], s20  }
0x9f: {  	s3 =	ssub.s32 $0x0, s20;
	[sflag:s22] =	ssyncset.done $0x0  }
0xa0: {  	[sflag:s22] =	ssyncadd.s32 s3;
	_ =	sdelay $0x1  }
0xa1: {  	s23 =	simm.s32 $0x1B8B  }
0xa2: {  	_ =	swait.ge [sflag:s23], $0x1  }
0xa3: {  	[sflag:s23] =	ssyncset.done $0x0  }
0xa4: {  	s25 =	simm.s32 $0x1B8E;
	s24 =	sld [smem:$0x3FFE];
	[sflag:s23] =	ssyncadd.s32 $0xFFFFFFFF  }
0xa5: {  	s26 =	simm.s32 $execute0_lowered;
	[smem:$0x3FD2] =	sst s25  }
0xa6: {  	s4 =	sshll.u32 s26, $0x1;
	_ =	strace $0x80000046;
	[dreg:$0x1] =	wrdreg $0xFFFFFFFF  }
0xa7: {  	s28 =	simm.s32 $_size_execute0_lowered;
	s2 =	sadd.s32 s2, s4;
	[dreg:$0x0] =	wrdreg $0x0  }
0xa8: {  	s4 =	sshll.u32 s28, $0x1;
	[dreg:$0x2] =	wrdreg s2  }
0xa9: {  	[dreg:$0x3] =	wrdreg s4  }
0xaa: {  	[dreg:$0x4] =	wrdreg $0xC0  }
0xab: {  	_ =	task [dreg:s6], $0x5FFFF  }
0xac: {  	[dreg:$0x1] =	wrdreg $0xFFFFFFFF  }
0xad: {  	[dreg:$0x0] =	wrdreg $0x60  }
0xae: {  	[dreg:$0x2] =	wrdreg s24  }
0xaf: {  	[dreg:$0x3] =	wrdreg $0x2D800  }
0xb0: {  	[dreg:$0x4] =	wrdreg $0x9  }
0xb1: {  	_ =	task.clear_ibuf [dreg:s6], $0x5FFFF;
	_ =	strace $0x90000046  }
0xb2: {  	s29 =	simm.s32 $0x9;
	_ =	strace $0x80000048  }
0xb3: {  	_ =	swait.ge [sflag:s29], $0x1  }
0xb4: {  	[sflag:s29] =	ssyncadd.s32 $0xFFFFFFFF  }
0xb5: {  	_ =	strace $0x90000048  }
0xb6: {  	_ =	sfence  }
0xb7: {  	s30 =	sld [smem:$0x0];
	_ =	sdelay $0x2  }
0xb8: {  	s31 =	sshll.u32 s1, $0xD;
	s1 =	sshrl.u32 s1, $0x2  }
0xb9: {  	s3 =	sand.u32 $0x4000, s31;
	s1 =	sadd.s32 s1, s30  }
0xba: {  	s0 =	sor.u32 s3, s0;
	s1 =	sshll.u32 s1, $0x11  }
0xbb: {  	s0 =	sor.u32 s1, s0  }
0xbc: {  	s0 =	sadd.s32 $0x8F2B, s0  }
0xbd: {  	[sflag:s0] =	ssyncadd.remote.s32 $0x1  }
0xbe: {  	_ =	sfence.sel $0xFFFF  }
0xbf: {  	[dreg:$0x0] =	wrdreg $0xFFFFFFFF;
	(pc) =	sbr.abs _section_cstart, $3  }
0xc0: {  	[dreg:$0x1] =	wrdreg $0xFFFFFFFF  }
0xc1: {  	_ =	task.clear_ibuf [dreg:s6], $0x2FFFF;
	_ =	strace $0x9FFFFFFF  }
0xc2: {  	(tm) =	ssettm $0x7FFFFFFF  }
0xc3: {  	_ =	shalt  }
tec
execute0_lowered:
.L_overlay_start_1:
0x0: {  	(tag) =	ssettag $0x1  }
0x1: {  	s4 =	rddreg [dreg:$0x0];
	s0 =	srdreg.scid  }
0x2: {  	s2 =	rddreg [dreg:$0x1];
	s1 =	stileid.u32  }
0x3: {  	s3 =	simm.s32 $0x0;
	s10 =	simm.s32 $0x80;
	s11 =	simm.s32 $0x2800  }
0x4: {  	s12 =	simm.s32 $0x2B00;
	s13 =	simm.s32 $0x100;
	s14 =	simm.s32 $0x0  }
0x5: {  	s5 =	sand.u32 $0x1, s0;
	s0 =	rddreg [dreg:$0x2];
	s7 =	smul.u32 $0x500, s1  }
0x6: {  	[smem:$0x7FF] =	sst s3;
	s30 =	smul.u32 $0xA00, s1;
	s6 =	sshll.u32 s5, $0x4  }
0x7: {  	s8 =	sshll.u32 s5, $0x7;
	_ =	strace $0x80000047;
	s6 =	sor.u32 s1, s6  }
0x8: {  	s5 =	ssub.s32 $0x2, s5;
	s7 =	sor.u32 s8, s7;
	s6 =	smul.u32 $0x500, s6  }
0x9: {  	s31 =	sshrl.u32 s5, $0x1;
	s8 =	sshrl.u32 s30, $0x2;
	s7 =	sshrl.u32 s7, $0x3  }
0xa: {  	s9 =	ssub.s32 s5, s31;
	s7 =	sadd.s32 s7, s4;
	s6 =	sadd.s32 s6, s4  }
0xb: {  	s4 =	sadd.s32 s8, s2;
	s8 =	simm.s32 $0x2880;
	s5 =	sadd.s32 $0x2600, s6  }
0xc: {  	v0 =	vimm.f32 $1.000000000e+00;
	v1 =	vimm.f32 $0.0e+00;
	s6 =	sadd.s32 $0xC600, s7;
	s7 =	smax.u32 s9, $0x1;
	s9 =	simm.s32 $0x1  }
.LBB2_1:
0xd: {  	[tilespmem:$0x2800] =	vst v0  }
0xe: {  	[tilespmem:$0x2810] =	vst v0  }
0xf: {  	[tilespmem:$0x2820] =	vst v0  }
0x10: {  	[tilespmem:$0x2830] =	vst v0  }
0x11: {  	[tilespmem:$0x2840] =	vst v0  }
0x12: {  	[tilespmem:$0x2850] =	vst v0  }
0x13: {  	[tilespmem:$0x2860] =	vst v0  }
0x14: {  	[tilespmem:$0x2870] =	vst v0  }
0x15: {  	[tilespmem:$0x2880] =	vst v1  }
0x16: {  	[tilespmem:$0x2890] =	vst v1  }
0x17: {  	[tilespmem:$0x28A0] =	vst v1  }
0x18: {  	[tilespmem:$0x28B0] =	vst v1  }
0x19: {  	[tilespmem:$0x28C0] =	vst v1  }
0x1a: {  	[tilespmem:$0x28D0] =	vst v1  }
0x1b: {  	[tilespmem:$0x28E0] =	vst v1  }
0x1c: {  	[tilespmem:$0x28F0] =	vst v1  }
0x1d: {  	[tilespmem:$0x2900] =	vst v1  }
0x1e: {  	[tilespmem:$0x2910] =	vst v1  }
0x1f: {  	[tilespmem:$0x2920] =	vst v1  }
0x20: {  	[tilespmem:$0x2930] =	vst v1  }
0x21: {  	[tilespmem:$0x2940] =	vst v1  }
0x22: {  	[tilespmem:$0x2950] =	vst v1  }
0x23: {  	[tilespmem:$0x2960] =	vst v1  }
0x24: {  	[tilespmem:$0x2970] =	vst v1  }
0x25: {  	[tilespmem:$0x2980] =	vst v1  }
0x26: {  	[tilespmem:$0x2990] =	vst v1  }
0x27: {  	[tilespmem:$0x29A0] =	vst v1  }
0x28: {  	[tilespmem:$0x29B0] =	vst v1  }
0x29: {  	[tilespmem:$0x29C0] =	vst v1  }
0x2a: {  	[tilespmem:$0x29D0] =	vst v1  }
0x2b: {  	[tilespmem:$0x29E0] =	vst v1  }
0x2c: {  	[tilespmem:$0x29F0] =	vst v1  }
0x2d: {  	[tilespmem:$0x2A00] =	vst v1  }
0x2e: {  	[tilespmem:$0x2A10] =	vst v1  }
0x2f: {  	[tilespmem:$0x2A20] =	vst v1  }
0x30: {  	[tilespmem:$0x2A30] =	vst v1  }
0x31: {  	[tilespmem:$0x2A40] =	vst v1  }
0x32: {  	[tilespmem:$0x2A50] =	vst v1  }
0x33: {  	[tilespmem:$0x2A60] =	vst v1  }
0x34: {  	[tilespmem:$0x2A70] =	vst v1  }
0x35: {  	[tilespmem:$0x2A80] =	vst v1  }
0x36: {  	[tilespmem:$0x2A90] =	vst v1  }
0x37: {  	[tilespmem:$0x2AA0] =	vst v1  }
0x38: {  	[tilespmem:$0x2AB0] =	vst v1  }
0x39: {  	[tilespmem:$0x2AC0] =	vst v1  }
0x3a: {  	[tilespmem:$0x2AD0] =	vst v1  }
0x3b: {  	[tilespmem:$0x2AE0] =	vst v1  }
0x3c: {  	[tilespmem:$0x2AF0] =	vst v1  }
0x3d: {  	[spmem:s4] =	stream.linear.scatter [tilespmem:s8], [sflag:$0x1], $0x280, $0x38;
	[tilespmem:$0x3000] =	vst v63  }
0x3e: {  	_ =	swait.ge [sflag:s9], $0x280  }
0x3f: {  	[sflag:s9] =	ssyncset.done $0x0  }
0x40: {  	[sflag:s9] =	ssyncadd.s32 $0xFFFFFD80  }
0x41: {  	[bflag:$0x0] =	sbarrier.arrive $0xFFFF  }
0x42: {  	[tilespmem:s3], [sflag:$0x1] =	stream.linear.gather [hbm4b:s5+s3], $0x2800, $0x38;
	[tilespmem:$0x3000] =	vst v63  }
0x43: {  	_ =	swait.ge [sflag:s9], $0x2800  }
0x44: {  	[sflag:s9] =	ssyncset.done $0x0  }
0x45: {  	s15 =	simm.s32 $0x0;
	[sflag:s9] =	ssyncadd.s32 $0xFFFFD800  }
0x46: {  	[spmem:s2] =	stream.indirect.scatter.add.f32 [tilespmem:s11], [sflag:$0x1], $0x1, s15, s10, $0xb8;
	[tilespmem:$0x3000] =	vst v63  }
0x47: {  	_ =	swait.ge [sflag:s9], $0x80  }
0x48: {  	s15 =	simm.s32 $0x200;
	[sflag:s9] =	ssyncset.done $0x0  }
.LBB2_2:
0x49: {  	s16 =	sshra.s32 s15, $0x2;
	[sflag:s9] =	ssyncadd.s32 $0xFFFFFF80;
	p0 =	sne.s32 s15, $0x9E00  }
0x4a: {  	[spmem:s2] =	stream.indirect.scatter.add.f32 [tilespmem:s11], [sflag:$0x1], $0x1, s16, s10, $0xb8;
	[tilespmem:$0x3000] =	vst v63  }
.Ltmp0:
0x4b: {  	_ = 	snop;
	(pc) =	sbr.rel @p0 .LBB2_2-.Ltmp0, $4  }
0x4c: {  	_ = 	snop  }
0x4d: {  	s15 =	sadd.s32 $0x200, s15  }
0x4e: {  	_ =	swait.ge [sflag:s9], $0x80  }
0x4f: {  	[sflag:s9] =	ssyncset.done $0x0  }
0x50: {  	[sflag:s9] =	ssyncadd.s32 $0xFFFFFF80  }
0x51: {  	[bflag:$0x0] =	sbarrier.arrive $0xFFFF  }
0x52: {  	[tilespmem:s12], [sflag:$0x1] =	stream.linear.gather [spmem:s4], $0x280, $0x38;
	[tilespmem:$0x3000] =	vst v63  }
0x53: {  	s14 =	sadd.s32 $0x1, s14;
	_ =	swait.ge [sflag:s9], $0x280  }
0x54: {  	p0 =	sne.s32 s14, s7;
	[sflag:s9] =	ssyncset.done $0x0  }
.Ltmp1:
0x55: {  	[sflag:s9] =	ssyncadd.s32 $0xFFFFFD80;
	(pc) =	sbr.rel @p0 .LBB2_1-.Ltmp1, $4  }
0x56: {  	[hbm4b:s6+s10] =	stream.strided.scatter [tilespmem:s12], [sflag:$0x1], $0x280, s13, s10, $0x38;
	[tilespmem:$0x3000] =	vst v63  }
0x57: {  	_ =	swait.ge [sflag:s9], $0x280  }
0x58: {  	[sflag:s9] =	ssyncset.done $0x0  }
0x59: {  	[sflag:s9] =	ssyncadd.s32 $0xFFFFFD80  }
0x5a: {  	_ =	sfence.sel $0x180000  }
0x5b: {  	[bflag:$0x0] =	sbarrier.arrive $0xFFFF  }
0x5c: {  	p0 =	sne.s32 s1, $0x0;
	_ =	strace $0x90000047  }
0x5d: {  	s0 =	sadd.s32 @!p0 $0x100000, s0;
	[bflag:$0x2] =	sbarrier.arrive $0xFFFF  }
0x5e: {  	[sflag:s0] =	ssyncadd.tile.s32 @!p0 $0x1;
	_ =	shalt  }
.Lfunc_end2:
_tile_overlayer_lowered:
.L_overlay_start_2:
0x5f: {  	(tag) =	ssettag $0x2  }
0x60: {  	s0 =	rddreg [dreg:$0x0];
	s2 =	stileid.u32  }
0x61: {  	s1 =	rddreg [dreg:$0x1];
	p0 =	sne.s32 s2, $0x0  }
0x62: {  	s3 =	rddreg [dreg:$0x2];
	[bflag:$0x3] =	sbarrier.arrive $0xFFFF;
	s2 =	simm.s32 @!p0 $0x1C01  }
0x63: {  	[timem:s3], [sflag:s2] =	dma.local @!p0 [hbm:s0], s1  }
0x64: {  	s0 =	simm.s32 @!p0 $0x1  }
0x65: {  	_ =	swait.ge @!p0 [sflag:s0], s1  }
0x66: {  	s1 =	ssub.s32 @!p0 $0x0, s1;
	[sflag:s0] =	ssyncset.done @!p0 $0x0  }
0x67: {  	[sflag:s0] =	ssyncadd.s32 @!p0 s1  }
0x68: {  	[bflag:$0x3] =	sbarrier.arrive $0xFFFF  }
0x69: {  	_ =	shalt  }

</sc_bundles>
